<compile_context>
chip_gen: v7x
topology: tpu7x:2x2x1
jax: 0.10.2.dev20260603
libtpu: 0.0.44.dev20260713+nightly
codegen_flags: <defaults>
</compile_context>

<pallas_src>
import functools

import jax
import jax.numpy as jnp
from jax import lax
from jax.experimental import pallas as pl
from jax.experimental.pallas import tpu as pltpu
from jax.experimental.pallas import tpu_sc as plsc

NC, NS = 2, 16
NW = NC * NS
NBUF = 2


def _sc_gather_body(b1w, b2w, ch, table_hbm, idxn_hbm, idxu_hbm,
                    outn_hbm, outu_hbm, idx_all, idx2_v, rows2_v, nsem,
                    *bufs_and_sems):
    bufs = bufs_and_sems[:NBUF]
    gsems = bufs_and_sems[NBUF:2 * NBUF]
    wsems = bufs_and_sems[2 * NBUF:3 * NBUF]
    wid = lax.axis_index("s") * NC + lax.axis_index("c")
    base = wid * b1w
    nchunks = b1w // ch

    pltpu.sync_copy(idxn_hbm.at[pl.ds(base, b1w)], idx_all)
    base2 = wid * b2w

    def start_gather(c, b):
        pltpu.async_copy(table_hbm.at[idx_all.at[pl.ds(c * ch, ch)]],
                         bufs[b], gsems[b])

    def wait_gather(b):
        pltpu.make_async_copy(table_hbm.at[idx_all.at[pl.ds(0, ch)]],
                              bufs[b], gsems[b]).wait()

    def start_write(c, b):
        pltpu.async_copy(bufs[b], outn_hbm.at[pl.ds(base + c * ch, ch)],
                         wsems[b])

    def wait_write(b):
        pltpu.make_async_copy(bufs[b], outn_hbm.at[pl.ds(base, ch)],
                              wsems[b]).wait()

    for b in range(NBUF):
        start_gather(b, b)

    pltpu.sync_copy(idxu_hbm.at[pl.ds(base2, b2w)], idx2_v)
    pltpu.async_copy(table_hbm.at[idx2_v], rows2_v, nsem)

    def step(i, carry):
        for b in range(NBUF):
            c = i * NBUF + b
            wait_gather(b)
            start_write(c, b)
            wait_write(b)
            start_gather(c + NBUF, b)
        return carry

    t = nchunks - NBUF
    lax.fori_loop(0, t // NBUF, step, 0)
    for c in range(t - t % NBUF, t):
        b = c % NBUF
        wait_gather(b)
        start_write(c, b)
        wait_write(b)
        start_gather(c + NBUF, b)
    for c in range(t, nchunks):
        b = c % NBUF
        wait_gather(b)
        start_write(c, b)
    for b in range(NBUF):
        wait_write(b)

    pltpu.make_async_copy(table_hbm.at[idx2_v], rows2_v, nsem).wait()
    pltpu.sync_copy(rows2_v, outu_hbm.at[pl.ds(base2, b2w)])


def _sc_gather(table, idx_neigh, idx_node, ch):
    b1, b2 = idx_neigh.shape[0], idx_node.shape[0]
    dw = table.shape[1]
    b1w, b2w = b1 // NW, b2 // NW
    mesh = plsc.VectorSubcoreMesh(core_axis_name="c", subcore_axis_name="s")
    k = pl.kernel(
        functools.partial(_sc_gather_body, b1w, b2w, ch),
        out_type=(jax.ShapeDtypeStruct((b1, dw), table.dtype),
                  jax.ShapeDtypeStruct((b2, dw), table.dtype)),
        mesh=mesh,
        scratch_types=[
            pltpu.VMEM((b1w,), jnp.int32),
            pltpu.VMEM((b2w,), jnp.int32),
            pltpu.VMEM((b2w, dw), table.dtype),
            pltpu.SemaphoreType.DMA,
        ] + [pltpu.VMEM((ch, dw), table.dtype)] * NBUF
          + [pltpu.SemaphoreType.DMA] * (2 * NBUF),
    )
    return k(table, idx_neigh, idx_node)


def _tc_body(nb, deg, d, neigh_ref, node_ref, w1a_ref, w1b_ref, w2_ref,
             b1_ref, b2_ref, w3rep_ref, out_ref, s_scr):
    neigh = neigh_ref[...]
    node = node_ref[...]
    nodep = jnp.dot(node, w1b_ref[...],
                    preferred_element_type=jnp.float32) + b1_ref[...]
    h = jnp.dot(neigh, w1a_ref[...], preferred_element_type=jnp.float32)
    h = h.reshape(nb, deg, d) + nodep[:, None, :]
    h = jnp.maximum(h, 0.0).reshape(nb * deg, d)
    h = jnp.dot(h, w2_ref[...], preferred_element_type=jnp.float32) + b2_ref[...]
    h = jnp.maximum(h, 0.0)
    smat = jnp.dot(h, w3rep_ref[...], preferred_element_type=jnp.float32)
    s_scr[...] = smat.reshape(nb, deg, d)[:, :, 0]
    sc = s_scr[...]
    m = jnp.max(sc, axis=1, keepdims=True)
    e = jnp.exp(sc - m)
    att = e / jnp.sum(e, axis=1, keepdims=True)
    out_ref[...] = jnp.sum(att[:, :, None] * neigh.reshape(nb, deg, d), axis=1)


def _tc_attention(neigh_rows, node_rows, n_out, w1a, w1b, w2, b1r, b2r,
                  w3rep, nb):
    d = neigh_rows.shape[1]
    deg = neigh_rows.shape[0] // n_out
    grid = n_out // nb
    return pl.pallas_call(
        functools.partial(_tc_body, nb, deg, d),
        grid=(grid,),
        in_specs=[
            pl.BlockSpec((nb * deg, d), lambda i: (i, 0)),
            pl.BlockSpec((nb, d), lambda i: (i, 0)),
            pl.BlockSpec((d, d), lambda i: (0, 0)),
            pl.BlockSpec((d, d), lambda i: (0, 0)),
            pl.BlockSpec((d, d), lambda i: (0, 0)),
            pl.BlockSpec((1, d), lambda i: (0, 0)),
            pl.BlockSpec((1, d), lambda i: (0, 0)),
            pl.BlockSpec((d, d), lambda i: (0, 0)),
        ],
        out_specs=pl.BlockSpec((nb, d), lambda i: (i, 0)),
        out_shape=jax.ShapeDtypeStruct((n_out, d), jnp.float32),
        scratch_shapes=[pltpu.VMEM((nb, deg), jnp.float32)],
        compiler_params=pltpu.CompilerParams(
            dimension_semantics=("arbitrary",)),
    )(neigh_rows, node_rows, w1a, w1b, w2, b1r, b2r, w3rep)


def kernel(video_nodes, video_neighs_list, video_neighs_weights_list,
           video_embeddings, W1, b1, W2, b2, w3, b3):
    n, deg = video_neighs_list.shape
    v, d = video_embeddings.shape

    table_pk = video_embeddings

    w1a, w1b = W1[:d], W1[d:]
    w3rep = jnp.tile(w3, (1, d))
    b1r, b2r = b1.reshape(1, d), b2.reshape(1, d)

    nseg = 5
    seg = n // nseg
    align = 8 * NW
    seg_pad = ((seg + align - 1) // align) * align

    gathered = []
    prev = None
    for s in range(nseg):
        idx_neigh = video_neighs_list[s * seg:(s + 1) * seg].reshape(-1)
        idx_node = jnp.concatenate(
            [video_nodes[s * seg:(s + 1) * seg],
             jnp.zeros((seg_pad - seg,), jnp.int32)])
        if prev is not None:
            idx_neigh, _ = lax.optimization_barrier((idx_neigh, prev))
        neigh_rows, node_rows = _sc_gather(table_pk, idx_neigh,
                                           idx_node, ch=400)
        gathered.append((neigh_rows, node_rows))
        prev = neigh_rows

    outs = []
    for s in range(nseg):
        neigh_rows, node_rows = gathered[s]
        outs.append(_tc_attention(neigh_rows, node_rows, seg, w1a, w1b, W2,
                                  b1r, b2r, w3rep, nb=200))
    res = outs[0] if nseg == 1 else jnp.concatenate(outs, axis=0)
    keep = tuple(g for pair in gathered for g in pair)
    res = lax.optimization_barrier((res,) + keep)[0]
    return res

# --- scband reference (transcript-rebuilt; emitter-appended) ---
"""Pipeline reference for scband-social-aggregator-70514773066431 (READ-ONLY COPY).

The authoritative reference and input builder live on the scoring server;
editing this copy changes nothing except your own understanding.
"""

import jax, jax.numpy as jnp
import numpy as np

NUM_VIDEOS = 100000
EMB_DIM = 128
N_NODES = 10000
DEG = 32


def setup_inputs(seed: int = 0) -> dict:
    key = jax.random.key(seed)
    ks = jax.random.split(key, 10)
    inp = {}
    inp["video_nodes"] = jax.random.randint(ks[0], (N_NODES,), 0, NUM_VIDEOS, dtype=jnp.int32)
    inp["video_neighs_list"] = jax.random.randint(ks[1], (N_NODES, DEG), 0, NUM_VIDEOS, dtype=jnp.int32)
    inp["video_neighs_weights_list"] = jax.random.uniform(ks[2], (N_NODES, DEG), dtype=jnp.float32)
    # learned parameters
    inp["video_embeddings"] = jax.random.normal(ks[3], (NUM_VIDEOS, EMB_DIM), dtype=jnp.float32) * 0.1
    # GraphRec-style Attention(emb_dim, emb_dim): att1: Linear(2d->d), att2: Linear(d->d), att3: Linear(d->1)
    inp["W1"] = jax.random.normal(ks[4], (2 * EMB_DIM, EMB_DIM), dtype=jnp.float32) * (1.0 / np.sqrt(2 * EMB_DIM))
    inp["b1"] = jnp.zeros((EMB_DIM,), dtype=jnp.float32)
    inp["W2"] = jax.random.normal(ks[5], (EMB_DIM, EMB_DIM), dtype=jnp.float32) * (1.0 / np.sqrt(EMB_DIM))
    inp["b2"] = jnp.zeros((EMB_DIM,), dtype=jnp.float32)
    inp["w3"] = jax.random.normal(ks[6], (EMB_DIM, 1), dtype=jnp.float32) * (1.0 / np.sqrt(EMB_DIM))
    inp["b3"] = jnp.zeros((1,), dtype=jnp.float32)
    return inp


def reference(video_nodes, video_neighs_list, video_neighs_weights_list, video_embeddings, W1, b1, W2, b2, w3, b3):
    # Vectorized form of the per-node python loop (fixed degree DEG per node).
    neigh_emb = jnp.take(video_embeddings, video_neighs_list, axis=0)  # [N, DEG, D]
    node_emb = jnp.take(video_embeddings, video_nodes, axis=0)         # [N, D]
    node_rep = jnp.broadcast_to(node_emb[:, None, :], neigh_emb.shape)  # u_rep.repeat(num_neighs,1)
    x = jnp.concatenate([neigh_emb, node_rep], axis=-1)                # [N, DEG, 2D]
    h = jax.nn.relu(x @ W1 + b1)
    h = jax.nn.relu(h @ W2 + b2)
    scores = h @ w3 + b3                                               # [N, DEG, 1]
    att = jax.nn.softmax(scores, axis=1)                               # softmax over neighbors (dim=0 per node)
    # torch.matmul(neigh_emb.t(), att_w).t() == weighted sum over neighbors
    out = jnp.sum(att * neigh_emb, axis=1)                             # [N, D]
    return out

if __name__ == "__main__":
    import jax
    _d = setup_inputs()
    print(jax.jit(kernel)(*tuple(_d.values())))

</pallas_src>

<mosaic_0001>
#map = affine_map<(d0, d1) -> (0, 0)>
#map1 = affine_map<(d0, d1) -> (0)>
module attributes {stable_mosaic.version = 14 : i64} {
  func.func @_sc_gather_body(%arg0: i32, %arg1: i32, %arg2: memref<100000x128xf32, #tpu.memory_space<hbm>>, %arg3: memref<64000xi32, #tpu.memory_space<hbm>>, %arg4: memref<2048xi32, #tpu.memory_space<hbm>>, %arg5: memref<64000x128xf32, #tpu.memory_space<hbm>>, %arg6: memref<2048x128xf32, #tpu.memory_space<hbm>>, %arg7: memref<2000xi32, #tpu.memory_space<vmem>>, %arg8: memref<64xi32, #tpu.memory_space<vmem>>, %arg9: memref<64x128xf32, #tpu.memory_space<vmem>>, %arg10: memref<!tpu.dma_semaphore, #tpu.memory_space<semaphore_mem>>, %arg11: memref<400x128xf32, #tpu.memory_space<vmem>>, %arg12: memref<400x128xf32, #tpu.memory_space<vmem>>, %arg13: memref<!tpu.dma_semaphore, #tpu.memory_space<semaphore_mem>>, %arg14: memref<!tpu.dma_semaphore, #tpu.memory_space<semaphore_mem>>, %arg15: memref<!tpu.dma_semaphore, #tpu.memory_space<semaphore_mem>>, %arg16: memref<!tpu.dma_semaphore, #tpu.memory_space<semaphore_mem>>) attributes {dimension_semantics = [#tpu.dimension_semantics<core_parallel>, #tpu.dimension_semantics<subcore_parallel>], iteration_bounds = array<i64: 2, 16>, scalar_prefetch = 0 : i64, scratch_operands = 10 : i64, tpu.core_type = #tpu.core_type<sc_vector_subcore>, window_params = [{transform_indices = #map}, {transform_indices = #map1}, {transform_indices = #map1}, {transform_indices = #map}, {transform_indices = #map}]} {
    %mul3A = arith.constant 2 : i32
    %mul3A_0 = arith.muli %arg1, %mul3A : i32
    %add3A = arith.addi %mul3A_0, %arg0 : i32
    %mul3A_1 = arith.constant 2000 : i32
    %mul3A_2 = arith.muli %add3A, %mul3A_1 : i32
    "tpu.region"() ({
      %run_scoped3A = tpu.sem_alloc : memref<!tpu.dma_semaphore, #tpu.memory_space<semaphore_mem>>
      %dma_start3A_127 = tpu.memref_slice %arg3[%mul3A_2] : memref<64000xi32, #tpu.memory_space<hbm>> -> memref<2000xi32, #tpu.memory_space<hbm>>
      %dma_start3A_128 = tpu.memref_slice %arg3[%mul3A_2] : memref<64000xi32, #tpu.memory_space<hbm>> -> memref<2000xi32, #tpu.memory_space<hbm>>
      tpu.enqueue_dma source(%dma_start3A_128 : memref<2000xi32, #tpu.memory_space<hbm>>) target(%arg7 : memref<2000xi32, #tpu.memory_space<vmem>>) target_semaphore(%run_scoped3A : memref<!tpu.dma_semaphore, #tpu.memory_space<semaphore_mem>>)
      %dma_wait3A_129 = tpu.memref_slice %arg3[%mul3A_2] : memref<64000xi32, #tpu.memory_space<hbm>> -> memref<2000xi32, #tpu.memory_space<hbm>>
      %dma_wait3A_130 = tpu.memref_slice %arg3[%mul3A_2] : memref<64000xi32, #tpu.memory_space<hbm>> -> memref<2000xi32, #tpu.memory_space<hbm>>
      tpu.wait_dma2 semaphore(%run_scoped3A : memref<!tpu.dma_semaphore, #tpu.memory_space<semaphore_mem>>) src(%dma_wait3A_130 : memref<2000xi32, #tpu.memory_space<hbm>>) dst(%arg7 : memref<2000xi32, #tpu.memory_space<vmem>>)
      tpu.yield
    }) : () -> ()
    %mul3A_3 = arith.constant 64 : i32
    %mul3A_4 = arith.muli %add3A, %mul3A_3 : i32
    %dma_start3A = arith.constant 0 : i32
    %dma_start3A_5 = tpu.memref_slice %arg7[%dma_start3A] : memref<2000xi32, #tpu.memory_space<vmem>> -> memref<400xi32, #tpu.memory_space<vmem>>
    %dma_start3A_6 = arith.constant 0 : i32
    %dma_start3A_7 = arith.constant 0 : i32
    %dma_start3A_8 = tpu.memref_slice %arg2[%dma_start3A_6, %dma_start3A_7] : memref<100000x128xf32, #tpu.memory_space<hbm>> -> memref<100000x128xf32, #tpu.memory_space<hbm>>
    tpu.enqueue_indirect_dma source(%dma_start3A_8 : memref<100000x128xf32, #tpu.memory_space<hbm>>) target(%arg11 : memref<400x128xf32, #tpu.memory_space<vmem>>) offsets(%dma_start3A_5 : memref<400xi32, #tpu.memory_space<vmem>>) semaphore(%arg13 : memref<!tpu.dma_semaphore, #tpu.memory_space<semaphore_mem>>)
    %dma_start3A_9 = arith.constant 400 : i32
    %dma_start3A_10 = tpu.memref_slice %arg7[%dma_start3A_9] : memref<2000xi32, #tpu.memory_space<vmem>> -> memref<400xi32, #tpu.memory_space<vmem>>
    %dma_start3A_11 = arith.constant 0 : i32
    %dma_start3A_12 = arith.constant 0 : i32
    %dma_start3A_13 = tpu.memref_slice %arg2[%dma_start3A_11, %dma_start3A_12] : memref<100000x128xf32, #tpu.memory_space<hbm>> -> memref<100000x128xf32, #tpu.memory_space<hbm>>
    tpu.enqueue_indirect_dma source(%dma_start3A_13 : memref<100000x128xf32, #tpu.memory_space<hbm>>) target(%arg12 : memref<400x128xf32, #tpu.memory_space<vmem>>) offsets(%dma_start3A_10 : memref<400xi32, #tpu.memory_space<vmem>>) semaphore(%arg14 : memref<!tpu.dma_semaphore, #tpu.memory_space<semaphore_mem>>)
    "tpu.region"() ({
      %run_scoped3A = tpu.sem_alloc : memref<!tpu.dma_semaphore, #tpu.memory_space<semaphore_mem>>
      %dma_start3A_127 = tpu.memref_slice %arg4[%mul3A_4] : memref<2048xi32, #tpu.memory_space<hbm>> -> memref<64xi32, #tpu.memory_space<hbm>>
      %dma_start3A_128 = tpu.memref_slice %arg4[%mul3A_4] : memref<2048xi32, #tpu.memory_space<hbm>> -> memref<64xi32, #tpu.memory_space<hbm>>
      tpu.enqueue_dma source(%dma_start3A_128 : memref<64xi32, #tpu.memory_space<hbm>>) target(%arg8 : memref<64xi32, #tpu.memory_space<vmem>>) target_semaphore(%run_scoped3A : memref<!tpu.dma_semaphore, #tpu.memory_space<semaphore_mem>>)
      %dma_wait3A_129 = tpu.memref_slice %arg4[%mul3A_4] : memref<2048xi32, #tpu.memory_space<hbm>> -> memref<64xi32, #tpu.memory_space<hbm>>
      %dma_wait3A_130 = tpu.memref_slice %arg4[%mul3A_4] : memref<2048xi32, #tpu.memory_space<hbm>> -> memref<64xi32, #tpu.memory_space<hbm>>
      tpu.wait_dma2 semaphore(%run_scoped3A : memref<!tpu.dma_semaphore, #tpu.memory_space<semaphore_mem>>) src(%dma_wait3A_130 : memref<64xi32, #tpu.memory_space<hbm>>) dst(%arg8 : memref<64xi32, #tpu.memory_space<vmem>>)
      tpu.yield
    }) : () -> ()
    %dma_start3A_14 = arith.constant 0 : i32
    %dma_start3A_15 = arith.constant 0 : i32
    %dma_start3A_16 = tpu.memref_slice %arg2[%dma_start3A_14, %dma_start3A_15] : memref<100000x128xf32, #tpu.memory_space<hbm>> -> memref<100000x128xf32, #tpu.memory_space<hbm>>
    tpu.enqueue_indirect_dma source(%dma_start3A_16 : memref<100000x128xf32, #tpu.memory_space<hbm>>) target(%arg9 : memref<64x128xf32, #tpu.memory_space<vmem>>) offsets(%arg8 : memref<64xi32, #tpu.memory_space<vmem>>) semaphore(%arg10 : memref<!tpu.dma_semaphore, #tpu.memory_space<semaphore_mem>>)
    %scan3A = arith.constant 0 : i32
    %scan3A_17 = arith.constant 0 : i32
    %mul3A_18 = arith.constant 2 : i32
    %mul3A_19 = arith.muli %scan3A_17, %mul3A_18 : i32
    %add3A_20 = arith.constant 0 : i32
    %add3A_21 = arith.addi %mul3A_19, %add3A_20 : i32
    %dma_wait3A = arith.constant 0 : i32
    %dma_wait3A_22 = tpu.memref_slice %arg7[%dma_wait3A] : memref<2000xi32, #tpu.memory_space<vmem>> -> memref<400xi32, #tpu.memory_space<vmem>>
    %dma_wait3A_23 = arith.constant 0 : i32
    %dma_wait3A_24 = arith.constant 0 : i32
    %dma_wait3A_25 = tpu.memref_slice %arg2[%dma_wait3A_23, %dma_wait3A_24] : memref<100000x128xf32, #tpu.memory_space<hbm>> -> memref<100000x128xf32, #tpu.memory_space<hbm>>
    tpu.wait_indirect_dma semaphore(%arg13 : memref<!tpu.dma_semaphore, #tpu.memory_space<semaphore_mem>>) src(%dma_wait3A_25 : memref<100000x128xf32, #tpu.memory_space<hbm>>) dst(%arg11 : memref<400x128xf32, #tpu.memory_space<vmem>>)
    %mul3A_26 = arith.constant 400 : i32
    %mul3A_27 = arith.muli %add3A_21, %mul3A_26 : i32
    %add3A_28 = arith.addi %mul3A_2, %mul3A_27 : i32
    %dma_start3A_29 = arith.constant 0 : i32
    %dma_start3A_30 = tpu.memref_slice %arg5[%add3A_28, %dma_start3A_29] : memref<64000x128xf32, #tpu.memory_space<hbm>> -> memref<400x128xf32, #tpu.memory_space<hbm>>
    %dma_start3A_31 = arith.constant 0 : i32
    %dma_start3A_32 = tpu.memref_slice %arg5[%add3A_28, %dma_start3A_31] : memref<64000x128xf32, #tpu.memory_space<hbm>> -> memref<400x128xf32, #tpu.memory_space<hbm>>
    tpu.enqueue_dma source(%arg11 : memref<400x128xf32, #tpu.memory_space<vmem>>) target(%dma_start3A_32 : memref<400x128xf32, #tpu.memory_space<hbm>>) target_semaphore(%arg15 : memref<!tpu.dma_semaphore, #tpu.memory_space<semaphore_mem>>)
    %dma_wait3A_33 = arith.constant 0 : i32
    %dma_wait3A_34 = tpu.memref_slice %arg5[%mul3A_2, %dma_wait3A_33] : memref<64000x128xf32, #tpu.memory_space<hbm>> -> memref<400x128xf32, #tpu.memory_space<hbm>>
    %dma_wait3A_35 = arith.constant 0 : i32
    %dma_wait3A_36 = tpu.memref_slice %arg5[%mul3A_2, %dma_wait3A_35] : memref<64000x128xf32, #tpu.memory_space<hbm>> -> memref<400x128xf32, #tpu.memory_space<hbm>>
    tpu.wait_dma2 semaphore(%arg15 : memref<!tpu.dma_semaphore, #tpu.memory_space<semaphore_mem>>) src(%arg11 : memref<400x128xf32, #tpu.memory_space<vmem>>) dst(%dma_wait3A_36 : memref<400x128xf32, #tpu.memory_space<hbm>>)
    %add3A_37 = arith.constant 2 : i32
    %add3A_38 = arith.addi %add3A_21, %add3A_37 : i32
    %mul3A_39 = arith.constant 400 : i32
    %mul3A_40 = arith.muli %add3A_38, %mul3A_39 : i32
    %dma_start3A_41 = tpu.memref_slice %arg7[%mul3A_40] : memref<2000xi32, #tpu.memory_space<vmem>> -> memref<400xi32, #tpu.memory_space<vmem>>
    %dma_start3A_42 = arith.constant 0 : i32
    %dma_start3A_43 = arith.constant 0 : i32
    %dma_start3A_44 = tpu.memref_slice %arg2[%dma_start3A_42, %dma_start3A_43] : memref<100000x128xf32, #tpu.memory_space<hbm>> -> memref<100000x128xf32, #tpu.memory_space<hbm>>
    tpu.enqueue_indirect_dma source(%dma_start3A_44 : memref<100000x128xf32, #tpu.memory_space<hbm>>) target(%arg11 : memref<400x128xf32, #tpu.memory_space<vmem>>) offsets(%dma_start3A_41 : memref<400xi32, #tpu.memory_space<vmem>>) semaphore(%arg13 : memref<!tpu.dma_semaphore, #tpu.memory_space<semaphore_mem>>)
    %mul3A_45 = arith.constant 2 : i32
    %mul3A_46 = arith.muli %scan3A_17, %mul3A_45 : i32
    %add3A_47 = arith.constant 1 : i32
    %add3A_48 = arith.addi %mul3A_46, %add3A_47 : i32
    %dma_wait3A_49 = arith.constant 0 : i32
    %dma_wait3A_50 = tpu.memref_slice %arg7[%dma_wait3A_49] : memref<2000xi32, #tpu.memory_space<vmem>> -> memref<400xi32, #tpu.memory_space<vmem>>
    %dma_wait3A_51 = arith.constant 0 : i32
    %dma_wait3A_52 = arith.constant 0 : i32
    %dma_wait3A_53 = tpu.memref_slice %arg2[%dma_wait3A_51, %dma_wait3A_52] : memref<100000x128xf32, #tpu.memory_space<hbm>> -> memref<100000x128xf32, #tpu.memory_space<hbm>>
    tpu.wait_indirect_dma semaphore(%arg14 : memref<!tpu.dma_semaphore, #tpu.memory_space<semaphore_mem>>) src(%dma_wait3A_53 : memref<100000x128xf32, #tpu.memory_space<hbm>>) dst(%arg12 : memref<400x128xf32, #tpu.memory_space<vmem>>)
    %mul3A_54 = arith.constant 400 : i32
    %mul3A_55 = arith.muli %add3A_48, %mul3A_54 : i32
    %add3A_56 = arith.addi %mul3A_2, %mul3A_55 : i32
    %dma_start3A_57 = arith.constant 0 : i32
    %dma_start3A_58 = tpu.memref_slice %arg5[%add3A_56, %dma_start3A_57] : memref<64000x128xf32, #tpu.memory_space<hbm>> -> memref<400x128xf32, #tpu.memory_space<hbm>>
    %dma_start3A_59 = arith.constant 0 : i32
    %dma_start3A_60 = tpu.memref_slice %arg5[%add3A_56, %dma_start3A_59] : memref<64000x128xf32, #tpu.memory_space<hbm>> -> memref<400x128xf32, #tpu.memory_space<hbm>>
    tpu.enqueue_dma source(%arg12 : memref<400x128xf32, #tpu.memory_space<vmem>>) target(%dma_start3A_60 : memref<400x128xf32, #tpu.memory_space<hbm>>) target_semaphore(%arg16 : memref<!tpu.dma_semaphore, #tpu.memory_space<semaphore_mem>>)
    %dma_wait3A_61 = arith.constant 0 : i32
    %dma_wait3A_62 = tpu.memref_slice %arg5[%mul3A_2, %dma_wait3A_61] : memref<64000x128xf32, #tpu.memory_space<hbm>> -> memref<400x128xf32, #tpu.memory_space<hbm>>
    %dma_wait3A_63 = arith.constant 0 : i32
    %dma_wait3A_64 = tpu.memref_slice %arg5[%mul3A_2, %dma_wait3A_63] : memref<64000x128xf32, #tpu.memory_space<hbm>> -> memref<400x128xf32, #tpu.memory_space<hbm>>
    tpu.wait_dma2 semaphore(%arg16 : memref<!tpu.dma_semaphore, #tpu.memory_space<semaphore_mem>>) src(%arg12 : memref<400x128xf32, #tpu.memory_space<vmem>>) dst(%dma_wait3A_64 : memref<400x128xf32, #tpu.memory_space<hbm>>)
    %add3A_65 = arith.constant 2 : i32
    %add3A_66 = arith.addi %add3A_48, %add3A_65 : i32
    %mul3A_67 = arith.constant 400 : i32
    %mul3A_68 = arith.muli %add3A_66, %mul3A_67 : i32
    %dma_start3A_69 = tpu.memref_slice %arg7[%mul3A_68] : memref<2000xi32, #tpu.memory_space<vmem>> -> memref<400xi32, #tpu.memory_space<vmem>>
    %dma_start3A_70 = arith.constant 0 : i32
    %dma_start3A_71 = arith.constant 0 : i32
    %dma_start3A_72 = tpu.memref_slice %arg2[%dma_start3A_70, %dma_start3A_71] : memref<100000x128xf32, #tpu.memory_space<hbm>> -> memref<100000x128xf32, #tpu.memory_space<hbm>>
    tpu.enqueue_indirect_dma source(%dma_start3A_72 : memref<100000x128xf32, #tpu.memory_space<hbm>>) target(%arg12 : memref<400x128xf32, #tpu.memory_space<vmem>>) offsets(%dma_start3A_69 : memref<400xi32, #tpu.memory_space<vmem>>) semaphore(%arg14 : memref<!tpu.dma_semaphore, #tpu.memory_space<semaphore_mem>>)
    %scan3A_73 = arith.constant 1 : i32
    %dma_wait3A_74 = arith.constant 0 : i32
    %dma_wait3A_75 = tpu.memref_slice %arg7[%dma_wait3A_74] : memref<2000xi32, #tpu.memory_space<vmem>> -> memref<400xi32, #tpu.memory_space<vmem>>
    %dma_wait3A_76 = arith.constant 0 : i32
    %dma_wait3A_77 = arith.constant 0 : i32
    %dma_wait3A_78 = tpu.memref_slice %arg2[%dma_wait3A_76, %dma_wait3A_77] : memref<100000x128xf32, #tpu.memory_space<hbm>> -> memref<100000x128xf32, #tpu.memory_space<hbm>>
    tpu.wait_indirect_dma semaphore(%arg13 : memref<!tpu.dma_semaphore, #tpu.memory_space<semaphore_mem>>) src(%dma_wait3A_78 : memref<100000x128xf32, #tpu.memory_space<hbm>>) dst(%arg11 : memref<400x128xf32, #tpu.memory_space<vmem>>)
    %add3A_79 = arith.constant 800 : i32
    %add3A_80 = arith.addi %mul3A_2, %add3A_79 : i32
    %dma_start3A_81 = arith.constant 0 : i32
    %dma_start3A_82 = tpu.memref_slice %arg5[%add3A_80, %dma_start3A_81] : memref<64000x128xf32, #tpu.memory_space<hbm>> -> memref<400x128xf32, #tpu.memory_space<hbm>>
    %dma_start3A_83 = arith.constant 0 : i32
    %dma_start3A_84 = tpu.memref_slice %arg5[%add3A_80, %dma_start3A_83] : memref<64000x128xf32, #tpu.memory_space<hbm>> -> memref<400x128xf32, #tpu.memory_space<hbm>>
    tpu.enqueue_dma source(%arg11 : memref<400x128xf32, #tpu.memory_space<vmem>>) target(%dma_start3A_84 : memref<400x128xf32, #tpu.memory_space<hbm>>) target_semaphore(%arg15 : memref<!tpu.dma_semaphore, #tpu.memory_space<semaphore_mem>>)
    %dma_wait3A_85 = arith.constant 0 : i32
    %dma_wait3A_86 = tpu.memref_slice %arg5[%mul3A_2, %dma_wait3A_85] : memref<64000x128xf32, #tpu.memory_space<hbm>> -> memref<400x128xf32, #tpu.memory_space<hbm>>
    %dma_wait3A_87 = arith.constant 0 : i32
    %dma_wait3A_88 = tpu.memref_slice %arg5[%mul3A_2, %dma_wait3A_87] : memref<64000x128xf32, #tpu.memory_space<hbm>> -> memref<400x128xf32, #tpu.memory_space<hbm>>
    tpu.wait_dma2 semaphore(%arg15 : memref<!tpu.dma_semaphore, #tpu.memory_space<semaphore_mem>>) src(%arg11 : memref<400x128xf32, #tpu.memory_space<vmem>>) dst(%dma_wait3A_88 : memref<400x128xf32, #tpu.memory_space<hbm>>)
    %dma_start3A_89 = arith.constant 1600 : i32
    %dma_start3A_90 = tpu.memref_slice %arg7[%dma_start3A_89] : memref<2000xi32, #tpu.memory_space<vmem>> -> memref<400xi32, #tpu.memory_space<vmem>>
    %dma_start3A_91 = arith.constant 0 : i32
    %dma_start3A_92 = arith.constant 0 : i32
    %dma_start3A_93 = tpu.memref_slice %arg2[%dma_start3A_91, %dma_start3A_92] : memref<100000x128xf32, #tpu.memory_space<hbm>> -> memref<100000x128xf32, #tpu.memory_space<hbm>>
    tpu.enqueue_indirect_dma source(%dma_start3A_93 : memref<100000x128xf32, #tpu.memory_space<hbm>>) target(%arg11 : memref<400x128xf32, #tpu.memory_space<vmem>>) offsets(%dma_start3A_90 : memref<400xi32, #tpu.memory_space<vmem>>) semaphore(%arg13 : memref<!tpu.dma_semaphore, #tpu.memory_space<semaphore_mem>>)
    %dma_wait3A_94 = arith.constant 0 : i32
    %dma_wait3A_95 = tpu.memref_slice %arg7[%dma_wait3A_94] : memref<2000xi32, #tpu.memory_space<vmem>> -> memref<400xi32, #tpu.memory_space<vmem>>
    %dma_wait3A_96 = arith.constant 0 : i32
    %dma_wait3A_97 = arith.constant 0 : i32
    %dma_wait3A_98 = tpu.memref_slice %arg2[%dma_wait3A_96, %dma_wait3A_97] : memref<100000x128xf32, #tpu.memory_space<hbm>> -> memref<100000x128xf32, #tpu.memory_space<hbm>>
    tpu.wait_indirect_dma semaphore(%arg14 : memref<!tpu.dma_semaphore, #tpu.memory_space<semaphore_mem>>) src(%dma_wait3A_98 : memref<100000x128xf32, #tpu.memory_space<hbm>>) dst(%arg12 : memref<400x128xf32, #tpu.memory_space<vmem>>)
    %add3A_99 = arith.constant 1200 : i32
    %add3A_100 = arith.addi %mul3A_2, %add3A_99 : i32
    %dma_start3A_101 = arith.constant 0 : i32
    %dma_start3A_102 = tpu.memref_slice %arg5[%add3A_100, %dma_start3A_101] : memref<64000x128xf32, #tpu.memory_space<hbm>> -> memref<400x128xf32, #tpu.memory_space<hbm>>
    %dma_start3A_103 = arith.constant 0 : i32
    %dma_start3A_104 = tpu.memref_slice %arg5[%add3A_100, %dma_start3A_103] : memref<64000x128xf32, #tpu.memory_space<hbm>> -> memref<400x128xf32, #tpu.memory_space<hbm>>
    tpu.enqueue_dma source(%arg12 : memref<400x128xf32, #tpu.memory_space<vmem>>) target(%dma_start3A_104 : memref<400x128xf32, #tpu.memory_space<hbm>>) target_semaphore(%arg16 : memref<!tpu.dma_semaphore, #tpu.memory_space<semaphore_mem>>)
    %dma_wait3A_105 = arith.constant 0 : i32
    %dma_wait3A_106 = tpu.memref_slice %arg7[%dma_wait3A_105] : memref<2000xi32, #tpu.memory_space<vmem>> -> memref<400xi32, #tpu.memory_space<vmem>>
    %dma_wait3A_107 = arith.constant 0 : i32
    %dma_wait3A_108 = arith.constant 0 : i32
    %dma_wait3A_109 = tpu.memref_slice %arg2[%dma_wait3A_107, %dma_wait3A_108] : memref<100000x128xf32, #tpu.memory_space<hbm>> -> memref<100000x128xf32, #tpu.memory_space<hbm>>
    tpu.wait_indirect_dma semaphore(%arg13 : memref<!tpu.dma_semaphore, #tpu.memory_space<semaphore_mem>>) src(%dma_wait3A_109 : memref<100000x128xf32, #tpu.memory_space<hbm>>) dst(%arg11 : memref<400x128xf32, #tpu.memory_space<vmem>>)
    %add3A_110 = arith.constant 1600 : i32
    %add3A_111 = arith.addi %mul3A_2, %add3A_110 : i32
    %dma_start3A_112 = arith.constant 0 : i32
    %dma_start3A_113 = tpu.memref_slice %arg5[%add3A_111, %dma_start3A_112] : memref<64000x128xf32, #tpu.memory_space<hbm>> -> memref<400x128xf32, #tpu.memory_space<hbm>>
    %dma_start3A_114 = arith.constant 0 : i32
    %dma_start3A_115 = tpu.memref_slice %arg5[%add3A_111, %dma_start3A_114] : memref<64000x128xf32, #tpu.memory_space<hbm>> -> memref<400x128xf32, #tpu.memory_space<hbm>>
    tpu.enqueue_dma source(%arg11 : memref<400x128xf32, #tpu.memory_space<vmem>>) target(%dma_start3A_115 : memref<400x128xf32, #tpu.memory_space<hbm>>) target_semaphore(%arg15 : memref<!tpu.dma_semaphore, #tpu.memory_space<semaphore_mem>>)
    %dma_wait3A_116 = arith.constant 0 : i32
    %dma_wait3A_117 = tpu.memref_slice %arg5[%mul3A_2, %dma_wait3A_116] : memref<64000x128xf32, #tpu.memory_space<hbm>> -> memref<400x128xf32, #tpu.memory_space<hbm>>
    %dma_wait3A_118 = arith.constant 0 : i32
    %dma_wait3A_119 = tpu.memref_slice %arg5[%mul3A_2, %dma_wait3A_118] : memref<64000x128xf32, #tpu.memory_space<hbm>> -> memref<400x128xf32, #tpu.memory_space<hbm>>
    tpu.wait_dma2 semaphore(%arg15 : memref<!tpu.dma_semaphore, #tpu.memory_space<semaphore_mem>>) src(%arg11 : memref<400x128xf32, #tpu.memory_space<vmem>>) dst(%dma_wait3A_119 : memref<400x128xf32, #tpu.memory_space<hbm>>)
    %dma_wait3A_120 = arith.constant 0 : i32
    %dma_wait3A_121 = tpu.memref_slice %arg5[%mul3A_2, %dma_wait3A_120] : memref<64000x128xf32, #tpu.memory_space<hbm>> -> memref<400x128xf32, #tpu.memory_space<hbm>>
    %dma_wait3A_122 = arith.constant 0 : i32
    %dma_wait3A_123 = tpu.memref_slice %arg5[%mul3A_2, %dma_wait3A_122] : memref<64000x128xf32, #tpu.memory_space<hbm>> -> memref<400x128xf32, #tpu.memory_space<hbm>>
    tpu.wait_dma2 semaphore(%arg16 : memref<!tpu.dma_semaphore, #tpu.memory_space<semaphore_mem>>) src(%arg12 : memref<400x128xf32, #tpu.memory_space<vmem>>) dst(%dma_wait3A_123 : memref<400x128xf32, #tpu.memory_space<hbm>>)
    %dma_wait3A_124 = arith.constant 0 : i32
    %dma_wait3A_125 = arith.constant 0 : i32
    %dma_wait3A_126 = tpu.memref_slice %arg2[%dma_wait3A_124, %dma_wait3A_125] : memref<100000x128xf32, #tpu.memory_space<hbm>> -> memref<100000x128xf32, #tpu.memory_space<hbm>>
    tpu.wait_indirect_dma semaphore(%arg10 : memref<!tpu.dma_semaphore, #tpu.memory_space<semaphore_mem>>) src(%dma_wait3A_126 : memref<100000x128xf32, #tpu.memory_space<hbm>>) dst(%arg9 : memref<64x128xf32, #tpu.memory_space<vmem>>)
    "tpu.region"() ({
      %run_scoped3A = tpu.sem_alloc : memref<!tpu.dma_semaphore, #tpu.memory_space<semaphore_mem>>
      %dma_start3A_127 = arith.constant 0 : i32
      %dma_start3A_128 = tpu.memref_slice %arg6[%mul3A_4, %dma_start3A_127] : memref<2048x128xf32, #tpu.memory_space<hbm>> -> memref<64x128xf32, #tpu.memory_space<hbm>>
      %dma_start3A_129 = arith.constant 0 : i32
      %dma_start3A_130 = tpu.memref_slice %arg6[%mul3A_4, %dma_start3A_129] : memref<2048x128xf32, #tpu.memory_space<hbm>> -> memref<64x128xf32, #tpu.memory_space<hbm>>
      tpu.enqueue_dma source(%arg9 : memref<64x128xf32, #tpu.memory_space<vmem>>) target(%dma_start3A_130 : memref<64x128xf32, #tpu.memory_space<hbm>>) target_semaphore(%run_scoped3A : memref<!tpu.dma_semaphore, #tpu.memory_space<semaphore_mem>>)
      %dma_wait3A_131 = arith.constant 0 : i32
      %dma_wait3A_132 = tpu.memref_slice %arg6[%mul3A_4, %dma_wait3A_131] : memref<2048x128xf32, #tpu.memory_space<hbm>> -> memref<64x128xf32, #tpu.memory_space<hbm>>
      %dma_wait3A_133 = arith.constant 0 : i32
      %dma_wait3A_134 = tpu.memref_slice %arg6[%mul3A_4, %dma_wait3A_133] : memref<2048x128xf32, #tpu.memory_space<hbm>> -> memref<64x128xf32, #tpu.memory_space<hbm>>
      tpu.wait_dma2 semaphore(%run_scoped3A : memref<!tpu.dma_semaphore, #tpu.memory_space<semaphore_mem>>) src(%arg9 : memref<64x128xf32, #tpu.memory_space<vmem>>) dst(%dma_wait3A_134 : memref<64x128xf32, #tpu.memory_space<hbm>>)
      tpu.yield
    }) : () -> ()
    return
  }
}

#map = affine_map<(d0, d1) -> (0, 0)>
#map1 = affine_map<(d0, d1) -> (0)>
module attributes {stable_mosaic.version = 14 : i64} {
  func.func @_sc_gather_body(%arg0: i32, %arg1: i32, %arg2: memref<100000x128xf32, #tpu.memory_space<hbm>>, %arg3: memref<64000xi32, #tpu.memory_space<hbm>>, %arg4: memref<2048xi32, #tpu.memory_space<hbm>>, %arg5: memref<64000x128xf32, #tpu.memory_space<hbm>>, %arg6: memref<2048x128xf32, #tpu.memory_space<hbm>>, %arg7: memref<2000xi32, #tpu.memory_space<vmem>>, %arg8: memref<64xi32, #tpu.memory_space<vmem>>, %arg9: memref<64x128xf32, #tpu.memory_space<vmem>>, %arg10: memref<!tpu.dma_semaphore, #tpu.memory_space<semaphore_mem>>, %arg11: memref<400x128xf32, #tpu.memory_space<vmem>>, %arg12: memref<400x128xf32, #tpu.memory_space<vmem>>, %arg13: memref<!tpu.dma_semaphore, #tpu.memory_space<semaphore_mem>>, %arg14: memref<!tpu.dma_semaphore, #tpu.memory_space<semaphore_mem>>, %arg15: memref<!tpu.dma_semaphore, #tpu.memory_space<semaphore_mem>>, %arg16: memref<!tpu.dma_semaphore, #tpu.memory_space<semaphore_mem>>) attributes {dimension_semantics = [#tpu.dimension_semantics<core_parallel>, #tpu.dimension_semantics<subcore_parallel>], iteration_bounds = array<i64: 2, 16>, scalar_prefetch = 0 : i64, scratch_operands = 10 : i64, tpu.core_type = #tpu.core_type<sc_vector_subcore>, window_params = [{transform_indices = #map}, {transform_indices = #map1}, {transform_indices = #map1}, {transform_indices = #map}, {transform_indices = #map}]} {
    %mul3A = arith.constant 2 : i32
    %mul3A_0 = arith.muli %arg1, %mul3A : i32
    %add3A = arith.addi %mul3A_0, %arg0 : i32
    %mul3A_1 = arith.constant 2000 : i32
    %mul3A_2 = arith.muli %add3A, %mul3A_1 : i32
    "tpu.region"() ({
      %run_scoped3A = tpu.sem_alloc : memref<!tpu.dma_semaphore, #tpu.memory_space<semaphore_mem>>
      %dma_start3A_127 = tpu.memref_slice %arg3[%mul3A_2] : memref<64000xi32, #tpu.memory_space<hbm>> -> memref<2000xi32, #tpu.memory_space<hbm>>
      %dma_start3A_128 = tpu.memref_slice %arg3[%mul3A_2] : memref<64000xi32, #tpu.memory_space<hbm>> -> memref<2000xi32, #tpu.memory_space<hbm>>
      tpu.enqueue_dma source(%dma_start3A_128 : memref<2000xi32, #tpu.memory_space<hbm>>) target(%arg7 : memref<2000xi32, #tpu.memory_space<vmem>>) target_semaphore(%run_scoped3A : memref<!tpu.dma_semaphore, #tpu.memory_space<semaphore_mem>>)
      %dma_wait3A_129 = tpu.memref_slice %arg3[%mul3A_2] : memref<64000xi32, #tpu.memory_space<hbm>> -> memref<2000xi32, #tpu.memory_space<hbm>>
      %dma_wait3A_130 = tpu.memref_slice %arg3[%mul3A_2] : memref<64000xi32, #tpu.memory_space<hbm>> -> memref<2000xi32, #tpu.memory_space<hbm>>
      tpu.wait_dma2 semaphore(%run_scoped3A : memref<!tpu.dma_semaphore, #tpu.memory_space<semaphore_mem>>) src(%dma_wait3A_130 : memref<2000xi32, #tpu.memory_space<hbm>>) dst(%arg7 : memref<2000xi32, #tpu.memory_space<vmem>>)
      tpu.yield
    }) : () -> ()
    %mul3A_3 = arith.constant 64 : i32
    %mul3A_4 = arith.muli %add3A, %mul3A_3 : i32
    %dma_start3A = arith.constant 0 : i32
    %dma_start3A_5 = tpu.memref_slice %arg7[%dma_start3A] : memref<2000xi32, #tpu.memory_space<vmem>> -> memref<400xi32, #tpu.memory_space<vmem>>
    %dma_start3A_6 = arith.constant 0 : i32
    %dma_start3A_7 = arith.constant 0 : i32
    %dma_start3A_8 = tpu.memref_slice %arg2[%dma_start3A_6, %dma_start3A_7] : memref<100000x128xf32, #tpu.memory_space<hbm>> -> memref<100000x128xf32, #tpu.memory_space<hbm>>
    tpu.enqueue_indirect_dma source(%dma_start3A_8 : memref<100000x128xf32, #tpu.memory_space<hbm>>) target(%arg11 : memref<400x128xf32, #tpu.memory_space<vmem>>) offsets(%dma_start3A_5 : memref<400xi32, #tpu.memory_space<vmem>>) semaphore(%arg13 : memref<!tpu.dma_semaphore, #tpu.memory_space<semaphore_mem>>)
    %dma_start3A_9 = arith.constant 400 : i32
    %dma_start3A_10 = tpu.memref_slice %arg7[%dma_start3A_9] : memref<2000xi32, #tpu.memory_space<vmem>> -> memref<400xi32, #tpu.memory_space<vmem>>
    %dma_start3A_11 = arith.constant 0 : i32
    %dma_start3A_12 = arith.constant 0 : i32
    %dma_start3A_13 = tpu.memref_slice %arg2[%dma_start3A_11, %dma_start3A_12] : memref<100000x128xf32, #tpu.memory_space<hbm>> -> memref<100000x128xf32, #tpu.memory_space<hbm>>
    tpu.enqueue_indirect_dma source(%dma_start3A_13 : memref<100000x128xf32, #tpu.memory_space<hbm>>) target(%arg12 : memref<400x128xf32, #tpu.memory_space<vmem>>) offsets(%dma_start3A_10 : memref<400xi32, #tpu.memory_space<vmem>>) semaphore(%arg14 : memref<!tpu.dma_semaphore, #tpu.memory_space<semaphore_mem>>)
    "tpu.region"() ({
      %run_scoped3A = tpu.sem_alloc : memref<!tpu.dma_semaphore, #tpu.memory_space<semaphore_mem>>
      %dma_start3A_127 = tpu.memref_slice %arg4[%mul3A_4] : memref<2048xi32, #tpu.memory_space<hbm>> -> memref<64xi32, #tpu.memory_space<hbm>>
      %dma_start3A_128 = tpu.memref_slice %arg4[%mul3A_4] : memref<2048xi32, #tpu.memory_space<hbm>> -> memref<64xi32, #tpu.memory_space<hbm>>
      tpu.enqueue_dma source(%dma_start3A_128 : memref<64xi32, #tpu.memory_space<hbm>>) target(%arg8 : memref<64xi32, #tpu.memory_space<vmem>>) target_semaphore(%run_scoped3A : memref<!tpu.dma_semaphore, #tpu.memory_space<semaphore_mem>>)
      %dma_wait3A_129 = tpu.memref_slice %arg4[%mul3A_4] : memref<2048xi32, #tpu.memory_space<hbm>> -> memref<64xi32, #tpu.memory_space<hbm>>
      %dma_wait3A_130 = tpu.memref_slice %arg4[%mul3A_4] : memref<2048xi32, #tpu.memory_space<hbm>> -> memref<64xi32, #tpu.memory_space<hbm>>
      tpu.wait_dma2 semaphore(%run_scoped3A : memref<!tpu.dma_semaphore, #tpu.memory_space<semaphore_mem>>) src(%dma_wait3A_130 : memref<64xi32, #tpu.memory_space<hbm>>) dst(%arg8 : memref<64xi32, #tpu.memory_space<vmem>>)
      tpu.yield
    }) : () -> ()
    %dma_start3A_14 = arith.constant 0 : i32
    %dma_start3A_15 = arith.constant 0 : i32
    %dma_start3A_16 = tpu.memref_slice %arg2[%dma_start3A_14, %dma_start3A_15] : memref<100000x128xf32, #tpu.memory_space<hbm>> -> memref<100000x128xf32, #tpu.memory_space<hbm>>
    tpu.enqueue_indirect_dma source(%dma_start3A_16 : memref<100000x128xf32, #tpu.memory_space<hbm>>) target(%arg9 : memref<64x128xf32, #tpu.memory_space<vmem>>) offsets(%arg8 : memref<64xi32, #tpu.memory_space<vmem>>) semaphore(%arg10 : memref<!tpu.dma_semaphore, #tpu.memory_space<semaphore_mem>>)
    %scan3A = arith.constant 0 : i32
    %scan3A_17 = arith.constant 0 : i32
    %mul3A_18 = arith.constant 2 : i32
    %mul3A_19 = arith.muli %scan3A_17, %mul3A_18 : i32
    %add3A_20 = arith.constant 0 : i32
    %add3A_21 = arith.addi %mul3A_19, %add3A_20 : i32
    %dma_wait3A = arith.constant 0 : i32
    %dma_wait3A_22 = tpu.memref_slice %arg7[%dma_wait3A] : memref<2000xi32, #tpu.memory_space<vmem>> -> memref<400xi32, #tpu.memory_space<vmem>>
    %dma_wait3A_23 = arith.constant 0 : i32
    %dma_wait3A_24 = arith.constant 0 : i32
    %dma_wait3A_25 = tpu.memref_slice %arg2[%dma_wait3A_23, %dma_wait3A_24] : memref<100000x128xf32, #tpu.memory_space<hbm>> -> memref<100000x128xf32, #tpu.memory_space<hbm>>
    tpu.wait_indirect_dma semaphore(%arg13 : memref<!tpu.dma_semaphore, #tpu.memory_space<semaphore_mem>>) src(%dma_wait3A_25 : memref<100000x128xf32, #tpu.memory_space<hbm>>) dst(%arg11 : memref<400x128xf32, #tpu.memory_space<vmem>>)
    %mul3A_26 = arith.constant 400 : i32
    %mul3A_27 = arith.muli %add3A_21, %mul3A_26 : i32
    %add3A_28 = arith.addi %mul3A_2, %mul3A_27 : i32
    %dma_start3A_29 = arith.constant 0 : i32
    %dma_start3A_30 = tpu.memref_slice %arg5[%add3A_28, %dma_start3A_29] : memref<64000x128xf32, #tpu.memory_space<hbm>> -> memref<400x128xf32, #tpu.memory_space<hbm>>
    %dma_start3A_31 = arith.constant 0 : i32
    %dma_start3A_32 = tpu.memref_slice %arg5[%add3A_28, %dma_start3A_31] : memref<64000x128xf32, #tpu.memory_space<hbm>> -> memref<400x128xf32, #tpu.memory_space<hbm>>
    tpu.enqueue_dma source(%arg11 : memref<400x128xf32, #tpu.memory_space<vmem>>) target(%dma_start3A_32 : memref<400x128xf32, #tpu.memory_space<hbm>>) target_semaphore(%arg15 : memref<!tpu.dma_semaphore, #tpu.memory_space<semaphore_mem>>)
    %dma_wait3A_33 = arith.constant 0 : i32
    %dma_wait3A_34 = tpu.memref_slice %arg5[%mul3A_2, %dma_wait3A_33] : memref<64000x128xf32, #tpu.memory_space<hbm>> -> memref<400x128xf32, #tpu.memory_space<hbm>>
    %dma_wait3A_35 = arith.constant 0 : i32
    %dma_wait3A_36 = tpu.memref_slice %arg5[%mul3A_2, %dma_wait3A_35] : memref<64000x128xf32, #tpu.memory_space<hbm>> -> memref<400x128xf32, #tpu.memory_space<hbm>>
    tpu.wait_dma2 semaphore(%arg15 : memref<!tpu.dma_semaphore, #tpu.memory_space<semaphore_mem>>) src(%arg11 : memref<400x128xf32, #tpu.memory_space<vmem>>) dst(%dma_wait3A_36 : memref<400x128xf32, #tpu.memory_space<hbm>>)
    %add3A_37 = arith.constant 2 : i32
    %add3A_38 = arith.addi %add3A_21, %add3A_37 : i32
    %mul3A_39 = arith.constant 400 : i32
    %mul3A_40 = arith.muli %add3A_38, %mul3A_39 : i32
    %dma_start3A_41 = tpu.memref_slice %arg7[%mul3A_40] : memref<2000xi32, #tpu.memory_space<vmem>> -> memref<400xi32, #tpu.memory_space<vmem>>
    %dma_start3A_42 = arith.constant 0 : i32
    %dma_start3A_43 = arith.constant 0 : i32
    %dma_start3A_44 = tpu.memref_slice %arg2[%dma_start3A_42, %dma_start3A_43] : memref<100000x128xf32, #tpu.memory_space<hbm>> -> memref<100000x128xf32, #tpu.memory_space<hbm>>
    tpu.enqueue_indirect_dma source(%dma_start3A_44 : memref<100000x128xf32, #tpu.memory_space<hbm>>) target(%arg11 : memref<400x128xf32, #tpu.memory_space<vmem>>) offsets(%dma_start3A_41 : memref<400xi32, #tpu.memory_space<vmem>>) semaphore(%arg13 : memref<!tpu.dma_semaphore, #tpu.memory_space<semaphore_mem>>)
    %mul3A_45 = arith.constant 2 : i32
    %mul3A_46 = arith.muli %scan3A_17, %mul3A_45 : i32
    %add3A_47 = arith.constant 1 : i32
    %add3A_48 = arith.addi %mul3A_46, %add3A_47 : i32
    %dma_wait3A_49 = arith.constant 0 : i32
    %dma_wait3A_50 = tpu.memref_slice %arg7[%dma_wait3A_49] : memref<2000xi32, #tpu.memory_space<vmem>> -> memref<400xi32, #tpu.memory_space<vmem>>
    %dma_wait3A_51 = arith.constant 0 : i32
    %dma_wait3A_52 = arith.constant 0 : i32
    %dma_wait3A_53 = tpu.memref_slice %arg2[%dma_wait3A_51, %dma_wait3A_52] : memref<100000x128xf32, #tpu.memory_space<hbm>> -> memref<100000x128xf32, #tpu.memory_space<hbm>>
    tpu.wait_indirect_dma semaphore(%arg14 : memref<!tpu.dma_semaphore, #tpu.memory_space<semaphore_mem>>) src(%dma_wait3A_53 : memref<100000x128xf32, #tpu.memory_space<hbm>>) dst(%arg12 : memref<400x128xf32, #tpu.memory_space<vmem>>)
    %mul3A_54 = arith.constant 400 : i32
    %mul3A_55 = arith.muli %add3A_48, %mul3A_54 : i32
    %add3A_56 = arith.addi %mul3A_2, %mul3A_55 : i32
    %dma_start3A_57 = arith.constant 0 : i32
    %dma_start3A_58 = tpu.memref_slice %arg5[%add3A_56, %dma_start3A_57] : memref<64000x128xf32, #tpu.memory_space<hbm>> -> memref<400x128xf32, #tpu.memory_space<hbm>>
    %dma_start3A_59 = arith.constant 0 : i32
    %dma_start3A_60 = tpu.memref_slice %arg5[%add3A_56, %dma_start3A_59] : memref<64000x128xf32, #tpu.memory_space<hbm>> -> memref<400x128xf32, #tpu.memory_space<hbm>>
    tpu.enqueue_dma source(%arg12 : memref<400x128xf32, #tpu.memory_space<vmem>>) target(%dma_start3A_60 : memref<400x128xf32, #tpu.memory_space<hbm>>) target_semaphore(%arg16 : memref<!tpu.dma_semaphore, #tpu.memory_space<semaphore_mem>>)
    %dma_wait3A_61 = arith.constant 0 : i32
    %dma_wait3A_62 = tpu.memref_slice %arg5[%mul3A_2, %dma_wait3A_61] : memref<64000x128xf32, #tpu.memory_space<hbm>> -> memref<400x128xf32, #tpu.memory_space<hbm>>
    %dma_wait3A_63 = arith.constant 0 : i32
    %dma_wait3A_64 = tpu.memref_slice %arg5[%mul3A_2, %dma_wait3A_63] : memref<64000x128xf32, #tpu.memory_space<hbm>> -> memref<400x128xf32, #tpu.memory_space<hbm>>
    tpu.wait_dma2 semaphore(%arg16 : memref<!tpu.dma_semaphore, #tpu.memory_space<semaphore_mem>>) src(%arg12 : memref<400x128xf32, #tpu.memory_space<vmem>>) dst(%dma_wait3A_64 : memref<400x128xf32, #tpu.memory_space<hbm>>)
    %add3A_65 = arith.constant 2 : i32
    %add3A_66 = arith.addi %add3A_48, %add3A_65 : i32
    %mul3A_67 = arith.constant 400 : i32
    %mul3A_68 = arith.muli %add3A_66, %mul3A_67 : i32
    %dma_start3A_69 = tpu.memref_slice %arg7[%mul3A_68] : memref<2000xi32, #tpu.memory_space<vmem>> -> memref<400xi32, #tpu.memory_space<vmem>>
    %dma_start3A_70 = arith.constant 0 : i32
    %dma_start3A_71 = arith.constant 0 : i32
    %dma_start3A_72 = tpu.memref_slice %arg2[%dma_start3A_70, %dma_start3A_71] : memref<100000x128xf32, #tpu.memory_space<hbm>> -> memref<100000x128xf32, #tpu.memory_space<hbm>>
    tpu.enqueue_indirect_dma source(%dma_start3A_72 : memref<100000x128xf32, #tpu.memory_space<hbm>>) target(%arg12 : memref<400x128xf32, #tpu.memory_space<vmem>>) offsets(%dma_start3A_69 : memref<400xi32, #tpu.memory_space<vmem>>) semaphore(%arg14 : memref<!tpu.dma_semaphore, #tpu.memory_space<semaphore_mem>>)
    %scan3A_73 = arith.constant 1 : i32
    %dma_wait3A_74 = arith.constant 0 : i32
    %dma_wait3A_75 = tpu.memref_slice %arg7[%dma_wait3A_74] : memref<2000xi32, #tpu.memory_space<vmem>> -> memref<400xi32, #tpu.memory_space<vmem>>
    %dma_wait3A_76 = arith.constant 0 : i32
    %dma_wait3A_77 = arith.constant 0 : i32
    %dma_wait3A_78 = tpu.memref_slice %arg2[%dma_wait3A_76, %dma_wait3A_77] : memref<100000x128xf32, #tpu.memory_space<hbm>> -> memref<100000x128xf32, #tpu.memory_space<hbm>>
    tpu.wait_indirect_dma semaphore(%arg13 : memref<!tpu.dma_semaphore, #tpu.memory_space<semaphore_mem>>) src(%dma_wait3A_78 : memref<100000x128xf32, #tpu.memory_space<hbm>>) dst(%arg11 : memref<400x128xf32, #tpu.memory_space<vmem>>)
    %add3A_79 = arith.constant 800 : i32
    %add3A_80 = arith.addi %mul3A_2, %add3A_79 : i32
    %dma_start3A_81 = arith.constant 0 : i32
    %dma_start3A_82 = tpu.memref_slice %arg5[%add3A_80, %dma_start3A_81] : memref<64000x128xf32, #tpu.memory_space<hbm>> -> memref<400x128xf32, #tpu.memory_space<hbm>>
    %dma_start3A_83 = arith.constant 0 : i32
    %dma_start3A_84 = tpu.memref_slice %arg5[%add3A_80, %dma_start3A_83] : memref<64000x128xf32, #tpu.memory_space<hbm>> -> memref<400x128xf32, #tpu.memory_space<hbm>>
    tpu.enqueue_dma source(%arg11 : memref<400x128xf32, #tpu.memory_space<vmem>>) target(%dma_start3A_84 : memref<400x128xf32, #tpu.memory_space<hbm>>) target_semaphore(%arg15 : memref<!tpu.dma_semaphore, #tpu.memory_space<semaphore_mem>>)
    %dma_wait3A_85 = arith.constant 0 : i32
    %dma_wait3A_86 = tpu.memref_slice %arg5[%mul3A_2, %dma_wait3A_85] : memref<64000x128xf32, #tpu.memory_space<hbm>> -> memref<400x128xf32, #tpu.memory_space<hbm>>
    %dma_wait3A_87 = arith.constant 0 : i32
    %dma_wait3A_88 = tpu.memref_slice %arg5[%mul3A_2, %dma_wait3A_87] : memref<64000x128xf32, #tpu.memory_space<hbm>> -> memref<400x128xf32, #tpu.memory_space<hbm>>
    tpu.wait_dma2 semaphore(%arg15 : memref<!tpu.dma_semaphore, #tpu.memory_space<semaphore_mem>>) src(%arg11 : memref<400x128xf32, #tpu.memory_space<vmem>>) dst(%dma_wait3A_88 : memref<400x128xf32, #tpu.memory_space<hbm>>)
    %dma_start3A_89 = arith.constant 1600 : i32
    %dma_start3A_90 = tpu.memref_slice %arg7[%dma_start3A_89] : memref<2000xi32, #tpu.memory_space<vmem>> -> memref<400xi32, #tpu.memory_space<vmem>>
    %dma_start3A_91 = arith.constant 0 : i32
    %dma_start3A_92 = arith.constant 0 : i32
    %dma_start3A_93 = tpu.memref_slice %arg2[%dma_start3A_91, %dma_start3A_92] : memref<100000x128xf32, #tpu.memory_space<hbm>> -> memref<100000x128xf32, #tpu.memory_space<hbm>>
    tpu.enqueue_indirect_dma source(%dma_start3A_93 : memref<100000x128xf32, #tpu.memory_space<hbm>>) target(%arg11 : memref<400x128xf32, #tpu.memory_space<vmem>>) offsets(%dma_start3A_90 : memref<400xi32, #tpu.memory_space<vmem>>) semaphore(%arg13 : memref<!tpu.dma_semaphore, #tpu.memory_space<semaphore_mem>>)
    %dma_wait3A_94 = arith.constant 0 : i32
    %dma_wait3A_95 = tpu.memref_slice %arg7[%dma_wait3A_94] : memref<2000xi32, #tpu.memory_space<vmem>> -> memref<400xi32, #tpu.memory_space<vmem>>
    %dma_wait3A_96 = arith.constant 0 : i32
    %dma_wait3A_97 = arith.constant 0 : i32
    %dma_wait3A_98 = tpu.memref_slice %arg2[%dma_wait3A_96, %dma_wait3A_97] : memref<100000x128xf32, #tpu.memory_space<hbm>> -> memref<100000x128xf32, #tpu.memory_space<hbm>>
    tpu.wait_indirect_dma semaphore(%arg14 : memref<!tpu.dma_semaphore, #tpu.memory_space<semaphore_mem>>) src(%dma_wait3A_98 : memref<100000x128xf32, #tpu.memory_space<hbm>>) dst(%arg12 : memref<400x128xf32, #tpu.memory_space<vmem>>)
    %add3A_99 = arith.constant 1200 : i32
    %add3A_100 = arith.addi %mul3A_2, %add3A_99 : i32
    %dma_start3A_101 = arith.constant 0 : i32
    %dma_start3A_102 = tpu.memref_slice %arg5[%add3A_100, %dma_start3A_101] : memref<64000x128xf32, #tpu.memory_space<hbm>> -> memref<400x128xf32, #tpu.memory_space<hbm>>
    %dma_start3A_103 = arith.constant 0 : i32
    %dma_start3A_104 = tpu.memref_slice %arg5[%add3A_100, %dma_start3A_103] : memref<64000x128xf32, #tpu.memory_space<hbm>> -> memref<400x128xf32, #tpu.memory_space<hbm>>
    tpu.enqueue_dma source(%arg12 : memref<400x128xf32, #tpu.memory_space<vmem>>) target(%dma_start3A_104 : memref<400x128xf32, #tpu.memory_space<hbm>>) target_semaphore(%arg16 : memref<!tpu.dma_semaphore, #tpu.memory_space<semaphore_mem>>)
    %dma_wait3A_105 = arith.constant 0 : i32
    %dma_wait3A_106 = tpu.memref_slice %arg7[%dma_wait3A_105] : memref<2000xi32, #tpu.memory_space<vmem>> -> memref<400xi32, #tpu.memory_space<vmem>>
    %dma_wait3A_107 = arith.constant 0 : i32
    %dma_wait3A_108 = arith.constant 0 : i32
    %dma_wait3A_109 = tpu.memref_slice %arg2[%dma_wait3A_107, %dma_wait3A_108] : memref<100000x128xf32, #tpu.memory_space<hbm>> -> memref<100000x128xf32, #tpu.memory_space<hbm>>
    tpu.wait_indirect_dma semaphore(%arg13 : memref<!tpu.dma_semaphore, #tpu.memory_space<semaphore_mem>>) src(%dma_wait3A_109 : memref<100000x128xf32, #tpu.memory_space<hbm>>) dst(%arg11 : memref<400x128xf32, #tpu.memory_space<vmem>>)
    %add3A_110 = arith.constant 1600 : i32
    %add3A_111 = arith.addi %mul3A_2, %add3A_110 : i32
    %dma_start3A_112 = arith.constant 0 : i32
    %dma_start3A_113 = tpu.memref_slice %arg5[%add3A_111, %dma_start3A_112] : memref<64000x128xf32, #tpu.memory_space<hbm>> -> memref<400x128xf32, #tpu.memory_space<hbm>>
    %dma_start3A_114 = arith.constant 0 : i32
    %dma_start3A_115 = tpu.memref_slice %arg5[%add3A_111, %dma_start3A_114] : memref<64000x128xf32, #tpu.memory_space<hbm>> -> memref<400x128xf32, #tpu.memory_space<hbm>>
    tpu.enqueue_dma source(%arg11 : memref<400x128xf32, #tpu.memory_space<vmem>>) target(%dma_start3A_115 : memref<400x128xf32, #tpu.memory_space<hbm>>) target_semaphore(%arg15 : memref<!tpu.dma_semaphore, #tpu.memory_space<semaphore_mem>>)
    %dma_wait3A_116 = arith.constant 0 : i32
    %dma_wait3A_117 = tpu.memref_slice %arg5[%mul3A_2, %dma_wait3A_116] : memref<64000x128xf32, #tpu.memory_space<hbm>> -> memref<400x128xf32, #tpu.memory_space<hbm>>
    %dma_wait3A_118 = arith.constant 0 : i32
    %dma_wait3A_119 = tpu.memref_slice %arg5[%mul3A_2, %dma_wait3A_118] : memref<64000x128xf32, #tpu.memory_space<hbm>> -> memref<400x128xf32, #tpu.memory_space<hbm>>
    tpu.wait_dma2 semaphore(%arg15 : memref<!tpu.dma_semaphore, #tpu.memory_space<semaphore_mem>>) src(%arg11 : memref<400x128xf32, #tpu.memory_space<vmem>>) dst(%dma_wait3A_119 : memref<400x128xf32, #tpu.memory_space<hbm>>)
    %dma_wait3A_120 = arith.constant 0 : i32
    %dma_wait3A_121 = tpu.memref_slice %arg5[%mul3A_2, %dma_wait3A_120] : memref<64000x128xf32, #tpu.memory_space<hbm>> -> memref<400x128xf32, #tpu.memory_space<hbm>>
    %dma_wait3A_122 = arith.constant 0 : i32
    %dma_wait3A_123 = tpu.memref_slice %arg5[%mul3A_2, %dma_wait3A_122] : memref<64000x128xf32, #tpu.memory_space<hbm>> -> memref<400x128xf32, #tpu.memory_space<hbm>>
    tpu.wait_dma2 semaphore(%arg16 : memref<!tpu.dma_semaphore, #tpu.memory_space<semaphore_mem>>) src(%arg12 : memref<400x128xf32, #tpu.memory_space<vmem>>) dst(%dma_wait3A_123 : memref<400x128xf32, #tpu.memory_space<hbm>>)
    %dma_wait3A_124 = arith.constant 0 : i32
    %dma_wait3A_125 = arith.constant 0 : i32
    %dma_wait3A_126 = tpu.memref_slice %arg2[%dma_wait3A_124, %dma_wait3A_125] : memref<100000x128xf32, #tpu.memory_space<hbm>> -> memref<100000x128xf32, #tpu.memory_space<hbm>>
    tpu.wait_indirect_dma semaphore(%arg10 : memref<!tpu.dma_semaphore, #tpu.memory_space<semaphore_mem>>) src(%dma_wait3A_126 : memref<100000x128xf32, #tpu.memory_space<hbm>>) dst(%arg9 : memref<64x128xf32, #tpu.memory_space<vmem>>)
    "tpu.region"() ({
      %run_scoped3A = tpu.sem_alloc : memref<!tpu.dma_semaphore, #tpu.memory_space<semaphore_mem>>
      %dma_start3A_127 = arith.constant 0 : i32
      %dma_start3A_128 = tpu.memref_slice %arg6[%mul3A_4, %dma_start3A_127] : memref<2048x128xf32, #tpu.memory_space<hbm>> -> memref<64x128xf32, #tpu.memory_space<hbm>>
      %dma_start3A_129 = arith.constant 0 : i32
      %dma_start3A_130 = tpu.memref_slice %arg6[%mul3A_4, %dma_start3A_129] : memref<2048x128xf32, #tpu.memory_space<hbm>> -> memref<64x128xf32, #tpu.memory_space<hbm>>
      tpu.enqueue_dma source(%arg9 : memref<64x128xf32, #tpu.memory_space<vmem>>) target(%dma_start3A_130 : memref<64x128xf32, #tpu.memory_space<hbm>>) target_semaphore(%run_scoped3A : memref<!tpu.dma_semaphore, #tpu.memory_space<semaphore_mem>>)
      %dma_wait3A_131 = arith.constant 0 : i32
      %dma_wait3A_132 = tpu.memref_slice %arg6[%mul3A_4, %dma_wait3A_131] : memref<2048x128xf32, #tpu.memory_space<hbm>> -> memref<64x128xf32, #tpu.memory_space<hbm>>
      %dma_wait3A_133 = arith.constant 0 : i32
      %dma_wait3A_134 = tpu.memref_slice %arg6[%mul3A_4, %dma_wait3A_133] : memref<2048x128xf32, #tpu.memory_space<hbm>> -> memref<64x128xf32, #tpu.memory_space<hbm>>
      tpu.wait_dma2 semaphore(%run_scoped3A : memref<!tpu.dma_semaphore, #tpu.memory_space<semaphore_mem>>) src(%arg9 : memref<64x128xf32, #tpu.memory_space<vmem>>) dst(%dma_wait3A_134 : memref<64x128xf32, #tpu.memory_space<hbm>>)
      tpu.yield
    }) : () -> ()
    return
  }
}

#map = affine_map<(d0, d1) -> (0, 0)>
#map1 = affine_map<(d0, d1) -> (0)>
module attributes {stable_mosaic.version = 14 : i64} {
  func.func @_sc_gather_body(%arg0: i32, %arg1: i32, %arg2: memref<100000x128xf32, #tpu.memory_space<hbm>>, %arg3: memref<64000xi32, #tpu.memory_space<hbm>>, %arg4: memref<2048xi32, #tpu.memory_space<hbm>>, %arg5: memref<64000x128xf32, #tpu.memory_space<hbm>>, %arg6: memref<2048x128xf32, #tpu.memory_space<hbm>>, %arg7: memref<2000xi32, #tpu.memory_space<vmem>>, %arg8: memref<64xi32, #tpu.memory_space<vmem>>, %arg9: memref<64x128xf32, #tpu.memory_space<vmem>>, %arg10: memref<!tpu.dma_semaphore, #tpu.memory_space<semaphore_mem>>, %arg11: memref<400x128xf32, #tpu.memory_space<vmem>>, %arg12: memref<400x128xf32, #tpu.memory_space<vmem>>, %arg13: memref<!tpu.dma_semaphore, #tpu.memory_space<semaphore_mem>>, %arg14: memref<!tpu.dma_semaphore, #tpu.memory_space<semaphore_mem>>, %arg15: memref<!tpu.dma_semaphore, #tpu.memory_space<semaphore_mem>>, %arg16: memref<!tpu.dma_semaphore, #tpu.memory_space<semaphore_mem>>) attributes {dimension_semantics = [#tpu.dimension_semantics<core_parallel>, #tpu.dimension_semantics<subcore_parallel>], iteration_bounds = array<i64: 2, 16>, scalar_prefetch = 0 : i64, scratch_operands = 10 : i64, tpu.core_type = #tpu.core_type<sc_vector_subcore>, window_params = [{transform_indices = #map}, {transform_indices = #map1}, {transform_indices = #map1}, {transform_indices = #map}, {transform_indices = #map}]} {
    %mul3A = arith.constant 2 : i32
    %mul3A_0 = arith.muli %arg1, %mul3A : i32
    %add3A = arith.addi %mul3A_0, %arg0 : i32
    %mul3A_1 = arith.constant 2000 : i32
    %mul3A_2 = arith.muli %add3A, %mul3A_1 : i32
    "tpu.region"() ({
      %run_scoped3A = tpu.sem_alloc : memref<!tpu.dma_semaphore, #tpu.memory_space<semaphore_mem>>
      %dma_start3A_127 = tpu.memref_slice %arg3[%mul3A_2] : memref<64000xi32, #tpu.memory_space<hbm>> -> memref<2000xi32, #tpu.memory_space<hbm>>
      %dma_start3A_128 = tpu.memref_slice %arg3[%mul3A_2] : memref<64000xi32, #tpu.memory_space<hbm>> -> memref<2000xi32, #tpu.memory_space<hbm>>
      tpu.enqueue_dma source(%dma_start3A_128 : memref<2000xi32, #tpu.memory_space<hbm>>) target(%arg7 : memref<2000xi32, #tpu.memory_space<vmem>>) target_semaphore(%run_scoped3A : memref<!tpu.dma_semaphore, #tpu.memory_space<semaphore_mem>>)
      %dma_wait3A_129 = tpu.memref_slice %arg3[%mul3A_2] : memref<64000xi32, #tpu.memory_space<hbm>> -> memref<2000xi32, #tpu.memory_space<hbm>>
      %dma_wait3A_130 = tpu.memref_slice %arg3[%mul3A_2] : memref<64000xi32, #tpu.memory_space<hbm>> -> memref<2000xi32, #tpu.memory_space<hbm>>
      tpu.wait_dma2 semaphore(%run_scoped3A : memref<!tpu.dma_semaphore, #tpu.memory_space<semaphore_mem>>) src(%dma_wait3A_130 : memref<2000xi32, #tpu.memory_space<hbm>>) dst(%arg7 : memref<2000xi32, #tpu.memory_space<vmem>>)
      tpu.yield
    }) : () -> ()
    %mul3A_3 = arith.constant 64 : i32
    %mul3A_4 = arith.muli %add3A, %mul3A_3 : i32
    %dma_start3A = arith.constant 0 : i32
    %dma_start3A_5 = tpu.memref_slice %arg7[%dma_start3A] : memref<2000xi32, #tpu.memory_space<vmem>> -> memref<400xi32, #tpu.memory_space<vmem>>
    %dma_start3A_6 = arith.constant 0 : i32
    %dma_start3A_7 = arith.constant 0 : i32
    %dma_start3A_8 = tpu.memref_slice %arg2[%dma_start3A_6, %dma_start3A_7] : memref<100000x128xf32, #tpu.memory_space<hbm>> -> memref<100000x128xf32, #tpu.memory_space<hbm>>
    tpu.enqueue_indirect_dma source(%dma_start3A_8 : memref<100000x128xf32, #tpu.memory_space<hbm>>) target(%arg11 : memref<400x128xf32, #tpu.memory_space<vmem>>) offsets(%dma_start3A_5 : memref<400xi32, #tpu.memory_space<vmem>>) semaphore(%arg13 : memref<!tpu.dma_semaphore, #tpu.memory_space<semaphore_mem>>)
    %dma_start3A_9 = arith.constant 400 : i32
    %dma_start3A_10 = tpu.memref_slice %arg7[%dma_start3A_9] : memref<2000xi32, #tpu.memory_space<vmem>> -> memref<400xi32, #tpu.memory_space<vmem>>
    %dma_start3A_11 = arith.constant 0 : i32
    %dma_start3A_12 = arith.constant 0 : i32
    %dma_start3A_13 = tpu.memref_slice %arg2[%dma_start3A_11, %dma_start3A_12] : memref<100000x128xf32, #tpu.memory_space<hbm>> -> memref<100000x128xf32, #tpu.memory_space<hbm>>
    tpu.enqueue_indirect_dma source(%dma_start3A_13 : memref<100000x128xf32, #tpu.memory_space<hbm>>) target(%arg12 : memref<400x128xf32, #tpu.memory_space<vmem>>) offsets(%dma_start3A_10 : memref<400xi32, #tpu.memory_space<vmem>>) semaphore(%arg14 : memref<!tpu.dma_semaphore, #tpu.memory_space<semaphore_mem>>)
    "tpu.region"() ({
      %run_scoped3A = tpu.sem_alloc : memref<!tpu.dma_semaphore, #tpu.memory_space<semaphore_mem>>
      %dma_start3A_127 = tpu.memref_slice %arg4[%mul3A_4] : memref<2048xi32, #tpu.memory_space<hbm>> -> memref<64xi32, #tpu.memory_space<hbm>>
      %dma_start3A_128 = tpu.memref_slice %arg4[%mul3A_4] : memref<2048xi32, #tpu.memory_space<hbm>> -> memref<64xi32, #tpu.memory_space<hbm>>
      tpu.enqueue_dma source(%dma_start3A_128 : memref<64xi32, #tpu.memory_space<hbm>>) target(%arg8 : memref<64xi32, #tpu.memory_space<vmem>>) target_semaphore(%run_scoped3A : memref<!tpu.dma_semaphore, #tpu.memory_space<semaphore_mem>>)
      %dma_wait3A_129 = tpu.memref_slice %arg4[%mul3A_4] : memref<2048xi32, #tpu.memory_space<hbm>> -> memref<64xi32, #tpu.memory_space<hbm>>
      %dma_wait3A_130 = tpu.memref_slice %arg4[%mul3A_4] : memref<2048xi32, #tpu.memory_space<hbm>> -> memref<64xi32, #tpu.memory_space<hbm>>
      tpu.wait_dma2 semaphore(%run_scoped3A : memref<!tpu.dma_semaphore, #tpu.memory_space<semaphore_mem>>) src(%dma_wait3A_130 : memref<64xi32, #tpu.memory_space<hbm>>) dst(%arg8 : memref<64xi32, #tpu.memory_space<vmem>>)
      tpu.yield
    }) : () -> ()
    %dma_start3A_14 = arith.constant 0 : i32
    %dma_start3A_15 = arith.constant 0 : i32
    %dma_start3A_16 = tpu.memref_slice %arg2[%dma_start3A_14, %dma_start3A_15] : memref<100000x128xf32, #tpu.memory_space<hbm>> -> memref<100000x128xf32, #tpu.memory_space<hbm>>
    tpu.enqueue_indirect_dma source(%dma_start3A_16 : memref<100000x128xf32, #tpu.memory_space<hbm>>) target(%arg9 : memref<64x128xf32, #tpu.memory_space<vmem>>) offsets(%arg8 : memref<64xi32, #tpu.memory_space<vmem>>) semaphore(%arg10 : memref<!tpu.dma_semaphore, #tpu.memory_space<semaphore_mem>>)
    %scan3A = arith.constant 0 : i32
    %scan3A_17 = arith.constant 0 : i32
    %mul3A_18 = arith.constant 2 : i32
    %mul3A_19 = arith.muli %scan3A_17, %mul3A_18 : i32
    %add3A_20 = arith.constant 0 : i32
    %add3A_21 = arith.addi %mul3A_19, %add3A_20 : i32
    %dma_wait3A = arith.constant 0 : i32
    %dma_wait3A_22 = tpu.memref_slice %arg7[%dma_wait3A] : memref<2000xi32, #tpu.memory_space<vmem>> -> memref<400xi32, #tpu.memory_space<vmem>>
    %dma_wait3A_23 = arith.constant 0 : i32
    %dma_wait3A_24 = arith.constant 0 : i32
    %dma_wait3A_25 = tpu.memref_slice %arg2[%dma_wait3A_23, %dma_wait3A_24] : memref<100000x128xf32, #tpu.memory_space<hbm>> -> memref<100000x128xf32, #tpu.memory_space<hbm>>
    tpu.wait_indirect_dma semaphore(%arg13 : memref<!tpu.dma_semaphore, #tpu.memory_space<semaphore_mem>>) src(%dma_wait3A_25 : memref<100000x128xf32, #tpu.memory_space<hbm>>) dst(%arg11 : memref<400x128xf32, #tpu.memory_space<vmem>>)
    %mul3A_26 = arith.constant 400 : i32
    %mul3A_27 = arith.muli %add3A_21, %mul3A_26 : i32
    %add3A_28 = arith.addi %mul3A_2, %mul3A_27 : i32
    %dma_start3A_29 = arith.constant 0 : i32
    %dma_start3A_30 = tpu.memref_slice %arg5[%add3A_28, %dma_start3A_29] : memref<64000x128xf32, #tpu.memory_space<hbm>> -> memref<400x128xf32, #tpu.memory_space<hbm>>
    %dma_start3A_31 = arith.constant 0 : i32
    %dma_start3A_32 = tpu.memref_slice %arg5[%add3A_28, %dma_start3A_31] : memref<64000x128xf32, #tpu.memory_space<hbm>> -> memref<400x128xf32, #tpu.memory_space<hbm>>
    tpu.enqueue_dma source(%arg11 : memref<400x128xf32, #tpu.memory_space<vmem>>) target(%dma_start3A_32 : memref<400x128xf32, #tpu.memory_space<hbm>>) target_semaphore(%arg15 : memref<!tpu.dma_semaphore, #tpu.memory_space<semaphore_mem>>)
    %dma_wait3A_33 = arith.constant 0 : i32
    %dma_wait3A_34 = tpu.memref_slice %arg5[%mul3A_2, %dma_wait3A_33] : memref<64000x128xf32, #tpu.memory_space<hbm>> -> memref<400x128xf32, #tpu.memory_space<hbm>>
    %dma_wait3A_35 = arith.constant 0 : i32
    %dma_wait3A_36 = tpu.memref_slice %arg5[%mul3A_2, %dma_wait3A_35] : memref<64000x128xf32, #tpu.memory_space<hbm>> -> memref<400x128xf32, #tpu.memory_space<hbm>>
    tpu.wait_dma2 semaphore(%arg15 : memref<!tpu.dma_semaphore, #tpu.memory_space<semaphore_mem>>) src(%arg11 : memref<400x128xf32, #tpu.memory_space<vmem>>) dst(%dma_wait3A_36 : memref<400x128xf32, #tpu.memory_space<hbm>>)
    %add3A_37 = arith.constant 2 : i32
    %add3A_38 = arith.addi %add3A_21, %add3A_37 : i32
    %mul3A_39 = arith.constant 400 : i32
    %mul3A_40 = arith.muli %add3A_38, %mul3A_39 : i32
    %dma_start3A_41 = tpu.memref_slice %arg7[%mul3A_40] : memref<2000xi32, #tpu.memory_space<vmem>> -> memref<400xi32, #tpu.memory_space<vmem>>
    %dma_start3A_42 = arith.constant 0 : i32
    %dma_start3A_43 = arith.constant 0 : i32
    %dma_start3A_44 = tpu.memref_slice %arg2[%dma_start3A_42, %dma_start3A_43] : memref<100000x128xf32, #tpu.memory_space<hbm>> -> memref<100000x128xf32, #tpu.memory_space<hbm>>
    tpu.enqueue_indirect_dma source(%dma_start3A_44 : memref<100000x128xf32, #tpu.memory_space<hbm>>) target(%arg11 : memref<400x128xf32, #tpu.memory_space<vmem>>) offsets(%dma_start3A_41 : memref<400xi32, #tpu.memory_space<vmem>>) semaphore(%arg13 : memref<!tpu.dma_semaphore, #tpu.memory_space<semaphore_mem>>)
    %mul3A_45 = arith.constant 2 : i32
    %mul3A_46 = arith.muli %scan3A_17, %mul3A_45 : i32
    %add3A_47 = arith.constant 1 : i32
    %add3A_48 = arith.addi %mul3A_46, %add3A_47 : i32
    %dma_wait3A_49 = arith.constant 0 : i32
    %dma_wait3A_50 = tpu.memref_slice %arg7[%dma_wait3A_49] : memref<2000xi32, #tpu.memory_space<vmem>> -> memref<400xi32, #tpu.memory_space<vmem>>
    %dma_wait3A_51 = arith.constant 0 : i32
    %dma_wait3A_52 = arith.constant 0 : i32
    %dma_wait3A_53 = tpu.memref_slice %arg2[%dma_wait3A_51, %dma_wait3A_52] : memref<100000x128xf32, #tpu.memory_space<hbm>> -> memref<100000x128xf32, #tpu.memory_space<hbm>>
    tpu.wait_indirect_dma semaphore(%arg14 : memref<!tpu.dma_semaphore, #tpu.memory_space<semaphore_mem>>) src(%dma_wait3A_53 : memref<100000x128xf32, #tpu.memory_space<hbm>>) dst(%arg12 : memref<400x128xf32, #tpu.memory_space<vmem>>)
    %mul3A_54 = arith.constant 400 : i32
    %mul3A_55 = arith.muli %add3A_48, %mul3A_54 : i32
    %add3A_56 = arith.addi %mul3A_2, %mul3A_55 : i32
    %dma_start3A_57 = arith.constant 0 : i32
    %dma_start3A_58 = tpu.memref_slice %arg5[%add3A_56, %dma_start3A_57] : memref<64000x128xf32, #tpu.memory_space<hbm>> -> memref<400x128xf32, #tpu.memory_space<hbm>>
    %dma_start3A_59 = arith.constant 0 : i32
    %dma_start3A_60 = tpu.memref_slice %arg5[%add3A_56, %dma_start3A_59] : memref<64000x128xf32, #tpu.memory_space<hbm>> -> memref<400x128xf32, #tpu.memory_space<hbm>>
    tpu.enqueue_dma source(%arg12 : memref<400x128xf32, #tpu.memory_space<vmem>>) target(%dma_start3A_60 : memref<400x128xf32, #tpu.memory_space<hbm>>) target_semaphore(%arg16 : memref<!tpu.dma_semaphore, #tpu.memory_space<semaphore_mem>>)
    %dma_wait3A_61 = arith.constant 0 : i32
    %dma_wait3A_62 = tpu.memref_slice %arg5[%mul3A_2, %dma_wait3A_61] : memref<64000x128xf32, #tpu.memory_space<hbm>> -> memref<400x128xf32, #tpu.memory_space<hbm>>
    %dma_wait3A_63 = arith.constant 0 : i32
    %dma_wait3A_64 = tpu.memref_slice %arg5[%mul3A_2, %dma_wait3A_63] : memref<64000x128xf32, #tpu.memory_space<hbm>> -> memref<400x128xf32, #tpu.memory_space<hbm>>
    tpu.wait_dma2 semaphore(%arg16 : memref<!tpu.dma_semaphore, #tpu.memory_space<semaphore_mem>>) src(%arg12 : memref<400x128xf32, #tpu.memory_space<vmem>>) dst(%dma_wait3A_64 : memref<400x128xf32, #tpu.memory_space<hbm>>)
    %add3A_65 = arith.constant 2 : i32
    %add3A_66 = arith.addi %add3A_48, %add3A_65 : i32
    %mul3A_67 = arith.constant 400 : i32
    %mul3A_68 = arith.muli %add3A_66, %mul3A_67 : i32
    %dma_start3A_69 = tpu.memref_slice %arg7[%mul3A_68] : memref<2000xi32, #tpu.memory_space<vmem>> -> memref<400xi32, #tpu.memory_space<vmem>>
    %dma_start3A_70 = arith.constant 0 : i32
    %dma_start3A_71 = arith.constant 0 : i32
    %dma_start3A_72 = tpu.memref_slice %arg2[%dma_start3A_70, %dma_start3A_71] : memref<100000x128xf32, #tpu.memory_space<hbm>> -> memref<100000x128xf32, #tpu.memory_space<hbm>>
    tpu.enqueue_indirect_dma source(%dma_start3A_72 : memref<100000x128xf32, #tpu.memory_space<hbm>>) target(%arg12 : memref<400x128xf32, #tpu.memory_space<vmem>>) offsets(%dma_start3A_69 : memref<400xi32, #tpu.memory_space<vmem>>) semaphore(%arg14 : memref<!tpu.dma_semaphore, #tpu.memory_space<semaphore_mem>>)
    %scan3A_73 = arith.constant 1 : i32
    %dma_wait3A_74 = arith.constant 0 : i32
    %dma_wait3A_75 = tpu.memref_slice %arg7[%dma_wait3A_74] : memref<2000xi32, #tpu.memory_space<vmem>> -> memref<400xi32, #tpu.memory_space<vmem>>
    %dma_wait3A_76 = arith.constant 0 : i32
    %dma_wait3A_77 = arith.constant 0 : i32
    %dma_wait3A_78 = tpu.memref_slice %arg2[%dma_wait3A_76, %dma_wait3A_77] : memref<100000x128xf32, #tpu.memory_space<hbm>> -> memref<100000x128xf32, #tpu.memory_space<hbm>>
    tpu.wait_indirect_dma semaphore(%arg13 : memref<!tpu.dma_semaphore, #tpu.memory_space<semaphore_mem>>) src(%dma_wait3A_78 : memref<100000x128xf32, #tpu.memory_space<hbm>>) dst(%arg11 : memref<400x128xf32, #tpu.memory_space<vmem>>)
    %add3A_79 = arith.constant 800 : i32
    %add3A_80 = arith.addi %mul3A_2, %add3A_79 : i32
    %dma_start3A_81 = arith.constant 0 : i32
    %dma_start3A_82 = tpu.memref_slice %arg5[%add3A_80, %dma_start3A_81] : memref<64000x128xf32, #tpu.memory_space<hbm>> -> memref<400x128xf32, #tpu.memory_space<hbm>>
    %dma_start3A_83 = arith.constant 0 : i32
    %dma_start3A_84 = tpu.memref_slice %arg5[%add3A_80, %dma_start3A_83] : memref<64000x128xf32, #tpu.memory_space<hbm>> -> memref<400x128xf32, #tpu.memory_space<hbm>>
    tpu.enqueue_dma source(%arg11 : memref<400x128xf32, #tpu.memory_space<vmem>>) target(%dma_start3A_84 : memref<400x128xf32, #tpu.memory_space<hbm>>) target_semaphore(%arg15 : memref<!tpu.dma_semaphore, #tpu.memory_space<semaphore_mem>>)
    %dma_wait3A_85 = arith.constant 0 : i32
    %dma_wait3A_86 = tpu.memref_slice %arg5[%mul3A_2, %dma_wait3A_85] : memref<64000x128xf32, #tpu.memory_space<hbm>> -> memref<400x128xf32, #tpu.memory_space<hbm>>
    %dma_wait3A_87 = arith.constant 0 : i32
    %dma_wait3A_88 = tpu.memref_slice %arg5[%mul3A_2, %dma_wait3A_87] : memref<64000x128xf32, #tpu.memory_space<hbm>> -> memref<400x128xf32, #tpu.memory_space<hbm>>
    tpu.wait_dma2 semaphore(%arg15 : memref<!tpu.dma_semaphore, #tpu.memory_space<semaphore_mem>>) src(%arg11 : memref<400x128xf32, #tpu.memory_space<vmem>>) dst(%dma_wait3A_88 : memref<400x128xf32, #tpu.memory_space<hbm>>)
    %dma_start3A_89 = arith.constant 1600 : i32
    %dma_start3A_90 = tpu.memref_slice %arg7[%dma_start3A_89] : memref<2000xi32, #tpu.memory_space<vmem>> -> memref<400xi32, #tpu.memory_space<vmem>>
    %dma_start3A_91 = arith.constant 0 : i32
    %dma_start3A_92 = arith.constant 0 : i32
    %dma_start3A_93 = tpu.memref_slice %arg2[%dma_start3A_91, %dma_start3A_92] : memref<100000x128xf32, #tpu.memory_space<hbm>> -> memref<100000x128xf32, #tpu.memory_space<hbm>>
    tpu.enqueue_indirect_dma source(%dma_start3A_93 : memref<100000x128xf32, #tpu.memory_space<hbm>>) target(%arg11 : memref<400x128xf32, #tpu.memory_space<vmem>>) offsets(%dma_start3A_90 : memref<400xi32, #tpu.memory_space<vmem>>) semaphore(%arg13 : memref<!tpu.dma_semaphore, #tpu.memory_space<semaphore_mem>>)
    %dma_wait3A_94 = arith.constant 0 : i32
    %dma_wait3A_95 = tpu.memref_slice %arg7[%dma_wait3A_94] : memref<2000xi32, #tpu.memory_space<vmem>> -> memref<400xi32, #tpu.memory_space<vmem>>
    %dma_wait3A_96 = arith.constant 0 : i32
    %dma_wait3A_97 = arith.constant 0 : i32
    %dma_wait3A_98 = tpu.memref_slice %arg2[%dma_wait3A_96, %dma_wait3A_97] : memref<100000x128xf32, #tpu.memory_space<hbm>> -> memref<100000x128xf32, #tpu.memory_space<hbm>>
    tpu.wait_indirect_dma semaphore(%arg14 : memref<!tpu.dma_semaphore, #tpu.memory_space<semaphore_mem>>) src(%dma_wait3A_98 : memref<100000x128xf32, #tpu.memory_space<hbm>>) dst(%arg12 : memref<400x128xf32, #tpu.memory_space<vmem>>)
    %add3A_99 = arith.constant 1200 : i32
    %add3A_100 = arith.addi %mul3A_2, %add3A_99 : i32
    %dma_start3A_101 = arith.constant 0 : i32
    %dma_start3A_102 = tpu.memref_slice %arg5[%add3A_100, %dma_start3A_101] : memref<64000x128xf32, #tpu.memory_space<hbm>> -> memref<400x128xf32, #tpu.memory_space<hbm>>
    %dma_start3A_103 = arith.constant 0 : i32
    %dma_start3A_104 = tpu.memref_slice %arg5[%add3A_100, %dma_start3A_103] : memref<64000x128xf32, #tpu.memory_space<hbm>> -> memref<400x128xf32, #tpu.memory_space<hbm>>
    tpu.enqueue_dma source(%arg12 : memref<400x128xf32, #tpu.memory_space<vmem>>) target(%dma_start3A_104 : memref<400x128xf32, #tpu.memory_space<hbm>>) target_semaphore(%arg16 : memref<!tpu.dma_semaphore, #tpu.memory_space<semaphore_mem>>)
    %dma_wait3A_105 = arith.constant 0 : i32
    %dma_wait3A_106 = tpu.memref_slice %arg7[%dma_wait3A_105] : memref<2000xi32, #tpu.memory_space<vmem>> -> memref<400xi32, #tpu.memory_space<vmem>>
    %dma_wait3A_107 = arith.constant 0 : i32
    %dma_wait3A_108 = arith.constant 0 : i32
    %dma_wait3A_109 = tpu.memref_slice %arg2[%dma_wait3A_107, %dma_wait3A_108] : memref<100000x128xf32, #tpu.memory_space<hbm>> -> memref<100000x128xf32, #tpu.memory_space<hbm>>
    tpu.wait_indirect_dma semaphore(%arg13 : memref<!tpu.dma_semaphore, #tpu.memory_space<semaphore_mem>>) src(%dma_wait3A_109 : memref<100000x128xf32, #tpu.memory_space<hbm>>) dst(%arg11 : memref<400x128xf32, #tpu.memory_space<vmem>>)
    %add3A_110 = arith.constant 1600 : i32
    %add3A_111 = arith.addi %mul3A_2, %add3A_110 : i32
    %dma_start3A_112 = arith.constant 0 : i32
    %dma_start3A_113 = tpu.memref_slice %arg5[%add3A_111, %dma_start3A_112] : memref<64000x128xf32, #tpu.memory_space<hbm>> -> memref<400x128xf32, #tpu.memory_space<hbm>>
    %dma_start3A_114 = arith.constant 0 : i32
    %dma_start3A_115 = tpu.memref_slice %arg5[%add3A_111, %dma_start3A_114] : memref<64000x128xf32, #tpu.memory_space<hbm>> -> memref<400x128xf32, #tpu.memory_space<hbm>>
    tpu.enqueue_dma source(%arg11 : memref<400x128xf32, #tpu.memory_space<vmem>>) target(%dma_start3A_115 : memref<400x128xf32, #tpu.memory_space<hbm>>) target_semaphore(%arg15 : memref<!tpu.dma_semaphore, #tpu.memory_space<semaphore_mem>>)
    %dma_wait3A_116 = arith.constant 0 : i32
    %dma_wait3A_117 = tpu.memref_slice %arg5[%mul3A_2, %dma_wait3A_116] : memref<64000x128xf32, #tpu.memory_space<hbm>> -> memref<400x128xf32, #tpu.memory_space<hbm>>
    %dma_wait3A_118 = arith.constant 0 : i32
    %dma_wait3A_119 = tpu.memref_slice %arg5[%mul3A_2, %dma_wait3A_118] : memref<64000x128xf32, #tpu.memory_space<hbm>> -> memref<400x128xf32, #tpu.memory_space<hbm>>
    tpu.wait_dma2 semaphore(%arg15 : memref<!tpu.dma_semaphore, #tpu.memory_space<semaphore_mem>>) src(%arg11 : memref<400x128xf32, #tpu.memory_space<vmem>>) dst(%dma_wait3A_119 : memref<400x128xf32, #tpu.memory_space<hbm>>)
    %dma_wait3A_120 = arith.constant 0 : i32
    %dma_wait3A_121 = tpu.memref_slice %arg5[%mul3A_2, %dma_wait3A_120] : memref<64000x128xf32, #tpu.memory_space<hbm>> -> memref<400x128xf32, #tpu.memory_space<hbm>>
    %dma_wait3A_122 = arith.constant 0 : i32
    %dma_wait3A_123 = tpu.memref_slice %arg5[%mul3A_2, %dma_wait3A_122] : memref<64000x128xf32, #tpu.memory_space<hbm>> -> memref<400x128xf32, #tpu.memory_space<hbm>>
    tpu.wait_dma2 semaphore(%arg16 : memref<!tpu.dma_semaphore, #tpu.memory_space<semaphore_mem>>) src(%arg12 : memref<400x128xf32, #tpu.memory_space<vmem>>) dst(%dma_wait3A_123 : memref<400x128xf32, #tpu.memory_space<hbm>>)
    %dma_wait3A_124 = arith.constant 0 : i32
    %dma_wait3A_125 = arith.constant 0 : i32
    %dma_wait3A_126 = tpu.memref_slice %arg2[%dma_wait3A_124, %dma_wait3A_125] : memref<100000x128xf32, #tpu.memory_space<hbm>> -> memref<100000x128xf32, #tpu.memory_space<hbm>>
    tpu.wait_indirect_dma semaphore(%arg10 : memref<!tpu.dma_semaphore, #tpu.memory_space<semaphore_mem>>) src(%dma_wait3A_126 : memref<100000x128xf32, #tpu.memory_space<hbm>>) dst(%arg9 : memref<64x128xf32, #tpu.memory_space<vmem>>)
    "tpu.region"() ({
      %run_scoped3A = tpu.sem_alloc : memref<!tpu.dma_semaphore, #tpu.memory_space<semaphore_mem>>
      %dma_start3A_127 = arith.constant 0 : i32
      %dma_start3A_128 = tpu.memref_slice %arg6[%mul3A_4, %dma_start3A_127] : memref<2048x128xf32, #tpu.memory_space<hbm>> -> memref<64x128xf32, #tpu.memory_space<hbm>>
      %dma_start3A_129 = arith.constant 0 : i32
      %dma_start3A_130 = tpu.memref_slice %arg6[%mul3A_4, %dma_start3A_129] : memref<2048x128xf32, #tpu.memory_space<hbm>> -> memref<64x128xf32, #tpu.memory_space<hbm>>
      tpu.enqueue_dma source(%arg9 : memref<64x128xf32, #tpu.memory_space<vmem>>) target(%dma_start3A_130 : memref<64x128xf32, #tpu.memory_space<hbm>>) target_semaphore(%run_scoped3A : memref<!tpu.dma_semaphore, #tpu.memory_space<semaphore_mem>>)
      %dma_wait3A_131 = arith.constant 0 : i32
      %dma_wait3A_132 = tpu.memref_slice %arg6[%mul3A_4, %dma_wait3A_131] : memref<2048x128xf32, #tpu.memory_space<hbm>> -> memref<64x128xf32, #tpu.memory_space<hbm>>
      %dma_wait3A_133 = arith.constant 0 : i32
      %dma_wait3A_134 = tpu.memref_slice %arg6[%mul3A_4, %dma_wait3A_133] : memref<2048x128xf32, #tpu.memory_space<hbm>> -> memref<64x128xf32, #tpu.memory_space<hbm>>
      tpu.wait_dma2 semaphore(%run_scoped3A : memref<!tpu.dma_semaphore, #tpu.memory_space<semaphore_mem>>) src(%arg9 : memref<64x128xf32, #tpu.memory_space<vmem>>) dst(%dma_wait3A_134 : memref<64x128xf32, #tpu.memory_space<hbm>>)
      tpu.yield
    }) : () -> ()
    return
  }
}

#map = affine_map<(d0, d1) -> (0, 0)>
#map1 = affine_map<(d0, d1) -> (0)>
module attributes {stable_mosaic.version = 14 : i64} {
  func.func @_sc_gather_body(%arg0: i32, %arg1: i32, %arg2: memref<100000x128xf32, #tpu.memory_space<hbm>>, %arg3: memref<64000xi32, #tpu.memory_space<hbm>>, %arg4: memref<2048xi32, #tpu.memory_space<hbm>>, %arg5: memref<64000x128xf32, #tpu.memory_space<hbm>>, %arg6: memref<2048x128xf32, #tpu.memory_space<hbm>>, %arg7: memref<2000xi32, #tpu.memory_space<vmem>>, %arg8: memref<64xi32, #tpu.memory_space<vmem>>, %arg9: memref<64x128xf32, #tpu.memory_space<vmem>>, %arg10: memref<!tpu.dma_semaphore, #tpu.memory_space<semaphore_mem>>, %arg11: memref<400x128xf32, #tpu.memory_space<vmem>>, %arg12: memref<400x128xf32, #tpu.memory_space<vmem>>, %arg13: memref<!tpu.dma_semaphore, #tpu.memory_space<semaphore_mem>>, %arg14: memref<!tpu.dma_semaphore, #tpu.memory_space<semaphore_mem>>, %arg15: memref<!tpu.dma_semaphore, #tpu.memory_space<semaphore_mem>>, %arg16: memref<!tpu.dma_semaphore, #tpu.memory_space<semaphore_mem>>) attributes {dimension_semantics = [#tpu.dimension_semantics<core_parallel>, #tpu.dimension_semantics<subcore_parallel>], iteration_bounds = array<i64: 2, 16>, scalar_prefetch = 0 : i64, scratch_operands = 10 : i64, tpu.core_type = #tpu.core_type<sc_vector_subcore>, window_params = [{transform_indices = #map}, {transform_indices = #map1}, {transform_indices = #map1}, {transform_indices = #map}, {transform_indices = #map}]} {
    %mul3A = arith.constant 2 : i32
    %mul3A_0 = arith.muli %arg1, %mul3A : i32
    %add3A = arith.addi %mul3A_0, %arg0 : i32
    %mul3A_1 = arith.constant 2000 : i32
    %mul3A_2 = arith.muli %add3A, %mul3A_1 : i32
    "tpu.region"() ({
      %run_scoped3A = tpu.sem_alloc : memref<!tpu.dma_semaphore, #tpu.memory_space<semaphore_mem>>
      %dma_start3A_127 = tpu.memref_slice %arg3[%mul3A_2] : memref<64000xi32, #tpu.memory_space<hbm>> -> memref<2000xi32, #tpu.memory_space<hbm>>
      %dma_start3A_128 = tpu.memref_slice %arg3[%mul3A_2] : memref<64000xi32, #tpu.memory_space<hbm>> -> memref<2000xi32, #tpu.memory_space<hbm>>
      tpu.enqueue_dma source(%dma_start3A_128 : memref<2000xi32, #tpu.memory_space<hbm>>) target(%arg7 : memref<2000xi32, #tpu.memory_space<vmem>>) target_semaphore(%run_scoped3A : memref<!tpu.dma_semaphore, #tpu.memory_space<semaphore_mem>>)
      %dma_wait3A_129 = tpu.memref_slice %arg3[%mul3A_2] : memref<64000xi32, #tpu.memory_space<hbm>> -> memref<2000xi32, #tpu.memory_space<hbm>>
      %dma_wait3A_130 = tpu.memref_slice %arg3[%mul3A_2] : memref<64000xi32, #tpu.memory_space<hbm>> -> memref<2000xi32, #tpu.memory_space<hbm>>
      tpu.wait_dma2 semaphore(%run_scoped3A : memref<!tpu.dma_semaphore, #tpu.memory_space<semaphore_mem>>) src(%dma_wait3A_130 : memref<2000xi32, #tpu.memory_space<hbm>>) dst(%arg7 : memref<2000xi32, #tpu.memory_space<vmem>>)
      tpu.yield
    }) : () -> ()
    %mul3A_3 = arith.constant 64 : i32
    %mul3A_4 = arith.muli %add3A, %mul3A_3 : i32
    %dma_start3A = arith.constant 0 : i32
    %dma_start3A_5 = tpu.memref_slice %arg7[%dma_start3A] : memref<2000xi32, #tpu.memory_space<vmem>> -> memref<400xi32, #tpu.memory_space<vmem>>
    %dma_start3A_6 = arith.constant 0 : i32
    %dma_start3A_7 = arith.constant 0 : i32
    %dma_start3A_8 = tpu.memref_slice %arg2[%dma_start3A_6, %dma_start3A_7] : memref<100000x128xf32, #tpu.memory_space<hbm>> -> memref<100000x128xf32, #tpu.memory_space<hbm>>
    tpu.enqueue_indirect_dma source(%dma_start3A_8 : memref<100000x128xf32, #tpu.memory_space<hbm>>) target(%arg11 : memref<400x128xf32, #tpu.memory_space<vmem>>) offsets(%dma_start3A_5 : memref<400xi32, #tpu.memory_space<vmem>>) semaphore(%arg13 : memref<!tpu.dma_semaphore, #tpu.memory_space<semaphore_mem>>)
    %dma_start3A_9 = arith.constant 400 : i32
    %dma_start3A_10 = tpu.memref_slice %arg7[%dma_start3A_9] : memref<2000xi32, #tpu.memory_space<vmem>> -> memref<400xi32, #tpu.memory_space<vmem>>
    %dma_start3A_11 = arith.constant 0 : i32
    %dma_start3A_12 = arith.constant 0 : i32
    %dma_start3A_13 = tpu.memref_slice %arg2[%dma_start3A_11, %dma_start3A_12] : memref<100000x128xf32, #tpu.memory_space<hbm>> -> memref<100000x128xf32, #tpu.memory_space<hbm>>
    tpu.enqueue_indirect_dma source(%dma_start3A_13 : memref<100000x128xf32, #tpu.memory_space<hbm>>) target(%arg12 : memref<400x128xf32, #tpu.memory_space<vmem>>) offsets(%dma_start3A_10 : memref<400xi32, #tpu.memory_space<vmem>>) semaphore(%arg14 : memref<!tpu.dma_semaphore, #tpu.memory_space<semaphore_mem>>)
    "tpu.region"() ({
      %run_scoped3A = tpu.sem_alloc : memref<!tpu.dma_semaphore, #tpu.memory_space<semaphore_mem>>
      %dma_start3A_127 = tpu.memref_slice %arg4[%mul3A_4] : memref<2048xi32, #tpu.memory_space<hbm>> -> memref<64xi32, #tpu.memory_space<hbm>>
      %dma_start3A_128 = tpu.memref_slice %arg4[%mul3A_4] : memref<2048xi32, #tpu.memory_space<hbm>> -> memref<64xi32, #tpu.memory_space<hbm>>
      tpu.enqueue_dma source(%dma_start3A_128 : memref<64xi32, #tpu.memory_space<hbm>>) target(%arg8 : memref<64xi32, #tpu.memory_space<vmem>>) target_semaphore(%run_scoped3A : memref<!tpu.dma_semaphore, #tpu.memory_space<semaphore_mem>>)
      %dma_wait3A_129 = tpu.memref_slice %arg4[%mul3A_4] : memref<2048xi32, #tpu.memory_space<hbm>> -> memref<64xi32, #tpu.memory_space<hbm>>
      %dma_wait3A_130 = tpu.memref_slice %arg4[%mul3A_4] : memref<2048xi32, #tpu.memory_space<hbm>> -> memref<64xi32, #tpu.memory_space<hbm>>
      tpu.wait_dma2 semaphore(%run_scoped3A : memref<!tpu.dma_semaphore, #tpu.memory_space<semaphore_mem>>) src(%dma_wait3A_130 : memref<64xi32, #tpu.memory_space<hbm>>) dst(%arg8 : memref<64xi32, #tpu.memory_space<vmem>>)
      tpu.yield
    }) : () -> ()
    %dma_start3A_14 = arith.constant 0 : i32
    %dma_start3A_15 = arith.constant 0 : i32
    %dma_start3A_16 = tpu.memref_slice %arg2[%dma_start3A_14, %dma_start3A_15] : memref<100000x128xf32, #tpu.memory_space<hbm>> -> memref<100000x128xf32, #tpu.memory_space<hbm>>
    tpu.enqueue_indirect_dma source(%dma_start3A_16 : memref<100000x128xf32, #tpu.memory_space<hbm>>) target(%arg9 : memref<64x128xf32, #tpu.memory_space<vmem>>) offsets(%arg8 : memref<64xi32, #tpu.memory_space<vmem>>) semaphore(%arg10 : memref<!tpu.dma_semaphore, #tpu.memory_space<semaphore_mem>>)
    %scan3A = arith.constant 0 : i32
    %scan3A_17 = arith.constant 0 : i32
    %mul3A_18 = arith.constant 2 : i32
    %mul3A_19 = arith.muli %scan3A_17, %mul3A_18 : i32
    %add3A_20 = arith.constant 0 : i32
    %add3A_21 = arith.addi %mul3A_19, %add3A_20 : i32
    %dma_wait3A = arith.constant 0 : i32
    %dma_wait3A_22 = tpu.memref_slice %arg7[%dma_wait3A] : memref<2000xi32, #tpu.memory_space<vmem>> -> memref<400xi32, #tpu.memory_space<vmem>>
    %dma_wait3A_23 = arith.constant 0 : i32
    %dma_wait3A_24 = arith.constant 0 : i32
    %dma_wait3A_25 = tpu.memref_slice %arg2[%dma_wait3A_23, %dma_wait3A_24] : memref<100000x128xf32, #tpu.memory_space<hbm>> -> memref<100000x128xf32, #tpu.memory_space<hbm>>
    tpu.wait_indirect_dma semaphore(%arg13 : memref<!tpu.dma_semaphore, #tpu.memory_space<semaphore_mem>>) src(%dma_wait3A_25 : memref<100000x128xf32, #tpu.memory_space<hbm>>) dst(%arg11 : memref<400x128xf32, #tpu.memory_space<vmem>>)
    %mul3A_26 = arith.constant 400 : i32
    %mul3A_27 = arith.muli %add3A_21, %mul3A_26 : i32
    %add3A_28 = arith.addi %mul3A_2, %mul3A_27 : i32
    %dma_start3A_29 = arith.constant 0 : i32
    %dma_start3A_30 = tpu.memref_slice %arg5[%add3A_28, %dma_start3A_29] : memref<64000x128xf32, #tpu.memory_space<hbm>> -> memref<400x128xf32, #tpu.memory_space<hbm>>
    %dma_start3A_31 = arith.constant 0 : i32
    %dma_start3A_32 = tpu.memref_slice %arg5[%add3A_28, %dma_start3A_31] : memref<64000x128xf32, #tpu.memory_space<hbm>> -> memref<400x128xf32, #tpu.memory_space<hbm>>
    tpu.enqueue_dma source(%arg11 : memref<400x128xf32, #tpu.memory_space<vmem>>) target(%dma_start3A_32 : memref<400x128xf32, #tpu.memory_space<hbm>>) target_semaphore(%arg15 : memref<!tpu.dma_semaphore, #tpu.memory_space<semaphore_mem>>)
    %dma_wait3A_33 = arith.constant 0 : i32
    %dma_wait3A_34 = tpu.memref_slice %arg5[%mul3A_2, %dma_wait3A_33] : memref<64000x128xf32, #tpu.memory_space<hbm>> -> memref<400x128xf32, #tpu.memory_space<hbm>>
    %dma_wait3A_35 = arith.constant 0 : i32
    %dma_wait3A_36 = tpu.memref_slice %arg5[%mul3A_2, %dma_wait3A_35] : memref<64000x128xf32, #tpu.memory_space<hbm>> -> memref<400x128xf32, #tpu.memory_space<hbm>>
    tpu.wait_dma2 semaphore(%arg15 : memref<!tpu.dma_semaphore, #tpu.memory_space<semaphore_mem>>) src(%arg11 : memref<400x128xf32, #tpu.memory_space<vmem>>) dst(%dma_wait3A_36 : memref<400x128xf32, #tpu.memory_space<hbm>>)
    %add3A_37 = arith.constant 2 : i32
    %add3A_38 = arith.addi %add3A_21, %add3A_37 : i32
    %mul3A_39 = arith.constant 400 : i32
    %mul3A_40 = arith.muli %add3A_38, %mul3A_39 : i32
    %dma_start3A_41 = tpu.memref_slice %arg7[%mul3A_40] : memref<2000xi32, #tpu.memory_space<vmem>> -> memref<400xi32, #tpu.memory_space<vmem>>
    %dma_start3A_42 = arith.constant 0 : i32
    %dma_start3A_43 = arith.constant 0 : i32
    %dma_start3A_44 = tpu.memref_slice %arg2[%dma_start3A_42, %dma_start3A_43] : memref<100000x128xf32, #tpu.memory_space<hbm>> -> memref<100000x128xf32, #tpu.memory_space<hbm>>
    tpu.enqueue_indirect_dma source(%dma_start3A_44 : memref<100000x128xf32, #tpu.memory_space<hbm>>) target(%arg11 : memref<400x128xf32, #tpu.memory_space<vmem>>) offsets(%dma_start3A_41 : memref<400xi32, #tpu.memory_space<vmem>>) semaphore(%arg13 : memref<!tpu.dma_semaphore, #tpu.memory_space<semaphore_mem>>)
    %mul3A_45 = arith.constant 2 : i32
    %mul3A_46 = arith.muli %scan3A_17, %mul3A_45 : i32
    %add3A_47 = arith.constant 1 : i32
    %add3A_48 = arith.addi %mul3A_46, %add3A_47 : i32
    %dma_wait3A_49 = arith.constant 0 : i32
    %dma_wait3A_50 = tpu.memref_slice %arg7[%dma_wait3A_49] : memref<2000xi32, #tpu.memory_space<vmem>> -> memref<400xi32, #tpu.memory_space<vmem>>
    %dma_wait3A_51 = arith.constant 0 : i32
    %dma_wait3A_52 = arith.constant 0 : i32
    %dma_wait3A_53 = tpu.memref_slice %arg2[%dma_wait3A_51, %dma_wait3A_52] : memref<100000x128xf32, #tpu.memory_space<hbm>> -> memref<100000x128xf32, #tpu.memory_space<hbm>>
    tpu.wait_indirect_dma semaphore(%arg14 : memref<!tpu.dma_semaphore, #tpu.memory_space<semaphore_mem>>) src(%dma_wait3A_53 : memref<100000x128xf32, #tpu.memory_space<hbm>>) dst(%arg12 : memref<400x128xf32, #tpu.memory_space<vmem>>)
    %mul3A_54 = arith.constant 400 : i32
    %mul3A_55 = arith.muli %add3A_48, %mul3A_54 : i32
    %add3A_56 = arith.addi %mul3A_2, %mul3A_55 : i32
    %dma_start3A_57 = arith.constant 0 : i32
    %dma_start3A_58 = tpu.memref_slice %arg5[%add3A_56, %dma_start3A_57] : memref<64000x128xf32, #tpu.memory_space<hbm>> -> memref<400x128xf32, #tpu.memory_space<hbm>>
    %dma_start3A_59 = arith.constant 0 : i32
    %dma_start3A_60 = tpu.memref_slice %arg5[%add3A_56, %dma_start3A_59] : memref<64000x128xf32, #tpu.memory_space<hbm>> -> memref<400x128xf32, #tpu.memory_space<hbm>>
    tpu.enqueue_dma source(%arg12 : memref<400x128xf32, #tpu.memory_space<vmem>>) target(%dma_start3A_60 : memref<400x128xf32, #tpu.memory_space<hbm>>) target_semaphore(%arg16 : memref<!tpu.dma_semaphore, #tpu.memory_space<semaphore_mem>>)
    %dma_wait3A_61 = arith.constant 0 : i32
    %dma_wait3A_62 = tpu.memref_slice %arg5[%mul3A_2, %dma_wait3A_61] : memref<64000x128xf32, #tpu.memory_space<hbm>> -> memref<400x128xf32, #tpu.memory_space<hbm>>
    %dma_wait3A_63 = arith.constant 0 : i32
    %dma_wait3A_64 = tpu.memref_slice %arg5[%mul3A_2, %dma_wait3A_63] : memref<64000x128xf32, #tpu.memory_space<hbm>> -> memref<400x128xf32, #tpu.memory_space<hbm>>
    tpu.wait_dma2 semaphore(%arg16 : memref<!tpu.dma_semaphore, #tpu.memory_space<semaphore_mem>>) src(%arg12 : memref<400x128xf32, #tpu.memory_space<vmem>>) dst(%dma_wait3A_64 : memref<400x128xf32, #tpu.memory_space<hbm>>)
    %add3A_65 = arith.constant 2 : i32
    %add3A_66 = arith.addi %add3A_48, %add3A_65 : i32
    %mul3A_67 = arith.constant 400 : i32
    %mul3A_68 = arith.muli %add3A_66, %mul3A_67 : i32
    %dma_start3A_69 = tpu.memref_slice %arg7[%mul3A_68] : memref<2000xi32, #tpu.memory_space<vmem>> -> memref<400xi32, #tpu.memory_space<vmem>>
    %dma_start3A_70 = arith.constant 0 : i32
    %dma_start3A_71 = arith.constant 0 : i32
    %dma_start3A_72 = tpu.memref_slice %arg2[%dma_start3A_70, %dma_start3A_71] : memref<100000x128xf32, #tpu.memory_space<hbm>> -> memref<100000x128xf32, #tpu.memory_space<hbm>>
    tpu.enqueue_indirect_dma source(%dma_start3A_72 : memref<100000x128xf32, #tpu.memory_space<hbm>>) target(%arg12 : memref<400x128xf32, #tpu.memory_space<vmem>>) offsets(%dma_start3A_69 : memref<400xi32, #tpu.memory_space<vmem>>) semaphore(%arg14 : memref<!tpu.dma_semaphore, #tpu.memory_space<semaphore_mem>>)
    %scan3A_73 = arith.constant 1 : i32
    %dma_wait3A_74 = arith.constant 0 : i32
    %dma_wait3A_75 = tpu.memref_slice %arg7[%dma_wait3A_74] : memref<2000xi32, #tpu.memory_space<vmem>> -> memref<400xi32, #tpu.memory_space<vmem>>
    %dma_wait3A_76 = arith.constant 0 : i32
    %dma_wait3A_77 = arith.constant 0 : i32
    %dma_wait3A_78 = tpu.memref_slice %arg2[%dma_wait3A_76, %dma_wait3A_77] : memref<100000x128xf32, #tpu.memory_space<hbm>> -> memref<100000x128xf32, #tpu.memory_space<hbm>>
    tpu.wait_indirect_dma semaphore(%arg13 : memref<!tpu.dma_semaphore, #tpu.memory_space<semaphore_mem>>) src(%dma_wait3A_78 : memref<100000x128xf32, #tpu.memory_space<hbm>>) dst(%arg11 : memref<400x128xf32, #tpu.memory_space<vmem>>)
    %add3A_79 = arith.constant 800 : i32
    %add3A_80 = arith.addi %mul3A_2, %add3A_79 : i32
    %dma_start3A_81 = arith.constant 0 : i32
    %dma_start3A_82 = tpu.memref_slice %arg5[%add3A_80, %dma_start3A_81] : memref<64000x128xf32, #tpu.memory_space<hbm>> -> memref<400x128xf32, #tpu.memory_space<hbm>>
    %dma_start3A_83 = arith.constant 0 : i32
    %dma_start3A_84 = tpu.memref_slice %arg5[%add3A_80, %dma_start3A_83] : memref<64000x128xf32, #tpu.memory_space<hbm>> -> memref<400x128xf32, #tpu.memory_space<hbm>>
    tpu.enqueue_dma source(%arg11 : memref<400x128xf32, #tpu.memory_space<vmem>>) target(%dma_start3A_84 : memref<400x128xf32, #tpu.memory_space<hbm>>) target_semaphore(%arg15 : memref<!tpu.dma_semaphore, #tpu.memory_space<semaphore_mem>>)
    %dma_wait3A_85 = arith.constant 0 : i32
    %dma_wait3A_86 = tpu.memref_slice %arg5[%mul3A_2, %dma_wait3A_85] : memref<64000x128xf32, #tpu.memory_space<hbm>> -> memref<400x128xf32, #tpu.memory_space<hbm>>
    %dma_wait3A_87 = arith.constant 0 : i32
    %dma_wait3A_88 = tpu.memref_slice %arg5[%mul3A_2, %dma_wait3A_87] : memref<64000x128xf32, #tpu.memory_space<hbm>> -> memref<400x128xf32, #tpu.memory_space<hbm>>
    tpu.wait_dma2 semaphore(%arg15 : memref<!tpu.dma_semaphore, #tpu.memory_space<semaphore_mem>>) src(%arg11 : memref<400x128xf32, #tpu.memory_space<vmem>>) dst(%dma_wait3A_88 : memref<400x128xf32, #tpu.memory_space<hbm>>)
    %dma_start3A_89 = arith.constant 1600 : i32
    %dma_start3A_90 = tpu.memref_slice %arg7[%dma_start3A_89] : memref<2000xi32, #tpu.memory_space<vmem>> -> memref<400xi32, #tpu.memory_space<vmem>>
    %dma_start3A_91 = arith.constant 0 : i32
    %dma_start3A_92 = arith.constant 0 : i32
    %dma_start3A_93 = tpu.memref_slice %arg2[%dma_start3A_91, %dma_start3A_92] : memref<100000x128xf32, #tpu.memory_space<hbm>> -> memref<100000x128xf32, #tpu.memory_space<hbm>>
    tpu.enqueue_indirect_dma source(%dma_start3A_93 : memref<100000x128xf32, #tpu.memory_space<hbm>>) target(%arg11 : memref<400x128xf32, #tpu.memory_space<vmem>>) offsets(%dma_start3A_90 : memref<400xi32, #tpu.memory_space<vmem>>) semaphore(%arg13 : memref<!tpu.dma_semaphore, #tpu.memory_space<semaphore_mem>>)
    %dma_wait3A_94 = arith.constant 0 : i32
    %dma_wait3A_95 = tpu.memref_slice %arg7[%dma_wait3A_94] : memref<2000xi32, #tpu.memory_space<vmem>> -> memref<400xi32, #tpu.memory_space<vmem>>
    %dma_wait3A_96 = arith.constant 0 : i32
    %dma_wait3A_97 = arith.constant 0 : i32
    %dma_wait3A_98 = tpu.memref_slice %arg2[%dma_wait3A_96, %dma_wait3A_97] : memref<100000x128xf32, #tpu.memory_space<hbm>> -> memref<100000x128xf32, #tpu.memory_space<hbm>>
    tpu.wait_indirect_dma semaphore(%arg14 : memref<!tpu.dma_semaphore, #tpu.memory_space<semaphore_mem>>) src(%dma_wait3A_98 : memref<100000x128xf32, #tpu.memory_space<hbm>>) dst(%arg12 : memref<400x128xf32, #tpu.memory_space<vmem>>)
    %add3A_99 = arith.constant 1200 : i32
    %add3A_100 = arith.addi %mul3A_2, %add3A_99 : i32
    %dma_start3A_101 = arith.constant 0 : i32
    %dma_start3A_102 = tpu.memref_slice %arg5[%add3A_100, %dma_start3A_101] : memref<64000x128xf32, #tpu.memory_space<hbm>> -> memref<400x128xf32, #tpu.memory_space<hbm>>
    %dma_start3A_103 = arith.constant 0 : i32
    %dma_start3A_104 = tpu.memref_slice %arg5[%add3A_100, %dma_start3A_103] : memref<64000x128xf32, #tpu.memory_space<hbm>> -> memref<400x128xf32, #tpu.memory_space<hbm>>
    tpu.enqueue_dma source(%arg12 : memref<400x128xf32, #tpu.memory_space<vmem>>) target(%dma_start3A_104 : memref<400x128xf32, #tpu.memory_space<hbm>>) target_semaphore(%arg16 : memref<!tpu.dma_semaphore, #tpu.memory_space<semaphore_mem>>)
    %dma_wait3A_105 = arith.constant 0 : i32
    %dma_wait3A_106 = tpu.memref_slice %arg7[%dma_wait3A_105] : memref<2000xi32, #tpu.memory_space<vmem>> -> memref<400xi32, #tpu.memory_space<vmem>>
    %dma_wait3A_107 = arith.constant 0 : i32
    %dma_wait3A_108 = arith.constant 0 : i32
    %dma_wait3A_109 = tpu.memref_slice %arg2[%dma_wait3A_107, %dma_wait3A_108] : memref<100000x128xf32, #tpu.memory_space<hbm>> -> memref<100000x128xf32, #tpu.memory_space<hbm>>
    tpu.wait_indirect_dma semaphore(%arg13 : memref<!tpu.dma_semaphore, #tpu.memory_space<semaphore_mem>>) src(%dma_wait3A_109 : memref<100000x128xf32, #tpu.memory_space<hbm>>) dst(%arg11 : memref<400x128xf32, #tpu.memory_space<vmem>>)
    %add3A_110 = arith.constant 1600 : i32
    %add3A_111 = arith.addi %mul3A_2, %add3A_110 : i32
    %dma_start3A_112 = arith.constant 0 : i32
    %dma_start3A_113 = tpu.memref_slice %arg5[%add3A_111, %dma_start3A_112] : memref<64000x128xf32, #tpu.memory_space<hbm>> -> memref<400x128xf32, #tpu.memory_space<hbm>>
    %dma_start3A_114 = arith.constant 0 : i32
    %dma_start3A_115 = tpu.memref_slice %arg5[%add3A_111, %dma_start3A_114] : memref<64000x128xf32, #tpu.memory_space<hbm>> -> memref<400x128xf32, #tpu.memory_space<hbm>>
    tpu.enqueue_dma source(%arg11 : memref<400x128xf32, #tpu.memory_space<vmem>>) target(%dma_start3A_115 : memref<400x128xf32, #tpu.memory_space<hbm>>) target_semaphore(%arg15 : memref<!tpu.dma_semaphore, #tpu.memory_space<semaphore_mem>>)
    %dma_wait3A_116 = arith.constant 0 : i32
    %dma_wait3A_117 = tpu.memref_slice %arg5[%mul3A_2, %dma_wait3A_116] : memref<64000x128xf32, #tpu.memory_space<hbm>> -> memref<400x128xf32, #tpu.memory_space<hbm>>
    %dma_wait3A_118 = arith.constant 0 : i32
    %dma_wait3A_119 = tpu.memref_slice %arg5[%mul3A_2, %dma_wait3A_118] : memref<64000x128xf32, #tpu.memory_space<hbm>> -> memref<400x128xf32, #tpu.memory_space<hbm>>
    tpu.wait_dma2 semaphore(%arg15 : memref<!tpu.dma_semaphore, #tpu.memory_space<semaphore_mem>>) src(%arg11 : memref<400x128xf32, #tpu.memory_space<vmem>>) dst(%dma_wait3A_119 : memref<400x128xf32, #tpu.memory_space<hbm>>)
    %dma_wait3A_120 = arith.constant 0 : i32
    %dma_wait3A_121 = tpu.memref_slice %arg5[%mul3A_2, %dma_wait3A_120] : memref<64000x128xf32, #tpu.memory_space<hbm>> -> memref<400x128xf32, #tpu.memory_space<hbm>>
    %dma_wait3A_122 = arith.constant 0 : i32
    %dma_wait3A_123 = tpu.memref_slice %arg5[%mul3A_2, %dma_wait3A_122] : memref<64000x128xf32, #tpu.memory_space<hbm>> -> memref<400x128xf32, #tpu.memory_space<hbm>>
    tpu.wait_dma2 semaphore(%arg16 : memref<!tpu.dma_semaphore, #tpu.memory_space<semaphore_mem>>) src(%arg12 : memref<400x128xf32, #tpu.memory_space<vmem>>) dst(%dma_wait3A_123 : memref<400x128xf32, #tpu.memory_space<hbm>>)
    %dma_wait3A_124 = arith.constant 0 : i32
    %dma_wait3A_125 = arith.constant 0 : i32
    %dma_wait3A_126 = tpu.memref_slice %arg2[%dma_wait3A_124, %dma_wait3A_125] : memref<100000x128xf32, #tpu.memory_space<hbm>> -> memref<100000x128xf32, #tpu.memory_space<hbm>>
    tpu.wait_indirect_dma semaphore(%arg10 : memref<!tpu.dma_semaphore, #tpu.memory_space<semaphore_mem>>) src(%dma_wait3A_126 : memref<100000x128xf32, #tpu.memory_space<hbm>>) dst(%arg9 : memref<64x128xf32, #tpu.memory_space<vmem>>)
    "tpu.region"() ({
      %run_scoped3A = tpu.sem_alloc : memref<!tpu.dma_semaphore, #tpu.memory_space<semaphore_mem>>
      %dma_start3A_127 = arith.constant 0 : i32
      %dma_start3A_128 = tpu.memref_slice %arg6[%mul3A_4, %dma_start3A_127] : memref<2048x128xf32, #tpu.memory_space<hbm>> -> memref<64x128xf32, #tpu.memory_space<hbm>>
      %dma_start3A_129 = arith.constant 0 : i32
      %dma_start3A_130 = tpu.memref_slice %arg6[%mul3A_4, %dma_start3A_129] : memref<2048x128xf32, #tpu.memory_space<hbm>> -> memref<64x128xf32, #tpu.memory_space<hbm>>
      tpu.enqueue_dma source(%arg9 : memref<64x128xf32, #tpu.memory_space<vmem>>) target(%dma_start3A_130 : memref<64x128xf32, #tpu.memory_space<hbm>>) target_semaphore(%run_scoped3A : memref<!tpu.dma_semaphore, #tpu.memory_space<semaphore_mem>>)
      %dma_wait3A_131 = arith.constant 0 : i32
      %dma_wait3A_132 = tpu.memref_slice %arg6[%mul3A_4, %dma_wait3A_131] : memref<2048x128xf32, #tpu.memory_space<hbm>> -> memref<64x128xf32, #tpu.memory_space<hbm>>
      %dma_wait3A_133 = arith.constant 0 : i32
      %dma_wait3A_134 = tpu.memref_slice %arg6[%mul3A_4, %dma_wait3A_133] : memref<2048x128xf32, #tpu.memory_space<hbm>> -> memref<64x128xf32, #tpu.memory_space<hbm>>
      tpu.wait_dma2 semaphore(%run_scoped3A : memref<!tpu.dma_semaphore, #tpu.memory_space<semaphore_mem>>) src(%arg9 : memref<64x128xf32, #tpu.memory_space<vmem>>) dst(%dma_wait3A_134 : memref<64x128xf32, #tpu.memory_space<hbm>>)
      tpu.yield
    }) : () -> ()
    return
  }
}

#map = affine_map<(d0, d1) -> (0, 0)>
#map1 = affine_map<(d0, d1) -> (0)>
module attributes {stable_mosaic.version = 14 : i64} {
  func.func @_sc_gather_body(%arg0: i32, %arg1: i32, %arg2: memref<100000x128xf32, #tpu.memory_space<hbm>>, %arg3: memref<64000xi32, #tpu.memory_space<hbm>>, %arg4: memref<2048xi32, #tpu.memory_space<hbm>>, %arg5: memref<64000x128xf32, #tpu.memory_space<hbm>>, %arg6: memref<2048x128xf32, #tpu.memory_space<hbm>>, %arg7: memref<2000xi32, #tpu.memory_space<vmem>>, %arg8: memref<64xi32, #tpu.memory_space<vmem>>, %arg9: memref<64x128xf32, #tpu.memory_space<vmem>>, %arg10: memref<!tpu.dma_semaphore, #tpu.memory_space<semaphore_mem>>, %arg11: memref<400x128xf32, #tpu.memory_space<vmem>>, %arg12: memref<400x128xf32, #tpu.memory_space<vmem>>, %arg13: memref<!tpu.dma_semaphore, #tpu.memory_space<semaphore_mem>>, %arg14: memref<!tpu.dma_semaphore, #tpu.memory_space<semaphore_mem>>, %arg15: memref<!tpu.dma_semaphore, #tpu.memory_space<semaphore_mem>>, %arg16: memref<!tpu.dma_semaphore, #tpu.memory_space<semaphore_mem>>) attributes {dimension_semantics = [#tpu.dimension_semantics<core_parallel>, #tpu.dimension_semantics<subcore_parallel>], iteration_bounds = array<i64: 2, 16>, scalar_prefetch = 0 : i64, scratch_operands = 10 : i64, tpu.core_type = #tpu.core_type<sc_vector_subcore>, window_params = [{transform_indices = #map}, {transform_indices = #map1}, {transform_indices = #map1}, {transform_indices = #map}, {transform_indices = #map}]} {
    %mul3A = arith.constant 2 : i32
    %mul3A_0 = arith.muli %arg1, %mul3A : i32
    %add3A = arith.addi %mul3A_0, %arg0 : i32
    %mul3A_1 = arith.constant 2000 : i32
    %mul3A_2 = arith.muli %add3A, %mul3A_1 : i32
    "tpu.region"() ({
      %run_scoped3A = tpu.sem_alloc : memref<!tpu.dma_semaphore, #tpu.memory_space<semaphore_mem>>
      %dma_start3A_127 = tpu.memref_slice %arg3[%mul3A_2] : memref<64000xi32, #tpu.memory_space<hbm>> -> memref<2000xi32, #tpu.memory_space<hbm>>
      %dma_start3A_128 = tpu.memref_slice %arg3[%mul3A_2] : memref<64000xi32, #tpu.memory_space<hbm>> -> memref<2000xi32, #tpu.memory_space<hbm>>
      tpu.enqueue_dma source(%dma_start3A_128 : memref<2000xi32, #tpu.memory_space<hbm>>) target(%arg7 : memref<2000xi32, #tpu.memory_space<vmem>>) target_semaphore(%run_scoped3A : memref<!tpu.dma_semaphore, #tpu.memory_space<semaphore_mem>>)
      %dma_wait3A_129 = tpu.memref_slice %arg3[%mul3A_2] : memref<64000xi32, #tpu.memory_space<hbm>> -> memref<2000xi32, #tpu.memory_space<hbm>>
      %dma_wait3A_130 = tpu.memref_slice %arg3[%mul3A_2] : memref<64000xi32, #tpu.memory_space<hbm>> -> memref<2000xi32, #tpu.memory_space<hbm>>
      tpu.wait_dma2 semaphore(%run_scoped3A : memref<!tpu.dma_semaphore, #tpu.memory_space<semaphore_mem>>) src(%dma_wait3A_130 : memref<2000xi32, #tpu.memory_space<hbm>>) dst(%arg7 : memref<2000xi32, #tpu.memory_space<vmem>>)
      tpu.yield
    }) : () -> ()
    %mul3A_3 = arith.constant 64 : i32
    %mul3A_4 = arith.muli %add3A, %mul3A_3 : i32
    %dma_start3A = arith.constant 0 : i32
    %dma_start3A_5 = tpu.memref_slice %arg7[%dma_start3A] : memref<2000xi32, #tpu.memory_space<vmem>> -> memref<400xi32, #tpu.memory_space<vmem>>
    %dma_start3A_6 = arith.constant 0 : i32
    %dma_start3A_7 = arith.constant 0 : i32
    %dma_start3A_8 = tpu.memref_slice %arg2[%dma_start3A_6, %dma_start3A_7] : memref<100000x128xf32, #tpu.memory_space<hbm>> -> memref<100000x128xf32, #tpu.memory_space<hbm>>
    tpu.enqueue_indirect_dma source(%dma_start3A_8 : memref<100000x128xf32, #tpu.memory_space<hbm>>) target(%arg11 : memref<400x128xf32, #tpu.memory_space<vmem>>) offsets(%dma_start3A_5 : memref<400xi32, #tpu.memory_space<vmem>>) semaphore(%arg13 : memref<!tpu.dma_semaphore, #tpu.memory_space<semaphore_mem>>)
    %dma_start3A_9 = arith.constant 400 : i32
    %dma_start3A_10 = tpu.memref_slice %arg7[%dma_start3A_9] : memref<2000xi32, #tpu.memory_space<vmem>> -> memref<400xi32, #tpu.memory_space<vmem>>
    %dma_start3A_11 = arith.constant 0 : i32
    %dma_start3A_12 = arith.constant 0 : i32
    %dma_start3A_13 = tpu.memref_slice %arg2[%dma_start3A_11, %dma_start3A_12] : memref<100000x128xf32, #tpu.memory_space<hbm>> -> memref<100000x128xf32, #tpu.memory_space<hbm>>
    tpu.enqueue_indirect_dma source(%dma_start3A_13 : memref<100000x128xf32, #tpu.memory_space<hbm>>) target(%arg12 : memref<400x128xf32, #tpu.memory_space<vmem>>) offsets(%dma_start3A_10 : memref<400xi32, #tpu.memory_space<vmem>>) semaphore(%arg14 : memref<!tpu.dma_semaphore, #tpu.memory_space<semaphore_mem>>)
    "tpu.region"() ({
      %run_scoped3A = tpu.sem_alloc : memref<!tpu.dma_semaphore, #tpu.memory_space<semaphore_mem>>
      %dma_start3A_127 = tpu.memref_slice %arg4[%mul3A_4] : memref<2048xi32, #tpu.memory_space<hbm>> -> memref<64xi32, #tpu.memory_space<hbm>>
      %dma_start3A_128 = tpu.memref_slice %arg4[%mul3A_4] : memref<2048xi32, #tpu.memory_space<hbm>> -> memref<64xi32, #tpu.memory_space<hbm>>
      tpu.enqueue_dma source(%dma_start3A_128 : memref<64xi32, #tpu.memory_space<hbm>>) target(%arg8 : memref<64xi32, #tpu.memory_space<vmem>>) target_semaphore(%run_scoped3A : memref<!tpu.dma_semaphore, #tpu.memory_space<semaphore_mem>>)
      %dma_wait3A_129 = tpu.memref_slice %arg4[%mul3A_4] : memref<2048xi32, #tpu.memory_space<hbm>> -> memref<64xi32, #tpu.memory_space<hbm>>
      %dma_wait3A_130 = tpu.memref_slice %arg4[%mul3A_4] : memref<2048xi32, #tpu.memory_space<hbm>> -> memref<64xi32, #tpu.memory_space<hbm>>
      tpu.wait_dma2 semaphore(%run_scoped3A : memref<!tpu.dma_semaphore, #tpu.memory_space<semaphore_mem>>) src(%dma_wait3A_130 : memref<64xi32, #tpu.memory_space<hbm>>) dst(%arg8 : memref<64xi32, #tpu.memory_space<vmem>>)
      tpu.yield
    }) : () -> ()
    %dma_start3A_14 = arith.constant 0 : i32
    %dma_start3A_15 = arith.constant 0 : i32
    %dma_start3A_16 = tpu.memref_slice %arg2[%dma_start3A_14, %dma_start3A_15] : memref<100000x128xf32, #tpu.memory_space<hbm>> -> memref<100000x128xf32, #tpu.memory_space<hbm>>
    tpu.enqueue_indirect_dma source(%dma_start3A_16 : memref<100000x128xf32, #tpu.memory_space<hbm>>) target(%arg9 : memref<64x128xf32, #tpu.memory_space<vmem>>) offsets(%arg8 : memref<64xi32, #tpu.memory_space<vmem>>) semaphore(%arg10 : memref<!tpu.dma_semaphore, #tpu.memory_space<semaphore_mem>>)
    %scan3A = arith.constant 0 : i32
    %scan3A_17 = arith.constant 0 : i32
    %mul3A_18 = arith.constant 2 : i32
    %mul3A_19 = arith.muli %scan3A_17, %mul3A_18 : i32
    %add3A_20 = arith.constant 0 : i32
    %add3A_21 = arith.addi %mul3A_19, %add3A_20 : i32
    %dma_wait3A = arith.constant 0 : i32
    %dma_wait3A_22 = tpu.memref_slice %arg7[%dma_wait3A] : memref<2000xi32, #tpu.memory_space<vmem>> -> memref<400xi32, #tpu.memory_space<vmem>>
    %dma_wait3A_23 = arith.constant 0 : i32
    %dma_wait3A_24 = arith.constant 0 : i32
    %dma_wait3A_25 = tpu.memref_slice %arg2[%dma_wait3A_23, %dma_wait3A_24] : memref<100000x128xf32, #tpu.memory_space<hbm>> -> memref<100000x128xf32, #tpu.memory_space<hbm>>
    tpu.wait_indirect_dma semaphore(%arg13 : memref<!tpu.dma_semaphore, #tpu.memory_space<semaphore_mem>>) src(%dma_wait3A_25 : memref<100000x128xf32, #tpu.memory_space<hbm>>) dst(%arg11 : memref<400x128xf32, #tpu.memory_space<vmem>>)
    %mul3A_26 = arith.constant 400 : i32
    %mul3A_27 = arith.muli %add3A_21, %mul3A_26 : i32
    %add3A_28 = arith.addi %mul3A_2, %mul3A_27 : i32
    %dma_start3A_29 = arith.constant 0 : i32
    %dma_start3A_30 = tpu.memref_slice %arg5[%add3A_28, %dma_start3A_29] : memref<64000x128xf32, #tpu.memory_space<hbm>> -> memref<400x128xf32, #tpu.memory_space<hbm>>
    %dma_start3A_31 = arith.constant 0 : i32
    %dma_start3A_32 = tpu.memref_slice %arg5[%add3A_28, %dma_start3A_31] : memref<64000x128xf32, #tpu.memory_space<hbm>> -> memref<400x128xf32, #tpu.memory_space<hbm>>
    tpu.enqueue_dma source(%arg11 : memref<400x128xf32, #tpu.memory_space<vmem>>) target(%dma_start3A_32 : memref<400x128xf32, #tpu.memory_space<hbm>>) target_semaphore(%arg15 : memref<!tpu.dma_semaphore, #tpu.memory_space<semaphore_mem>>)
    %dma_wait3A_33 = arith.constant 0 : i32
    %dma_wait3A_34 = tpu.memref_slice %arg5[%mul3A_2, %dma_wait3A_33] : memref<64000x128xf32, #tpu.memory_space<hbm>> -> memref<400x128xf32, #tpu.memory_space<hbm>>
    %dma_wait3A_35 = arith.constant 0 : i32
    %dma_wait3A_36 = tpu.memref_slice %arg5[%mul3A_2, %dma_wait3A_35] : memref<64000x128xf32, #tpu.memory_space<hbm>> -> memref<400x128xf32, #tpu.memory_space<hbm>>
    tpu.wait_dma2 semaphore(%arg15 : memref<!tpu.dma_semaphore, #tpu.memory_space<semaphore_mem>>) src(%arg11 : memref<400x128xf32, #tpu.memory_space<vmem>>) dst(%dma_wait3A_36 : memref<400x128xf32, #tpu.memory_space<hbm>>)
    %add3A_37 = arith.constant 2 : i32
    %add3A_38 = arith.addi %add3A_21, %add3A_37 : i32
    %mul3A_39 = arith.constant 400 : i32
    %mul3A_40 = arith.muli %add3A_38, %mul3A_39 : i32
    %dma_start3A_41 = tpu.memref_slice %arg7[%mul3A_40] : memref<2000xi32, #tpu.memory_space<vmem>> -> memref<400xi32, #tpu.memory_space<vmem>>
    %dma_start3A_42 = arith.constant 0 : i32
    %dma_start3A_43 = arith.constant 0 : i32
    %dma_start3A_44 = tpu.memref_slice %arg2[%dma_start3A_42, %dma_start3A_43] : memref<100000x128xf32, #tpu.memory_space<hbm>> -> memref<100000x128xf32, #tpu.memory_space<hbm>>
    tpu.enqueue_indirect_dma source(%dma_start3A_44 : memref<100000x128xf32, #tpu.memory_space<hbm>>) target(%arg11 : memref<400x128xf32, #tpu.memory_space<vmem>>) offsets(%dma_start3A_41 : memref<400xi32, #tpu.memory_space<vmem>>) semaphore(%arg13 : memref<!tpu.dma_semaphore, #tpu.memory_space<semaphore_mem>>)
    %mul3A_45 = arith.constant 2 : i32
    %mul3A_46 = arith.muli %scan3A_17, %mul3A_45 : i32
    %add3A_47 = arith.constant 1 : i32
    %add3A_48 = arith.addi %mul3A_46, %add3A_47 : i32
    %dma_wait3A_49 = arith.constant 0 : i32
    %dma_wait3A_50 = tpu.memref_slice %arg7[%dma_wait3A_49] : memref<2000xi32, #tpu.memory_space<vmem>> -> memref<400xi32, #tpu.memory_space<vmem>>
    %dma_wait3A_51 = arith.constant 0 : i32
    %dma_wait3A_52 = arith.constant 0 : i32
    %dma_wait3A_53 = tpu.memref_slice %arg2[%dma_wait3A_51, %dma_wait3A_52] : memref<100000x128xf32, #tpu.memory_space<hbm>> -> memref<100000x128xf32, #tpu.memory_space<hbm>>
    tpu.wait_indirect_dma semaphore(%arg14 : memref<!tpu.dma_semaphore, #tpu.memory_space<semaphore_mem>>) src(%dma_wait3A_53 : memref<100000x128xf32, #tpu.memory_space<hbm>>) dst(%arg12 : memref<400x128xf32, #tpu.memory_space<vmem>>)
    %mul3A_54 = arith.constant 400 : i32
    %mul3A_55 = arith.muli %add3A_48, %mul3A_54 : i32
    %add3A_56 = arith.addi %mul3A_2, %mul3A_55 : i32
    %dma_start3A_57 = arith.constant 0 : i32
    %dma_start3A_58 = tpu.memref_slice %arg5[%add3A_56, %dma_start3A_57] : memref<64000x128xf32, #tpu.memory_space<hbm>> -> memref<400x128xf32, #tpu.memory_space<hbm>>
    %dma_start3A_59 = arith.constant 0 : i32
    %dma_start3A_60 = tpu.memref_slice %arg5[%add3A_56, %dma_start3A_59] : memref<64000x128xf32, #tpu.memory_space<hbm>> -> memref<400x128xf32, #tpu.memory_space<hbm>>
    tpu.enqueue_dma source(%arg12 : memref<400x128xf32, #tpu.memory_space<vmem>>) target(%dma_start3A_60 : memref<400x128xf32, #tpu.memory_space<hbm>>) target_semaphore(%arg16 : memref<!tpu.dma_semaphore, #tpu.memory_space<semaphore_mem>>)
    %dma_wait3A_61 = arith.constant 0 : i32
    %dma_wait3A_62 = tpu.memref_slice %arg5[%mul3A_2, %dma_wait3A_61] : memref<64000x128xf32, #tpu.memory_space<hbm>> -> memref<400x128xf32, #tpu.memory_space<hbm>>
    %dma_wait3A_63 = arith.constant 0 : i32
    %dma_wait3A_64 = tpu.memref_slice %arg5[%mul3A_2, %dma_wait3A_63] : memref<64000x128xf32, #tpu.memory_space<hbm>> -> memref<400x128xf32, #tpu.memory_space<hbm>>
    tpu.wait_dma2 semaphore(%arg16 : memref<!tpu.dma_semaphore, #tpu.memory_space<semaphore_mem>>) src(%arg12 : memref<400x128xf32, #tpu.memory_space<vmem>>) dst(%dma_wait3A_64 : memref<400x128xf32, #tpu.memory_space<hbm>>)
    %add3A_65 = arith.constant 2 : i32
    %add3A_66 = arith.addi %add3A_48, %add3A_65 : i32
    %mul3A_67 = arith.constant 400 : i32
    %mul3A_68 = arith.muli %add3A_66, %mul3A_67 : i32
    %dma_start3A_69 = tpu.memref_slice %arg7[%mul3A_68] : memref<2000xi32, #tpu.memory_space<vmem>> -> memref<400xi32, #tpu.memory_space<vmem>>
    %dma_start3A_70 = arith.constant 0 : i32
    %dma_start3A_71 = arith.constant 0 : i32
    %dma_start3A_72 = tpu.memref_slice %arg2[%dma_start3A_70, %dma_start3A_71] : memref<100000x128xf32, #tpu.memory_space<hbm>> -> memref<100000x128xf32, #tpu.memory_space<hbm>>
    tpu.enqueue_indirect_dma source(%dma_start3A_72 : memref<100000x128xf32, #tpu.memory_space<hbm>>) target(%arg12 : memref<400x128xf32, #tpu.memory_space<vmem>>) offsets(%dma_start3A_69 : memref<400xi32, #tpu.memory_space<vmem>>) semaphore(%arg14 : memref<!tpu.dma_semaphore, #tpu.memory_space<semaphore_mem>>)
    %scan3A_73 = arith.constant 1 : i32
    %dma_wait3A_74 = arith.constant 0 : i32
    %dma_wait3A_75 = tpu.memref_slice %arg7[%dma_wait3A_74] : memref<2000xi32, #tpu.memory_space<vmem>> -> memref<400xi32, #tpu.memory_space<vmem>>
    %dma_wait3A_76 = arith.constant 0 : i32
    %dma_wait3A_77 = arith.constant 0 : i32
    %dma_wait3A_78 = tpu.memref_slice %arg2[%dma_wait3A_76, %dma_wait3A_77] : memref<100000x128xf32, #tpu.memory_space<hbm>> -> memref<100000x128xf32, #tpu.memory_space<hbm>>
    tpu.wait_indirect_dma semaphore(%arg13 : memref<!tpu.dma_semaphore, #tpu.memory_space<semaphore_mem>>) src(%dma_wait3A_78 : memref<100000x128xf32, #tpu.memory_space<hbm>>) dst(%arg11 : memref<400x128xf32, #tpu.memory_space<vmem>>)
    %add3A_79 = arith.constant 800 : i32
    %add3A_80 = arith.addi %mul3A_2, %add3A_79 : i32
    %dma_start3A_81 = arith.constant 0 : i32
    %dma_start3A_82 = tpu.memref_slice %arg5[%add3A_80, %dma_start3A_81] : memref<64000x128xf32, #tpu.memory_space<hbm>> -> memref<400x128xf32, #tpu.memory_space<hbm>>
    %dma_start3A_83 = arith.constant 0 : i32
    %dma_start3A_84 = tpu.memref_slice %arg5[%add3A_80, %dma_start3A_83] : memref<64000x128xf32, #tpu.memory_space<hbm>> -> memref<400x128xf32, #tpu.memory_space<hbm>>
    tpu.enqueue_dma source(%arg11 : memref<400x128xf32, #tpu.memory_space<vmem>>) target(%dma_start3A_84 : memref<400x128xf32, #tpu.memory_space<hbm>>) target_semaphore(%arg15 : memref<!tpu.dma_semaphore, #tpu.memory_space<semaphore_mem>>)
    %dma_wait3A_85 = arith.constant 0 : i32
    %dma_wait3A_86 = tpu.memref_slice %arg5[%mul3A_2, %dma_wait3A_85] : memref<64000x128xf32, #tpu.memory_space<hbm>> -> memref<400x128xf32, #tpu.memory_space<hbm>>
    %dma_wait3A_87 = arith.constant 0 : i32
    %dma_wait3A_88 = tpu.memref_slice %arg5[%mul3A_2, %dma_wait3A_87] : memref<64000x128xf32, #tpu.memory_space<hbm>> -> memref<400x128xf32, #tpu.memory_space<hbm>>
    tpu.wait_dma2 semaphore(%arg15 : memref<!tpu.dma_semaphore, #tpu.memory_space<semaphore_mem>>) src(%arg11 : memref<400x128xf32, #tpu.memory_space<vmem>>) dst(%dma_wait3A_88 : memref<400x128xf32, #tpu.memory_space<hbm>>)
    %dma_start3A_89 = arith.constant 1600 : i32
    %dma_start3A_90 = tpu.memref_slice %arg7[%dma_start3A_89] : memref<2000xi32, #tpu.memory_space<vmem>> -> memref<400xi32, #tpu.memory_space<vmem>>
    %dma_start3A_91 = arith.constant 0 : i32
    %dma_start3A_92 = arith.constant 0 : i32
    %dma_start3A_93 = tpu.memref_slice %arg2[%dma_start3A_91, %dma_start3A_92] : memref<100000x128xf32, #tpu.memory_space<hbm>> -> memref<100000x128xf32, #tpu.memory_space<hbm>>
    tpu.enqueue_indirect_dma source(%dma_start3A_93 : memref<100000x128xf32, #tpu.memory_space<hbm>>) target(%arg11 : memref<400x128xf32, #tpu.memory_space<vmem>>) offsets(%dma_start3A_90 : memref<400xi32, #tpu.memory_space<vmem>>) semaphore(%arg13 : memref<!tpu.dma_semaphore, #tpu.memory_space<semaphore_mem>>)
    %dma_wait3A_94 = arith.constant 0 : i32
    %dma_wait3A_95 = tpu.memref_slice %arg7[%dma_wait3A_94] : memref<2000xi32, #tpu.memory_space<vmem>> -> memref<400xi32, #tpu.memory_space<vmem>>
    %dma_wait3A_96 = arith.constant 0 : i32
    %dma_wait3A_97 = arith.constant 0 : i32
    %dma_wait3A_98 = tpu.memref_slice %arg2[%dma_wait3A_96, %dma_wait3A_97] : memref<100000x128xf32, #tpu.memory_space<hbm>> -> memref<100000x128xf32, #tpu.memory_space<hbm>>
    tpu.wait_indirect_dma semaphore(%arg14 : memref<!tpu.dma_semaphore, #tpu.memory_space<semaphore_mem>>) src(%dma_wait3A_98 : memref<100000x128xf32, #tpu.memory_space<hbm>>) dst(%arg12 : memref<400x128xf32, #tpu.memory_space<vmem>>)
    %add3A_99 = arith.constant 1200 : i32
    %add3A_100 = arith.addi %mul3A_2, %add3A_99 : i32
    %dma_start3A_101 = arith.constant 0 : i32
    %dma_start3A_102 = tpu.memref_slice %arg5[%add3A_100, %dma_start3A_101] : memref<64000x128xf32, #tpu.memory_space<hbm>> -> memref<400x128xf32, #tpu.memory_space<hbm>>
    %dma_start3A_103 = arith.constant 0 : i32
    %dma_start3A_104 = tpu.memref_slice %arg5[%add3A_100, %dma_start3A_103] : memref<64000x128xf32, #tpu.memory_space<hbm>> -> memref<400x128xf32, #tpu.memory_space<hbm>>
    tpu.enqueue_dma source(%arg12 : memref<400x128xf32, #tpu.memory_space<vmem>>) target(%dma_start3A_104 : memref<400x128xf32, #tpu.memory_space<hbm>>) target_semaphore(%arg16 : memref<!tpu.dma_semaphore, #tpu.memory_space<semaphore_mem>>)
    %dma_wait3A_105 = arith.constant 0 : i32
    %dma_wait3A_106 = tpu.memref_slice %arg7[%dma_wait3A_105] : memref<2000xi32, #tpu.memory_space<vmem>> -> memref<400xi32, #tpu.memory_space<vmem>>
    %dma_wait3A_107 = arith.constant 0 : i32
    %dma_wait3A_108 = arith.constant 0 : i32
    %dma_wait3A_109 = tpu.memref_slice %arg2[%dma_wait3A_107, %dma_wait3A_108] : memref<100000x128xf32, #tpu.memory_space<hbm>> -> memref<100000x128xf32, #tpu.memory_space<hbm>>
    tpu.wait_indirect_dma semaphore(%arg13 : memref<!tpu.dma_semaphore, #tpu.memory_space<semaphore_mem>>) src(%dma_wait3A_109 : memref<100000x128xf32, #tpu.memory_space<hbm>>) dst(%arg11 : memref<400x128xf32, #tpu.memory_space<vmem>>)
    %add3A_110 = arith.constant 1600 : i32
    %add3A_111 = arith.addi %mul3A_2, %add3A_110 : i32
    %dma_start3A_112 = arith.constant 0 : i32
    %dma_start3A_113 = tpu.memref_slice %arg5[%add3A_111, %dma_start3A_112] : memref<64000x128xf32, #tpu.memory_space<hbm>> -> memref<400x128xf32, #tpu.memory_space<hbm>>
    %dma_start3A_114 = arith.constant 0 : i32
    %dma_start3A_115 = tpu.memref_slice %arg5[%add3A_111, %dma_start3A_114] : memref<64000x128xf32, #tpu.memory_space<hbm>> -> memref<400x128xf32, #tpu.memory_space<hbm>>
    tpu.enqueue_dma source(%arg11 : memref<400x128xf32, #tpu.memory_space<vmem>>) target(%dma_start3A_115 : memref<400x128xf32, #tpu.memory_space<hbm>>) target_semaphore(%arg15 : memref<!tpu.dma_semaphore, #tpu.memory_space<semaphore_mem>>)
    %dma_wait3A_116 = arith.constant 0 : i32
    %dma_wait3A_117 = tpu.memref_slice %arg5[%mul3A_2, %dma_wait3A_116] : memref<64000x128xf32, #tpu.memory_space<hbm>> -> memref<400x128xf32, #tpu.memory_space<hbm>>
    %dma_wait3A_118 = arith.constant 0 : i32
    %dma_wait3A_119 = tpu.memref_slice %arg5[%mul3A_2, %dma_wait3A_118] : memref<64000x128xf32, #tpu.memory_space<hbm>> -> memref<400x128xf32, #tpu.memory_space<hbm>>
    tpu.wait_dma2 semaphore(%arg15 : memref<!tpu.dma_semaphore, #tpu.memory_space<semaphore_mem>>) src(%arg11 : memref<400x128xf32, #tpu.memory_space<vmem>>) dst(%dma_wait3A_119 : memref<400x128xf32, #tpu.memory_space<hbm>>)
    %dma_wait3A_120 = arith.constant 0 : i32
    %dma_wait3A_121 = tpu.memref_slice %arg5[%mul3A_2, %dma_wait3A_120] : memref<64000x128xf32, #tpu.memory_space<hbm>> -> memref<400x128xf32, #tpu.memory_space<hbm>>
    %dma_wait3A_122 = arith.constant 0 : i32
    %dma_wait3A_123 = tpu.memref_slice %arg5[%mul3A_2, %dma_wait3A_122] : memref<64000x128xf32, #tpu.memory_space<hbm>> -> memref<400x128xf32, #tpu.memory_space<hbm>>
    tpu.wait_dma2 semaphore(%arg16 : memref<!tpu.dma_semaphore, #tpu.memory_space<semaphore_mem>>) src(%arg12 : memref<400x128xf32, #tpu.memory_space<vmem>>) dst(%dma_wait3A_123 : memref<400x128xf32, #tpu.memory_space<hbm>>)
    %dma_wait3A_124 = arith.constant 0 : i32
    %dma_wait3A_125 = arith.constant 0 : i32
    %dma_wait3A_126 = tpu.memref_slice %arg2[%dma_wait3A_124, %dma_wait3A_125] : memref<100000x128xf32, #tpu.memory_space<hbm>> -> memref<100000x128xf32, #tpu.memory_space<hbm>>
    tpu.wait_indirect_dma semaphore(%arg10 : memref<!tpu.dma_semaphore, #tpu.memory_space<semaphore_mem>>) src(%dma_wait3A_126 : memref<100000x128xf32, #tpu.memory_space<hbm>>) dst(%arg9 : memref<64x128xf32, #tpu.memory_space<vmem>>)
    "tpu.region"() ({
      %run_scoped3A = tpu.sem_alloc : memref<!tpu.dma_semaphore, #tpu.memory_space<semaphore_mem>>
      %dma_start3A_127 = arith.constant 0 : i32
      %dma_start3A_128 = tpu.memref_slice %arg6[%mul3A_4, %dma_start3A_127] : memref<2048x128xf32, #tpu.memory_space<hbm>> -> memref<64x128xf32, #tpu.memory_space<hbm>>
      %dma_start3A_129 = arith.constant 0 : i32
      %dma_start3A_130 = tpu.memref_slice %arg6[%mul3A_4, %dma_start3A_129] : memref<2048x128xf32, #tpu.memory_space<hbm>> -> memref<64x128xf32, #tpu.memory_space<hbm>>
      tpu.enqueue_dma source(%arg9 : memref<64x128xf32, #tpu.memory_space<vmem>>) target(%dma_start3A_130 : memref<64x128xf32, #tpu.memory_space<hbm>>) target_semaphore(%run_scoped3A : memref<!tpu.dma_semaphore, #tpu.memory_space<semaphore_mem>>)
      %dma_wait3A_131 = arith.constant 0 : i32
      %dma_wait3A_132 = tpu.memref_slice %arg6[%mul3A_4, %dma_wait3A_131] : memref<2048x128xf32, #tpu.memory_space<hbm>> -> memref<64x128xf32, #tpu.memory_space<hbm>>
      %dma_wait3A_133 = arith.constant 0 : i32
      %dma_wait3A_134 = tpu.memref_slice %arg6[%mul3A_4, %dma_wait3A_133] : memref<2048x128xf32, #tpu.memory_space<hbm>> -> memref<64x128xf32, #tpu.memory_space<hbm>>
      tpu.wait_dma2 semaphore(%run_scoped3A : memref<!tpu.dma_semaphore, #tpu.memory_space<semaphore_mem>>) src(%arg9 : memref<64x128xf32, #tpu.memory_space<vmem>>) dst(%dma_wait3A_134 : memref<64x128xf32, #tpu.memory_space<hbm>>)
      tpu.yield
    }) : () -> ()
    return
  }
}

module attributes {stable_mosaic.version = 14 : i64} {
  func.func @_tc_body(%arg0: i32, %arg1: memref<6400x128xf32, #tpu.memory_space<vmem>>, %arg2: memref<200x128xf32, #tpu.memory_space<vmem>>, %arg3: memref<128x128xf32, #tpu.memory_space<vmem>>, %arg4: memref<128x128xf32, #tpu.memory_space<vmem>>, %arg5: memref<128x128xf32, #tpu.memory_space<vmem>>, %arg6: memref<1x128xf32, #tpu.memory_space<vmem>>, %arg7: memref<1x128xf32, #tpu.memory_space<vmem>>, %arg8: memref<128x128xf32, #tpu.memory_space<vmem>>, %arg9: memref<200x128xf32, #tpu.memory_space<vmem>>, %arg10: memref<200x32xf32, #tpu.memory_space<vmem>>) attributes {dimension_semantics = [#tpu.dimension_semantics<arbitrary>], iteration_bounds = array<i64: 10>, scalar_prefetch = 0 : i64, scratch_operands = 1 : i64, tpu.core_type = #tpu.core_type<tc>, window_params = [{transform_indices = @transform_0, window_bounds = array<i64: 6400, 128>}, {transform_indices = @transform_1, window_bounds = array<i64: 200, 128>}, {pipeline_mode = #tpu.pipeline_mode<synchronous>, transform_indices = @transform_2, window_bounds = array<i64: 128, 128>}, {pipeline_mode = #tpu.pipeline_mode<synchronous>, transform_indices = @transform_3, window_bounds = array<i64: 128, 128>}, {pipeline_mode = #tpu.pipeline_mode<synchronous>, transform_indices = @transform_4, window_bounds = array<i64: 128, 128>}, {pipeline_mode = #tpu.pipeline_mode<synchronous>, transform_indices = @transform_5, window_bounds = array<i64: 1, 128>}, {pipeline_mode = #tpu.pipeline_mode<synchronous>, transform_indices = @transform_6, window_bounds = array<i64: 1, 128>}, {pipeline_mode = #tpu.pipeline_mode<synchronous>, transform_indices = @transform_7, window_bounds = array<i64: 128, 128>}, {transform_indices = @transform_8, window_bounds = array<i64: 200, 128>}]} {
    %get3A = arith.constant 0 : index
    %get3A_0 = arith.constant 0 : index
    %get3A_1 = vector.load %arg1[%get3A, %get3A_0] : memref<6400x128xf32, #tpu.memory_space<vmem>>, vector<6400x128xf32>
    %get3A_2 = arith.constant 0 : index
    %get3A_3 = arith.constant 0 : index
    %get3A_4 = vector.load %arg2[%get3A_2, %get3A_3] : memref<200x128xf32, #tpu.memory_space<vmem>>, vector<200x128xf32>
    %get3A_5 = arith.constant 0 : index
    %get3A_6 = arith.constant 0 : index
    %get3A_7 = vector.load %arg4[%get3A_5, %get3A_6] : memref<128x128xf32, #tpu.memory_space<vmem>>, vector<128x128xf32>
    %dot_general3A = arith.constant dense<0.000000e+00> : vector<200x128xf32>
    %dot_general3A_8 = tpu.matmul %get3A_4, %get3A_7, %dot_general3A {dimension_numbers = #tpu.dot_dimension_numbers<[1], [0], [0], [1], [0, 0, 1, 1], [], []>, transpose_lhs_hint = false} : vector<200x128xf32>, vector<128x128xf32>, vector<200x128xf32> -> vector<200x128xf32>
    %get3A_9 = arith.constant 0 : index
    %get3A_10 = arith.constant 0 : index
    %get3A_11 = vector.load %arg6[%get3A_9, %get3A_10] : memref<1x128xf32, #tpu.memory_space<vmem>>, vector<1x128xf32>
    %add3A = vector.broadcast %get3A_11 : vector<1x128xf32> to vector<200x128xf32>
    %add3A_12 = arith.addf %dot_general3A_8, %add3A : vector<200x128xf32>
    %get3A_13 = arith.constant 0 : index
    %get3A_14 = arith.constant 0 : index
    %get3A_15 = vector.load %arg3[%get3A_13, %get3A_14] : memref<128x128xf32, #tpu.memory_space<vmem>>, vector<128x128xf32>
    %dot_general3A_16 = arith.constant dense<0.000000e+00> : vector<6400x128xf32>
    %dot_general3A_17 = tpu.matmul %get3A_1, %get3A_15, %dot_general3A_16 {dimension_numbers = #tpu.dot_dimension_numbers<[1], [0], [0], [1], [0, 0, 1, 1], [], []>, transpose_lhs_hint = false} : vector<6400x128xf32>, vector<128x128xf32>, vector<6400x128xf32> -> vector<6400x128xf32>
    %reshape3A = vector.shape_cast %dot_general3A_17 : vector<6400x128xf32> to vector<200x32x128xf32>
    %broadcast_in_dim3A = vector.shape_cast %add3A_12 : vector<200x128xf32> to vector<200x1x128xf32>
    %add3A_18 = vector.broadcast %broadcast_in_dim3A : vector<200x1x128xf32> to vector<200x32x128xf32>
    %add3A_19 = arith.addf %reshape3A, %add3A_18 : vector<200x32x128xf32>
    %max3A = arith.constant 0.000000e+00 : f32
    %max3A_20 = vector.broadcast %max3A : f32 to vector<200x32x128xf32>
    %max3A_21 = arith.maximumf %add3A_19, %max3A_20 : vector<200x32x128xf32>
    %reshape3A_22 = vector.shape_cast %max3A_21 : vector<200x32x128xf32> to vector<6400x128xf32>
    %get3A_23 = arith.constant 0 : index
    %get3A_24 = arith.constant 0 : index
    %get3A_25 = vector.load %arg5[%get3A_23, %get3A_24] : memref<128x128xf32, #tpu.memory_space<vmem>>, vector<128x128xf32>
    %dot_general3A_26 = arith.constant dense<0.000000e+00> : vector<6400x128xf32>
    %dot_general3A_27 = tpu.matmul %reshape3A_22, %get3A_25, %dot_general3A_26 {dimension_numbers = #tpu.dot_dimension_numbers<[1], [0], [0], [1], [0, 0, 1, 1], [], []>, transpose_lhs_hint = false} : vector<6400x128xf32>, vector<128x128xf32>, vector<6400x128xf32> -> vector<6400x128xf32>
    %get3A_28 = arith.constant 0 : index
    %get3A_29 = arith.constant 0 : index
    %get3A_30 = vector.load %arg7[%get3A_28, %get3A_29] : memref<1x128xf32, #tpu.memory_space<vmem>>, vector<1x128xf32>
    %add3A_31 = vector.broadcast %get3A_30 : vector<1x128xf32> to vector<6400x128xf32>
    %add3A_32 = arith.addf %dot_general3A_27, %add3A_31 : vector<6400x128xf32>
    %max3A_33 = arith.constant 0.000000e+00 : f32
    %max3A_34 = vector.broadcast %max3A_33 : f32 to vector<6400x128xf32>
    %max3A_35 = arith.maximumf %add3A_32, %max3A_34 : vector<6400x128xf32>
    %get3A_36 = arith.constant 0 : index
    %get3A_37 = arith.constant 0 : index
    %get3A_38 = vector.load %arg8[%get3A_36, %get3A_37] : memref<128x128xf32, #tpu.memory_space<vmem>>, vector<128x128xf32>
    %dot_general3A_39 = arith.constant dense<0.000000e+00> : vector<6400x128xf32>
    %dot_general3A_40 = tpu.matmul %max3A_35, %get3A_38, %dot_general3A_39 {dimension_numbers = #tpu.dot_dimension_numbers<[1], [0], [0], [1], [0, 0, 1, 1], [], []>, transpose_lhs_hint = false} : vector<6400x128xf32>, vector<128x128xf32>, vector<6400x128xf32> -> vector<6400x128xf32>
    %reshape3A_41 = vector.shape_cast %dot_general3A_40 : vector<6400x128xf32> to vector<200x32x128xf32>
    %slice3A = vector.extract_strided_slice %reshape3A_41 {offsets = [0, 0, 0], sizes = [200, 32, 1], strides = [1, 1, 1]} : vector<200x32x128xf32> to vector<200x32x1xf32>
    %squeeze3A = vector.shape_cast %slice3A : vector<200x32x1xf32> to vector<200x32xf32>
    %swap3A = arith.constant 0 : index
    %swap3A_42 = arith.constant 0 : index
    %swap3A_43 = vector.load %arg10[%swap3A, %swap3A_42] : memref<200x32xf32, #tpu.memory_space<vmem>>, vector<200x32xf32>
    tpu.vector_store %arg10[%swap3A, %swap3A_42], %squeeze3A {strides = array<i32>} : memref<200x32xf32, #tpu.memory_space<vmem>>, vector<200x32xf32>,
    %get3A_44 = arith.constant 0 : index
    %get3A_45 = arith.constant 0 : index
    %get3A_46 = vector.load %arg10[%get3A_44, %get3A_45] : memref<200x32xf32, #tpu.memory_space<vmem>>, vector<200x32xf32>
    %reduce_max3A = arith.constant dense<0xFF800000> : vector<200xf32>
    %reduce_max3A_47 = vector.multi_reduction <maximumf>, %get3A_46, %reduce_max3A [1] : vector<200x32xf32> to vector<200xf32>
    %broadcast_in_dim3A_48 = vector.shape_cast %reduce_max3A_47 : vector<200xf32> to vector<200x1xf32>
    %sub3A = vector.broadcast %broadcast_in_dim3A_48 : vector<200x1xf32> to vector<200x32xf32>
    %sub3A_49 = arith.subf %get3A_46, %sub3A : vector<200x32xf32>
    %exp3A = math.exp %sub3A_49 : vector<200x32xf32>
    %reduce_sum3A = arith.constant dense<0.000000e+00> : vector<200xf32>
    %reduce_sum3A_50 = vector.multi_reduction <add>, %exp3A, %reduce_sum3A [1] : vector<200x32xf32> to vector<200xf32>
    %broadcast_in_dim3A_51 = vector.shape_cast %reduce_sum3A_50 : vector<200xf32> to vector<200x1xf32>
    %div3A = vector.broadcast %broadcast_in_dim3A_51 : vector<200x1xf32> to vector<200x32xf32>
    %div3A_52 = arith.divf %exp3A, %div3A : vector<200x32xf32>
    %broadcast_in_dim3A_53 = vector.shape_cast %div3A_52 : vector<200x32xf32> to vector<200x32x1xf32>
    %reshape3A_54 = vector.shape_cast %get3A_1 : vector<6400x128xf32> to vector<200x32x128xf32>
    %mul3A = vector.broadcast %broadcast_in_dim3A_53 : vector<200x32x1xf32> to vector<200x32x128xf32>
    %mul3A_55 = arith.mulf %mul3A, %reshape3A_54 : vector<200x32x128xf32>
    %reduce_sum3A_56 = arith.constant dense<0.000000e+00> : vector<200x128xf32>
    %reduce_sum3A_57 = vector.multi_reduction <add>, %mul3A_55, %reduce_sum3A_56 [1] : vector<200x32x128xf32> to vector<200x128xf32>
    %swap3A_58 = arith.constant 0 : index
    %swap3A_59 = arith.constant 0 : index
    %swap3A_60 = vector.load %arg9[%swap3A_58, %swap3A_59] : memref<200x128xf32, #tpu.memory_space<vmem>>, vector<200x128xf32>
    tpu.vector_store %arg9[%swap3A_58, %swap3A_59], %reduce_sum3A_57 {strides = array<i32>} : memref<200x128xf32, #tpu.memory_space<vmem>>, vector<200x128xf32>,
    return
  }
  func.func @transform_0(%arg0: i32) -> (i32, i32) {
    %c0_i32 = arith.constant 0 : i32
    %c0_i32_0 = arith.constant 0 : i32
    return %arg0, %c0_i32 : i32, i32
  }
  func.func @transform_1(%arg0: i32) -> (i32, i32) {
    %c0_i32 = arith.constant 0 : i32
    %c0_i32_0 = arith.constant 0 : i32
    return %arg0, %c0_i32 : i32, i32
  }
  func.func @transform_2(%arg0: i32) -> (i32, i32) {
    %c0_i32 = arith.constant 0 : i32
    %c0_i32_0 = arith.constant 0 : i32
    %c0_i32_1 = arith.constant 0 : i32
    return %c0_i32, %c0_i32_0 : i32, i32
  }
  func.func @transform_3(%arg0: i32) -> (i32, i32) {
    %c0_i32 = arith.constant 0 : i32
    %c0_i32_0 = arith.constant 0 : i32
    %c0_i32_1 = arith.constant 0 : i32
    return %c0_i32, %c0_i32_0 : i32, i32
  }
  func.func @transform_4(%arg0: i32) -> (i32, i32) {
    %c0_i32 = arith.constant 0 : i32
    %c0_i32_0 = arith.constant 0 : i32
    %c0_i32_1 = arith.constant 0 : i32
    return %c0_i32, %c0_i32_0 : i32, i32
  }
  func.func @transform_5(%arg0: i32) -> (i32, i32) {
    %c0_i32 = arith.constant 0 : i32
    %c0_i32_0 = arith.constant 0 : i32
    %c0_i32_1 = arith.constant 0 : i32
    return %c0_i32, %c0_i32_0 : i32, i32
  }
  func.func @transform_6(%arg0: i32) -> (i32, i32) {
    %c0_i32 = arith.constant 0 : i32
    %c0_i32_0 = arith.constant 0 : i32
    %c0_i32_1 = arith.constant 0 : i32
    return %c0_i32, %c0_i32_0 : i32, i32
  }
  func.func @transform_7(%arg0: i32) -> (i32, i32) {
    %c0_i32 = arith.constant 0 : i32
    %c0_i32_0 = arith.constant 0 : i32
    %c0_i32_1 = arith.constant 0 : i32
    return %c0_i32, %c0_i32_0 : i32, i32
  }
  func.func @transform_8(%arg0: i32) -> (i32, i32) {
    %c0_i32 = arith.constant 0 : i32
    %c0_i32_0 = arith.constant 0 : i32
    return %arg0, %c0_i32 : i32, i32
  }
}

</mosaic_0001>

<sc_bundles>
// kernel: kernel.12.cloned.1.call-start
scs
__scs_entry_jumppad:
0x0: {  	(pc) =	sbr.rel $0x88, $3  }
0x1: {  	(tag) =	ssettag $0x0;
	lr =	simm.s32 $0x1  }
0x2: {  	[smem:$0x3F99] =	sst lr;
	_ =	strace $0xD0000000  }
0x3: {  	_ = 	snop  }
0x4: {  	_ = 	snop  }
0x5: {  	_ = 	snop  }
0x6: {  	_ = 	snop  }
0x7: {  	_ = 	snop  }
__scs_overlays_trampoline_lowered:
0x8: {  	[smem:$0x3FA8] =	sst s0  }
0x9: {  	[smem:$0x3FA9] =	sst s1  }
0xa: {  	[smem:$0x3FAA] =	sst s2  }
0xb: {  	[smem:$0x3FAB] =	sst s3  }
0xc: {  	[smem:$0x3FAC] =	sst s4  }
0xd: {  	[smem:$0x3FAD] =	sst s5  }
0xe: {  	[smem:$0x3FAE] =	sst s6  }
0xf: {  	[smem:$0x3FAF] =	sst s7  }
0x10: {  	[smem:$0x3FB0] =	sst s8  }
0x11: {  	[smem:$0x3FB1] =	sst s9;
	s0 =	simm.s32 @!p0 $0x0  }
0x12: {  	s1 =	sld [smem:$0x3F97];
	s0 =	simm.s32 @p0 $0x1  }
0x13: {  	[smem:$0x3FB2] =	sst s0;
	s0 =	simm.s32 @!p1 $0x0  }
0x14: {  	s2 =	sld [smem:$0x3F96];
	s0 =	simm.s32 @p1 $0x1  }
0x15: {  	[smem:$0x3FB3] =	sst s0;
	s0 =	simm.s32 @!p2 $0x0  }
0x16: {  	s3 =	sld [smem:$0x3FDB];
	s0 =	simm.s32 @p2 $0x1  }
0x17: {  	s4 =	simm.s32 $0x1BF5;
	[smem:$0x3FB5] =	sst s0  }
0x18: {  	s0 =	sld [smem:$0x3F98];
	_ =	swait.ge [sflag:s4], $0x0  }
0x19: {  	s7 =	sld [smem:$0x3F99]  }
0x1a: {  	s8 =	sadd.s32 $0xFFFFE003, lr  }
0x1b: {  	s9 =	sadd.s32 $0xFFFFFEF7, lr;
	s5 =	simm.s32 $0xFFFFFFFF;
	p2 =	slt.u32 s8, $0xFFFFF086  }
0x1c: {  	p1 =	slt.u32 s9, $0xF7A;
	s5 =	simm.s32 @!p2 $0x0  }
0x1d: {  	s5 =	simm.s32 @p1 $0x1;
	p0 =	seq.s32 s7, s2  }
0x1e: {  	s7 =	smul.u32 @!p0 $0xF7A, s2;
	p2 =	seq.s32 @!p0 s5, $0x0  }
0x1f: {  	s9 =	smul.u32 $0xF7A, s1;
	s8 =	simm.s32 @!p0 $0x1BF5;
	p2 =	por !p2, p0  }
0x20: {  	[sflag:s8] =	ssyncset.s32 @!p0 $0xFFFFF086;
	s6 =	sadd.s32 @!p0 s3, s7;
	s7 =	simm.s32 @!p0 $0x108  }
0x21: {  	s3 =	sadd.s32 s3, s9;
	s6 =	sadd.s32 @!p0 $0x88, s6;
	s7 =	simm.s32 @p2 $0x1082  }
0x22: {  	[simem:s7], [sflag:s8] =	dma.local @!p0 [hbm:s6], $0xF7A  }
0x23: {  	s9 =	sor.u32 $0xD0000000, s2;
	s6 =	simm.s32 $0x108;
	_ =	swait.ge @!p0 [sflag:s8], $0x0  }
0x24: {  	s3 =	sadd.s32 $0x88, s3;
	s6 =	simm.s32 @!p1 $0x1082;
	[sflag:s4] =	ssyncset.s32 $0xFFFFF086  }
0x25: {  	[simem:s6], [sflag:s4] =	dma.local [hbm:s3], $0xF7A  }
0x26: {  	[smem:$0x3F99] =	sst s1;
	(tag) =	ssettag s2;
	_ =	strace s9  }
0x27: {  	s1 =	sld [smem:$0x3FA9]  }
0x28: {  	s2 =	sld [smem:$0x3FAA]  }
0x29: {  	s4 =	sld [smem:$0x3FAC]  }
0x2a: {  	p0 =	seq.s32 s5, $0x0;
	s5 =	sld [smem:$0x3FAD]  }
0x2b: {  	s6 =	sld [smem:$0x3FAE]  }
0x2c: {  	s7 =	sld [smem:$0x3FAF]  }
0x2d: {  	s3 =	simm.s32 $0x108;
	s8 =	sld [smem:$0x3FB0]  }
0x2e: {  	s3 =	simm.s32 @!p0 $0x1082;
	s9 =	sld [smem:$0x3FB1]  }
0x2f: {  	lr =	sadd.s32 s0, s3;
	s0 =	sld [smem:$0x3FA8]  }
0x30: {  	s3 =	sld [smem:$0x3FAB]  }
0x31: {  	[smem:$0x3FB4] =	sst s10  }
0x32: {  	s10 =	sld [smem:$0x3FB2];
	_ =	sdelay $0x3  }
0x33: {  	p0 =	seq.s32 s10, $0x1;
	s10 =	sld [smem:$0x3FB4];
	_ =	sdelay $0x3  }
0x34: {  	[smem:$0x3FB4] =	sst s10  }
0x35: {  	s10 =	sld [smem:$0x3FB3];
	_ =	sdelay $0x3  }
0x36: {  	p1 =	seq.s32 s10, $0x1;
	s10 =	sld [smem:$0x3FB4];
	_ =	sdelay $0x3  }
0x37: {  	[smem:$0x3FB4] =	sst s10  }
0x38: {  	s10 =	sld [smem:$0x3FB5]  }
0x39: {  	_ = 	snop;
	(pc) =	sbr.ind lr, $3  }
0x3a: {  	_ = 	snop  }
0x3b: {  	_ = 	snop  }
0x3c: {  	p2 =	seq.s32 s10, $0x1;
	s10 =	sld [smem:$0x3FB4]  }
0x3d: {  	_ =	shalt  }
0x3e: {  	_ =	shalt  }
0x3f: {  	_ =	shalt  }
0x40: {  	_ =	shalt  }
0x41: {  	_ =	shalt  }
0x42: {  	_ =	shalt  }
0x43: {  	_ =	shalt  }
0x44: {  	_ =	shalt  }
0x45: {  	_ =	shalt  }
0x46: {  	_ =	shalt  }
0x47: {  	_ =	shalt  }
0x48: {  	_ =	shalt  }
0x49: {  	_ =	shalt  }
0x4a: {  	_ =	shalt  }
0x4b: {  	_ =	shalt  }
0x4c: {  	_ =	shalt  }
0x4d: {  	_ =	shalt  }
0x4e: {  	_ =	shalt  }
0x4f: {  	_ =	shalt  }
0x50: {  	_ =	shalt  }
0x51: {  	_ =	shalt  }
0x52: {  	_ =	shalt  }
0x53: {  	_ =	shalt  }
0x54: {  	_ =	shalt  }
0x55: {  	_ =	shalt  }
0x56: {  	_ =	shalt  }
0x57: {  	_ =	shalt  }
0x58: {  	_ =	shalt  }
0x59: {  	_ =	shalt  }
0x5a: {  	_ =	shalt  }
0x5b: {  	_ =	shalt  }
0x5c: {  	_ =	shalt  }
0x5d: {  	_ =	shalt  }
0x5e: {  	_ =	shalt  }
0x5f: {  	_ =	shalt  }
0x60: {  	_ =	shalt  }
0x61: {  	_ =	shalt  }
0x62: {  	_ =	shalt  }
0x63: {  	_ =	shalt  }
0x64: {  	_ =	shalt  }
0x65: {  	_ =	shalt  }
0x66: {  	_ =	shalt  }
0x67: {  	_ =	shalt  }
0x68: {  	_ =	shalt  }
0x69: {  	_ =	shalt  }
0x6a: {  	_ =	shalt  }
0x6b: {  	_ =	shalt  }
0x6c: {  	_ =	shalt  }
0x6d: {  	_ =	shalt  }
0x6e: {  	_ =	shalt  }
0x6f: {  	_ =	shalt  }
0x70: {  	_ =	shalt  }
0x71: {  	_ =	shalt  }
0x72: {  	_ =	shalt  }
0x73: {  	_ =	shalt  }
0x74: {  	_ =	shalt  }
0x75: {  	_ =	shalt  }
0x76: {  	_ =	shalt  }
0x77: {  	_ =	shalt  }
0x78: {  	_ =	shalt  }
0x79: {  	_ =	shalt  }
0x7a: {  	_ =	shalt  }
0x7b: {  	_ =	shalt  }
0x7c: {  	_ =	shalt  }
0x7d: {  	_ =	shalt  }
0x7e: {  	_ =	shalt  }
0x7f: {  	_ =	shalt  }
0x80: {  	_ =	shalt  }
0x81: {  	_ =	shalt  }
0x82: {  	_ =	shalt  }
0x83: {  	_ =	shalt  }
0x84: {  	_ =	shalt  }
0x85: {  	_ =	shalt  }
0x86: {  	_ =	shalt  }
0x87: {  	_ =	shalt  }
.Lfunc_end0:
.L_simem_size_0:
called_computation_lowered:
.L_overlay_start_0:
0x88: {  	s2 =	sld [smem:$0x3FD9]  }
0x89: {  	s3 =	sld [smem:$0x3FFE];
	_ =	sdelay $0x1  }
0x8a: {  	s1 =	srdreg.scid  }
0x8b: {  	s0 =	sand.u32 $0x1, s1  }
0x8c: {  	s17 =	sshll.u32 s0, $0xA;
	s2 =	sadd.s32 s3, s2  }
0x8d: {  	s2 =	sadd.s32 s2, s17  }
0x8e: {  	[smem:$0x3FC0] =	sst s2  }
0x8f: {  	_ = 	snop  }
0x90: {  	s2 =	sld [smem:$0x3FC7];
	(tm) =	ssettm $0x1  }
0x91: {  	s18 =	sld [smem:$0x3FFB];
	_ =	sdelay $0x3  }
0x92: {  	_ =	strace s18  }
0x93: {  	s3 =	sld [smem:$0x3FFC];
	_ =	sdelay $0x3  }
0x94: {  	_ =	strace s3  }
0x95: {  	s3 =	sld [smem:$0x3FFD];
	_ =	sdelay $0x3  }
0x96: {  	_ =	strace s3  }
0x97: {  	_ =	strace $0x8FFFFFFF  }
0x98: {  	s19 =	sld [smem:$0x3FDB];
	_ =	sdelay $0x1  }
0x99: {  	s4 =	simm.s32 $_scs_section_size  }
0x9a: {  	s5 =	simm.s32 $_size__tile_overlayer_lowered;
	s6 =	simm.s32 $_tile_overlayer_lowered  }
0x9b: {  	s22 =	simm.s32 $0x1BFF;
	s21 =	sshll.u32 s6, $0x1;
	s3 =	sadd.s32 s4, s19  }
0x9c: {  	s7 =	simm.s32 $0x0;
	s20 =	sshll.u32 s5, $0x1;
	s5 =	sadd.s32 s21, s3  }
0x9d: {  	[timem:s7], [sflag:s22] =	dma.local [hbm:s5], s20  }
0x9e: {  	_ =	swait.ge [sflag:s22], s20  }
0x9f: {  	s4 =	ssub.s32 $0x0, s20;
	[sflag:s22] =	ssyncset.done $0x0  }
0xa0: {  	[sflag:s22] =	ssyncadd.s32 s4;
	_ =	sdelay $0x1  }
0xa1: {  	s23 =	simm.s32 $0x1B8B  }
0xa2: {  	_ =	swait.ge [sflag:s23], $0x1  }
0xa3: {  	[sflag:s23] =	ssyncset.done $0x0  }
0xa4: {  	s25 =	simm.s32 $0x1B8E;
	s24 =	sld [smem:$0x3FFE];
	[sflag:s23] =	ssyncadd.s32 $0xFFFFFFFF  }
0xa5: {  	s26 =	simm.s32 $execute0_lowered;
	[smem:$0x3FD2] =	sst s25  }
0xa6: {  	s5 =	sshll.u32 s26, $0x1;
	_ =	strace $0x80000046;
	[dreg:$0x1] =	wrdreg $0xFFFFFFFF  }
0xa7: {  	s28 =	simm.s32 $_size_execute0_lowered;
	s3 =	sadd.s32 s3, s5;
	[dreg:$0x0] =	wrdreg $0x0  }
0xa8: {  	s5 =	sshll.u32 s28, $0x1;
	[dreg:$0x2] =	wrdreg s3  }
0xa9: {  	[dreg:$0x3] =	wrdreg s5  }
0xaa: {  	[dreg:$0x4] =	wrdreg $0xC0  }
0xab: {  	_ =	task [dreg:s7], $0x5FFFF  }
0xac: {  	[dreg:$0x1] =	wrdreg $0xFFFFFFFF  }
0xad: {  	[dreg:$0x0] =	wrdreg $0x60  }
0xae: {  	[dreg:$0x2] =	wrdreg s2  }
0xaf: {  	[dreg:$0x3] =	wrdreg s24  }
0xb0: {  	[dreg:$0x4] =	wrdreg $0x9  }
0xb1: {  	_ =	task.clear_ibuf [dreg:s7], $0x5FFFF;
	_ =	strace $0x90000046  }
0xb2: {  	s29 =	simm.s32 $0x9;
	_ =	strace $0x80000048  }
0xb3: {  	_ =	swait.ge [sflag:s29], $0x1  }
0xb4: {  	[sflag:s29] =	ssyncadd.s32 $0xFFFFFFFF  }
0xb5: {  	_ =	strace $0x90000048  }
0xb6: {  	_ =	sfence  }
0xb7: {  	s30 =	sld [smem:$0x0];
	_ =	sdelay $0x2  }
0xb8: {  	s31 =	sshll.u32 s1, $0xD;
	s1 =	sshrl.u32 s1, $0x2  }
0xb9: {  	s3 =	sand.u32 $0x4000, s31;
	s1 =	sadd.s32 s1, s30  }
0xba: {  	s0 =	sor.u32 s3, s0;
	s1 =	sshll.u32 s1, $0x11  }
0xbb: {  	s0 =	sor.u32 s1, s0  }
0xbc: {  	s0 =	sadd.s32 $0x8F2B, s0  }
0xbd: {  	[sflag:s0] =	ssyncadd.remote.s32 $0x1  }
0xbe: {  	_ =	sfence.sel $0xFFFF  }
0xbf: {  	[dreg:$0x0] =	wrdreg $0xFFFFFFFF;
	(pc) =	sbr.abs _section_cstart, $3  }
0xc0: {  	[dreg:$0x1] =	wrdreg $0xFFFFFFFF  }
0xc1: {  	_ =	task.clear_ibuf [dreg:s7], $0x2FFFF;
	_ =	strace $0x9FFFFFFF  }
0xc2: {  	(tm) =	ssettm $0x7FFFFFFF  }
0xc3: {  	_ =	shalt  }
tec
execute0_lowered:
.L_overlay_start_1:
0x0: {  	(tag) =	ssettag $0x1  }
0x1: {  	s1 =	srdreg.scid;
	s0 =	stileid.u32  }
0x2: {  	s25 =	sand.u32 $0x1, s1;
	s31 =	sshll.u32 s0, $0x1  }
0x3: {  	s2 =	rddreg [dreg:$0x0];
	s28 =	sor.u32 s25, s31  }
0x4: {  	s26 =	rddreg [dreg:$0x1];
	s4 =	smul.u32 $0xFA, s28  }
0x5: {  	s3 =	simm.s32 $0x0;
	s1 =	rddreg [dreg:$0x2]  }
0x6: {  	[smem:$0x7FF] =	sst s3;
	s4 =	sadd.s32 s4, s26  }
0x7: {  	_ =	strace $0x80000047;
	s5 =	sadd.s32 $0x4A00, s4;
	s4 =	simm.s32 $0x6  }
0x8: {  	[tilespmem:s3], [sflag:$0x6] =	stream.linear.gather [hbm4b:s5+s3], $0x7D0, $0x38;
	[tilespmem:$0x1B880] =	vst v63  }
0x9: {  	_ =	swait.ge [sflag:s4], $0x7D0  }
0xa: {  	s6 =	simm.s32 $0x190;
	[sflag:s4] =	ssyncset.done $0x0  }
0xb: {  	s7 =	simm.s32 $0x2880;
	s8 =	sshll.u32 s28, $0x3;
	[sflag:s4] =	ssyncadd.s32 $0xFFFFF830  }
0xc: {  	[tilespmem:s7], [sflag:$0x2] =	stream.indirect.gather [hbm4b:s2+s6], $0x80, s3, s6, $0xb8;
	[tilespmem:$0x1B880] =	vst v63  }
0xd: {  	s9 =	sadd.s32 s8, s26;
	s8 =	simm.s32 $0xF080  }
0xe: {  	[tilespmem:s8], [sflag:$0x3] =	stream.indirect.gather [hbm4b:s2+s6], $0x80, s6, s6, $0xb8;
	[tilespmem:$0x1B880] =	vst v63  }
0xf: {  	s10 =	simm.s32 $0x800;
	s9 =	sadd.s32 $0x6A00, s9  }
0x10: {  	[tilespmem:s10], [sflag:$0x6] =	stream.linear.gather [hbm4b:s9+s3], $0x40, $0x38;
	[tilespmem:$0x1B880] =	vst v63  }
0x11: {  	_ =	swait.ge [sflag:s4], $0x40  }
0x12: {  	s11 =	simm.s32 $0x40;
	[sflag:s4] =	ssyncset.done $0x0  }
0x13: {  	s12 =	simm.s32 $0x880;
	s13 =	simm.s32 $0x2;
	[sflag:s4] =	ssyncadd.s32 $0xFFFFFFC0  }
0x14: {  	[tilespmem:s12], [sflag:$0x1] =	stream.indirect.gather [hbm4b:s2+s11], $0x80, s10, s11, $0xb8;
	[tilespmem:$0x1B880] =	vst v63  }
0x15: {  	s14 =	smul.u32 $0x7D00, s28;
	_ =	swait.ge [sflag:s13], $0xC800  }
0x16: {  	s18 =	sadd.s32 $0xEC00, s26;
	[sflag:s13] =	ssyncset.done $0x0  }
0x17: {  	s15 =	simm.s32 $0x4;
	s14 =	sadd.s32 s18, s14;
	[sflag:s13] =	ssyncadd.s32 $0xFFFF3800  }
0x18: {  	[hbm4b:s14+s3] =	stream.linear.scatter [tilespmem:s7], [sflag:$0x4], $0xC800, $0x38;
	[tilespmem:$0x1B880] =	vst v63  }
0x19: {  	_ =	swait.ge [sflag:s15], $0xC800  }
0x1a: {  	s16 =	simm.s32 $0x320;
	[sflag:s15] =	ssyncset.done $0x0  }
0x1b: {  	s17 =	simm.s32 $0x3;
	s19 =	smul.u32 $0x3E800, s28;
	[sflag:s15] =	ssyncadd.s32 $0xFFFF3800  }
0x1c: {  	[tilespmem:s7], [sflag:$0x2] =	stream.indirect.gather [hbm4b:s2+s6], $0x80, s16, s6, $0xb8;
	[tilespmem:$0x1B880] =	vst v63  }
0x1d: {  	s19 =	sshrl.u32 s19, $0x3;
	_ =	swait.ge [sflag:s17], $0xC800  }
0x1e: {  	s24 =	sadd.s32 s18, s19;
	[sflag:s17] =	ssyncset.done $0x0  }
0x1f: {  	s19 =	simm.s32 $0x5;
	s18 =	sadd.s32 $0x1900, s24;
	[sflag:s17] =	ssyncadd.s32 $0xFFFF3800  }
0x20: {  	[hbm4b:s18+s3] =	stream.linear.scatter [tilespmem:s8], [sflag:$0x5], $0xC800, $0x38;
	[tilespmem:$0x1B880] =	vst v63  }
0x21: {  	_ =	swait.ge [sflag:s19], $0xC800  }
0x22: {  	[sflag:s19] =	ssyncset.done $0x0  }
0x23: {  	s20 =	simm.s32 $0x4B0;
	[sflag:s19] =	ssyncadd.s32 $0xFFFF3800  }
0x24: {  	[tilespmem:s8], [sflag:$0x3] =	stream.indirect.gather [hbm4b:s2+s6], $0x80, s20, s6, $0xb8;
	[tilespmem:$0x1B880] =	vst v63  }
0x25: {  	_ =	swait.ge [sflag:s13], $0xC800  }
0x26: {  	[sflag:s13] =	ssyncset.done $0x0  }
0x27: {  	s21 =	sadd.s32 $0x3200, s24;
	[sflag:s13] =	ssyncadd.s32 $0xFFFF3800  }
0x28: {  	[hbm4b:s21+s3] =	stream.linear.scatter [tilespmem:s7], [sflag:$0x4], $0xC800, $0x38;
	[tilespmem:$0x1B880] =	vst v63  }
0x29: {  	_ =	swait.ge [sflag:s15], $0xC800  }
0x2a: {  	[sflag:s15] =	ssyncset.done $0x0  }
0x2b: {  	s22 =	simm.s32 $0x640;
	[sflag:s15] =	ssyncadd.s32 $0xFFFF3800  }
0x2c: {  	[tilespmem:s7], [sflag:$0x2] =	stream.indirect.gather [hbm4b:s2+s6], $0x80, s22, s6, $0xb8;
	[tilespmem:$0x1B880] =	vst v63  }
0x2d: {  	_ =	swait.ge [sflag:s17], $0xC800  }
0x2e: {  	[sflag:s17] =	ssyncset.done $0x0  }
0x2f: {  	s23 =	sadd.s32 $0x4B00, s24;
	[sflag:s17] =	ssyncadd.s32 $0xFFFF3800  }
0x30: {  	[hbm4b:s23+s3] =	stream.linear.scatter [tilespmem:s8], [sflag:$0x5], $0xC800, $0x38;
	[tilespmem:$0x1B880] =	vst v63  }
0x31: {  	_ =	swait.ge [sflag:s13], $0xC800  }
0x32: {  	[sflag:s13] =	ssyncset.done $0x0  }
0x33: {  	s24 =	sadd.s32 $0x6400, s24;
	[sflag:s13] =	ssyncadd.s32 $0xFFFF3800  }
0x34: {  	[hbm4b:s24+s3] =	stream.linear.scatter [tilespmem:s7], [sflag:$0x4], $0xC800, $0x38;
	[tilespmem:$0x1B880] =	vst v63  }
0x35: {  	_ =	swait.ge [sflag:s15], $0xC800  }
0x36: {  	[sflag:s15] =	ssyncset.done $0x0  }
0x37: {  	s29 =	ssub.s32 $0x2, s25;
	[sflag:s15] =	ssyncadd.s32 $0xFFFF3800  }
0x38: {  	s28 =	sshll.u32 s28, $0xA;
	s30 =	sshrl.u32 s29, $0x1;
	_ =	swait.ge [sflag:s19], $0xC800  }
0x39: {  	s26 =	sadd.s32 s28, s26;
	s28 =	ssub.s32 s29, s30;
	[sflag:s19] =	ssyncset.done $0x0  }
0x3a: {  	s25 =	simm.s32 $0x1;
	s28 =	smax.u32 s28, $0x1;
	[sflag:s19] =	ssyncadd.s32 $0xFFFF3800  }
0x3b: {  	p0 =	sne.s32 s28, $0x1;
	_ =	swait.ge [sflag:s25], $0x2000  }
.Ltmp0:
0x3c: {  	[sflag:s25] =	ssyncset.done $0x0;
	(pc) =	sbr.rel @!p0 .LBB2_2-.Ltmp0, $4  }
0x3d: {  	s26 =	sadd.s32 $0x6C00, s26;
	[sflag:s25] =	ssyncadd.s32 $0xFFFFE000  }
0x3e: {  	[hbm4b:s26+s3] =	stream.linear.scatter [tilespmem:s12], [sflag:$0x6], $0x2000, $0x38;
	[tilespmem:$0x1B880] =	vst v63  }
0x3f: {  	_ =	swait.ge [sflag:s4], $0x2000  }
0x40: {  	s28 =	sadd.s32 $0xFFFFFFFF, s28;
	[sflag:s4] =	ssyncset.done $0x0  }
.LBB2_1:
0x41: {  	p0 =	sne.s32 s28, $0x1;
	s28 =	sadd.s32 $0xFFFFFFFF, s28;
	[sflag:s4] =	ssyncadd.s32 $0xFFFFE000  }
0x42: {  	[tilespmem:s3], [sflag:$0x6] =	stream.linear.gather [hbm4b:s5+s3], $0x7D0, $0x38;
	[tilespmem:$0x1B880] =	vst v63  }
0x43: {  	_ =	swait.ge [sflag:s4], $0x7D0  }
0x44: {  	[sflag:s4] =	ssyncset.done $0x0  }
0x45: {  	[sflag:s4] =	ssyncadd.s32 $0xFFFFF830  }
0x46: {  	[tilespmem:s7], [sflag:$0x2] =	stream.indirect.gather [hbm4b:s2+s6], $0x80, s3, s6, $0xb8;
	[tilespmem:$0x1B880] =	vst v63  }
0x47: {  	_ = 	snop  }
0x48: {  	[tilespmem:s8], [sflag:$0x3] =	stream.indirect.gather [hbm4b:s2+s6], $0x80, s6, s6, $0xb8;
	[tilespmem:$0x1B880] =	vst v63  }
0x49: {  	_ = 	snop  }
0x4a: {  	[tilespmem:s10], [sflag:$0x6] =	stream.linear.gather [hbm4b:s9+s3], $0x40, $0x38;
	[tilespmem:$0x1B880] =	vst v63  }
0x4b: {  	_ =	swait.ge [sflag:s4], $0x40  }
0x4c: {  	[sflag:s4] =	ssyncset.done $0x0  }
0x4d: {  	[sflag:s4] =	ssyncadd.s32 $0xFFFFFFC0  }
0x4e: {  	[tilespmem:s12], [sflag:$0x1] =	stream.indirect.gather [hbm4b:s2+s11], $0x80, s10, s11, $0xb8;
	[tilespmem:$0x1B880] =	vst v63  }
0x4f: {  	_ =	swait.ge [sflag:s13], $0xC800  }
0x50: {  	[sflag:s13] =	ssyncset.done $0x0  }
0x51: {  	[sflag:s13] =	ssyncadd.s32 $0xFFFF3800  }
0x52: {  	[hbm4b:s14+s3] =	stream.linear.scatter [tilespmem:s7], [sflag:$0x4], $0xC800, $0x38;
	[tilespmem:$0x1B880] =	vst v63  }
0x53: {  	_ =	swait.ge [sflag:s15], $0xC800  }
0x54: {  	[sflag:s15] =	ssyncset.done $0x0  }
0x55: {  	[sflag:s15] =	ssyncadd.s32 $0xFFFF3800  }
0x56: {  	[tilespmem:s7], [sflag:$0x2] =	stream.indirect.gather [hbm4b:s2+s6], $0x80, s16, s6, $0xb8;
	[tilespmem:$0x1B880] =	vst v63  }
0x57: {  	_ =	swait.ge [sflag:s17], $0xC800  }
0x58: {  	[sflag:s17] =	ssyncset.done $0x0  }
0x59: {  	[sflag:s17] =	ssyncadd.s32 $0xFFFF3800  }
0x5a: {  	[hbm4b:s18+s3] =	stream.linear.scatter [tilespmem:s8], [sflag:$0x5], $0xC800, $0x38;
	[tilespmem:$0x1B880] =	vst v63  }
0x5b: {  	_ =	swait.ge [sflag:s19], $0xC800  }
0x5c: {  	[sflag:s19] =	ssyncset.done $0x0  }
0x5d: {  	[sflag:s19] =	ssyncadd.s32 $0xFFFF3800  }
0x5e: {  	[tilespmem:s8], [sflag:$0x3] =	stream.indirect.gather [hbm4b:s2+s6], $0x80, s20, s6, $0xb8;
	[tilespmem:$0x1B880] =	vst v63  }
0x5f: {  	_ =	swait.ge [sflag:s13], $0xC800  }
0x60: {  	[sflag:s13] =	ssyncset.done $0x0  }
0x61: {  	[sflag:s13] =	ssyncadd.s32 $0xFFFF3800  }
0x62: {  	[hbm4b:s21+s3] =	stream.linear.scatter [tilespmem:s7], [sflag:$0x4], $0xC800, $0x38;
	[tilespmem:$0x1B880] =	vst v63  }
0x63: {  	_ =	swait.ge [sflag:s15], $0xC800  }
0x64: {  	[sflag:s15] =	ssyncset.done $0x0  }
0x65: {  	[sflag:s15] =	ssyncadd.s32 $0xFFFF3800  }
0x66: {  	[tilespmem:s7], [sflag:$0x2] =	stream.indirect.gather [hbm4b:s2+s6], $0x80, s22, s6, $0xb8;
	[tilespmem:$0x1B880] =	vst v63  }
0x67: {  	_ =	swait.ge [sflag:s17], $0xC800  }
0x68: {  	[sflag:s17] =	ssyncset.done $0x0  }
0x69: {  	[sflag:s17] =	ssyncadd.s32 $0xFFFF3800  }
0x6a: {  	[hbm4b:s23+s3] =	stream.linear.scatter [tilespmem:s8], [sflag:$0x5], $0xC800, $0x38;
	[tilespmem:$0x1B880] =	vst v63  }
0x6b: {  	_ =	swait.ge [sflag:s13], $0xC800  }
0x6c: {  	[sflag:s13] =	ssyncset.done $0x0  }
0x6d: {  	[sflag:s13] =	ssyncadd.s32 $0xFFFF3800  }
0x6e: {  	[hbm4b:s24+s3] =	stream.linear.scatter [tilespmem:s7], [sflag:$0x4], $0xC800, $0x38;
	[tilespmem:$0x1B880] =	vst v63  }
0x6f: {  	_ =	swait.ge [sflag:s15], $0xC800  }
0x70: {  	[sflag:s15] =	ssyncset.done $0x0  }
0x71: {  	[sflag:s15] =	ssyncadd.s32 $0xFFFF3800  }
0x72: {  	_ =	swait.ge [sflag:s19], $0xC800  }
0x73: {  	[sflag:s19] =	ssyncset.done $0x0  }
0x74: {  	[sflag:s19] =	ssyncadd.s32 $0xFFFF3800  }
0x75: {  	_ =	swait.ge [sflag:s25], $0x2000  }
.Ltmp1:
0x76: {  	[sflag:s25] =	ssyncset.done $0x0;
	(pc) =	sbr.rel @p0 .LBB2_1-.Ltmp1, $4  }
0x77: {  	[sflag:s25] =	ssyncadd.s32 $0xFFFFE000  }
0x78: {  	[hbm4b:s26+s3] =	stream.linear.scatter [tilespmem:s12], [sflag:$0x6], $0x2000, $0x38;
	[tilespmem:$0x1B880] =	vst v63  }
0x79: {  	_ =	swait.ge [sflag:s4], $0x2000  }
0x7a: {  	[sflag:s4] =	ssyncset.done $0x0  }
.LBB2_2:
0x7b: {  	[sflag:s4] =	ssyncadd.s32 $0xFFFFE000  }
0x7c: {  	_ =	sfence.sel $0x180000  }
0x7d: {  	[bflag:$0x0] =	sbarrier.arrive $0xFFFF  }
0x7e: {  	p0 =	sne.s32 s0, $0x0;
	_ =	strace $0x90000047  }
0x7f: {  	s0 =	sadd.s32 @!p0 $0x100000, s1;
	[bflag:$0x2] =	sbarrier.arrive $0xFFFF  }
0x80: {  	[sflag:s0] =	ssyncadd.tile.s32 @!p0 $0x1;
	_ =	shalt  }
.Lfunc_end2:
_tile_overlayer_lowered:
.L_overlay_start_2:
0x81: {  	(tag) =	ssettag $0x2  }
0x82: {  	s0 =	rddreg [dreg:$0x0];
	s2 =	stileid.u32  }
0x83: {  	s1 =	rddreg [dreg:$0x1];
	p0 =	sne.s32 s2, $0x0  }
0x84: {  	s3 =	rddreg [dreg:$0x2];
	[bflag:$0x3] =	sbarrier.arrive $0xFFFF;
	s2 =	simm.s32 @!p0 $0x1C06  }
0x85: {  	[timem:s3], [sflag:s2] =	dma.local @!p0 [hbm:s0], s1  }
0x86: {  	s0 =	simm.s32 @!p0 $0x6  }
0x87: {  	_ =	swait.ge @!p0 [sflag:s0], s1  }
0x88: {  	s1 =	ssub.s32 @!p0 $0x0, s1;
	[sflag:s0] =	ssyncset.done @!p0 $0x0  }
0x89: {  	[sflag:s0] =	ssyncadd.s32 @!p0 s1  }
0x8a: {  	[bflag:$0x3] =	sbarrier.arrive $0xFFFF  }
0x8b: {  	_ =	shalt  }

// kernel: kernel.15.cloned.1.call-start
scs
__scs_entry_jumppad:
0x0: {  	(pc) =	sbr.rel $0x88, $3  }
0x1: {  	(tag) =	ssettag $0x0;
	lr =	simm.s32 $0x1  }
0x2: {  	[smem:$0x3F99] =	sst lr;
	_ =	strace $0xD0000000  }
0x3: {  	_ = 	snop  }
0x4: {  	_ = 	snop  }
0x5: {  	_ = 	snop  }
0x6: {  	_ = 	snop  }
0x7: {  	_ = 	snop  }
__scs_overlays_trampoline_lowered:
0x8: {  	[smem:$0x3FA8] =	sst s0  }
0x9: {  	[smem:$0x3FA9] =	sst s1  }
0xa: {  	[smem:$0x3FAA] =	sst s2  }
0xb: {  	[smem:$0x3FAB] =	sst s3  }
0xc: {  	[smem:$0x3FAC] =	sst s4  }
0xd: {  	[smem:$0x3FAD] =	sst s5  }
0xe: {  	[smem:$0x3FAE] =	sst s6  }
0xf: {  	[smem:$0x3FAF] =	sst s7  }
0x10: {  	[smem:$0x3FB0] =	sst s8  }
0x11: {  	[smem:$0x3FB1] =	sst s9;
	s0 =	simm.s32 @!p0 $0x0  }
0x12: {  	s1 =	sld [smem:$0x3F97];
	s0 =	simm.s32 @p0 $0x1  }
0x13: {  	[smem:$0x3FB2] =	sst s0;
	s0 =	simm.s32 @!p1 $0x0  }
0x14: {  	s2 =	sld [smem:$0x3F96];
	s0 =	simm.s32 @p1 $0x1  }
0x15: {  	[smem:$0x3FB3] =	sst s0;
	s0 =	simm.s32 @!p2 $0x0  }
0x16: {  	s3 =	sld [smem:$0x3FDB];
	s0 =	simm.s32 @p2 $0x1  }
0x17: {  	s4 =	simm.s32 $0x1BF5;
	[smem:$0x3FB5] =	sst s0  }
0x18: {  	s0 =	sld [smem:$0x3F98];
	_ =	swait.ge [sflag:s4], $0x0  }
0x19: {  	s7 =	sld [smem:$0x3F99]  }
0x1a: {  	s8 =	sadd.s32 $0xFFFFE003, lr  }
0x1b: {  	s9 =	sadd.s32 $0xFFFFFEF7, lr;
	s5 =	simm.s32 $0xFFFFFFFF;
	p2 =	slt.u32 s8, $0xFFFFF086  }
0x1c: {  	p1 =	slt.u32 s9, $0xF7A;
	s5 =	simm.s32 @!p2 $0x0  }
0x1d: {  	s5 =	simm.s32 @p1 $0x1;
	p0 =	seq.s32 s7, s2  }
0x1e: {  	s7 =	smul.u32 @!p0 $0xF7A, s2;
	p2 =	seq.s32 @!p0 s5, $0x0  }
0x1f: {  	s9 =	smul.u32 $0xF7A, s1;
	s8 =	simm.s32 @!p0 $0x1BF5;
	p2 =	por !p2, p0  }
0x20: {  	[sflag:s8] =	ssyncset.s32 @!p0 $0xFFFFF086;
	s6 =	sadd.s32 @!p0 s3, s7;
	s7 =	simm.s32 @!p0 $0x108  }
0x21: {  	s3 =	sadd.s32 s3, s9;
	s6 =	sadd.s32 @!p0 $0x88, s6;
	s7 =	simm.s32 @p2 $0x1082  }
0x22: {  	[simem:s7], [sflag:s8] =	dma.local @!p0 [hbm:s6], $0xF7A  }
0x23: {  	s9 =	sor.u32 $0xD0000000, s2;
	s6 =	simm.s32 $0x108;
	_ =	swait.ge @!p0 [sflag:s8], $0x0  }
0x24: {  	s3 =	sadd.s32 $0x88, s3;
	s6 =	simm.s32 @!p1 $0x1082;
	[sflag:s4] =	ssyncset.s32 $0xFFFFF086  }
0x25: {  	[simem:s6], [sflag:s4] =	dma.local [hbm:s3], $0xF7A  }
0x26: {  	[smem:$0x3F99] =	sst s1;
	(tag) =	ssettag s2;
	_ =	strace s9  }
0x27: {  	s1 =	sld [smem:$0x3FA9]  }
0x28: {  	s2 =	sld [smem:$0x3FAA]  }
0x29: {  	s4 =	sld [smem:$0x3FAC]  }
0x2a: {  	p0 =	seq.s32 s5, $0x0;
	s5 =	sld [smem:$0x3FAD]  }
0x2b: {  	s6 =	sld [smem:$0x3FAE]  }
0x2c: {  	s7 =	sld [smem:$0x3FAF]  }
0x2d: {  	s3 =	simm.s32 $0x108;
	s8 =	sld [smem:$0x3FB0]  }
0x2e: {  	s3 =	simm.s32 @!p0 $0x1082;
	s9 =	sld [smem:$0x3FB1]  }
0x2f: {  	lr =	sadd.s32 s0, s3;
	s0 =	sld [smem:$0x3FA8]  }
0x30: {  	s3 =	sld [smem:$0x3FAB]  }
0x31: {  	[smem:$0x3FB4] =	sst s10  }
0x32: {  	s10 =	sld [smem:$0x3FB2];
	_ =	sdelay $0x3  }
0x33: {  	p0 =	seq.s32 s10, $0x1;
	s10 =	sld [smem:$0x3FB4];
	_ =	sdelay $0x3  }
0x34: {  	[smem:$0x3FB4] =	sst s10  }
0x35: {  	s10 =	sld [smem:$0x3FB3];
	_ =	sdelay $0x3  }
0x36: {  	p1 =	seq.s32 s10, $0x1;
	s10 =	sld [smem:$0x3FB4];
	_ =	sdelay $0x3  }
0x37: {  	[smem:$0x3FB4] =	sst s10  }
0x38: {  	s10 =	sld [smem:$0x3FB5]  }
0x39: {  	_ = 	snop;
	(pc) =	sbr.ind lr, $3  }
0x3a: {  	_ = 	snop  }
0x3b: {  	_ = 	snop  }
0x3c: {  	p2 =	seq.s32 s10, $0x1;
	s10 =	sld [smem:$0x3FB4]  }
0x3d: {  	_ =	shalt  }
0x3e: {  	_ =	shalt  }
0x3f: {  	_ =	shalt  }
0x40: {  	_ =	shalt  }
0x41: {  	_ =	shalt  }
0x42: {  	_ =	shalt  }
0x43: {  	_ =	shalt  }
0x44: {  	_ =	shalt  }
0x45: {  	_ =	shalt  }
0x46: {  	_ =	shalt  }
0x47: {  	_ =	shalt  }
0x48: {  	_ =	shalt  }
0x49: {  	_ =	shalt  }
0x4a: {  	_ =	shalt  }
0x4b: {  	_ =	shalt  }
0x4c: {  	_ =	shalt  }
0x4d: {  	_ =	shalt  }
0x4e: {  	_ =	shalt  }
0x4f: {  	_ =	shalt  }
0x50: {  	_ =	shalt  }
0x51: {  	_ =	shalt  }
0x52: {  	_ =	shalt  }
0x53: {  	_ =	shalt  }
0x54: {  	_ =	shalt  }
0x55: {  	_ =	shalt  }
0x56: {  	_ =	shalt  }
0x57: {  	_ =	shalt  }
0x58: {  	_ =	shalt  }
0x59: {  	_ =	shalt  }
0x5a: {  	_ =	shalt  }
0x5b: {  	_ =	shalt  }
0x5c: {  	_ =	shalt  }
0x5d: {  	_ =	shalt  }
0x5e: {  	_ =	shalt  }
0x5f: {  	_ =	shalt  }
0x60: {  	_ =	shalt  }
0x61: {  	_ =	shalt  }
0x62: {  	_ =	shalt  }
0x63: {  	_ =	shalt  }
0x64: {  	_ =	shalt  }
0x65: {  	_ =	shalt  }
0x66: {  	_ =	shalt  }
0x67: {  	_ =	shalt  }
0x68: {  	_ =	shalt  }
0x69: {  	_ =	shalt  }
0x6a: {  	_ =	shalt  }
0x6b: {  	_ =	shalt  }
0x6c: {  	_ =	shalt  }
0x6d: {  	_ =	shalt  }
0x6e: {  	_ =	shalt  }
0x6f: {  	_ =	shalt  }
0x70: {  	_ =	shalt  }
0x71: {  	_ =	shalt  }
0x72: {  	_ =	shalt  }
0x73: {  	_ =	shalt  }
0x74: {  	_ =	shalt  }
0x75: {  	_ =	shalt  }
0x76: {  	_ =	shalt  }
0x77: {  	_ =	shalt  }
0x78: {  	_ =	shalt  }
0x79: {  	_ =	shalt  }
0x7a: {  	_ =	shalt  }
0x7b: {  	_ =	shalt  }
0x7c: {  	_ =	shalt  }
0x7d: {  	_ =	shalt  }
0x7e: {  	_ =	shalt  }
0x7f: {  	_ =	shalt  }
0x80: {  	_ =	shalt  }
0x81: {  	_ =	shalt  }
0x82: {  	_ =	shalt  }
0x83: {  	_ =	shalt  }
0x84: {  	_ =	shalt  }
0x85: {  	_ =	shalt  }
0x86: {  	_ =	shalt  }
0x87: {  	_ =	shalt  }
.Lfunc_end0:
.L_simem_size_0:
called_computation.1_lowered:
.L_overlay_start_0:
0x88: {  	s2 =	sld [smem:$0x3FD9]  }
0x89: {  	s3 =	sld [smem:$0x3FFE];
	_ =	sdelay $0x1  }
0x8a: {  	s1 =	srdreg.scid  }
0x8b: {  	s0 =	sand.u32 $0x1, s1  }
0x8c: {  	s17 =	sshll.u32 s0, $0xA;
	s2 =	sadd.s32 s3, s2  }
0x8d: {  	s2 =	sadd.s32 s2, s17  }
0x8e: {  	[smem:$0x3FC0] =	sst s2  }
0x8f: {  	_ = 	snop  }
0x90: {  	s2 =	sld [smem:$0x3FC7];
	(tm) =	ssettm $0x1  }
0x91: {  	s18 =	sld [smem:$0x3FFB];
	_ =	sdelay $0x3  }
0x92: {  	_ =	strace s18  }
0x93: {  	s3 =	sld [smem:$0x3FFC];
	_ =	sdelay $0x3  }
0x94: {  	_ =	strace s3  }
0x95: {  	s3 =	sld [smem:$0x3FFD];
	_ =	sdelay $0x3  }
0x96: {  	_ =	strace s3  }
0x97: {  	_ =	strace $0x8FFFFFFF  }
0x98: {  	s19 =	sld [smem:$0x3FDB];
	_ =	sdelay $0x1  }
0x99: {  	s4 =	simm.s32 $_scs_section_size  }
0x9a: {  	s5 =	simm.s32 $_size__tile_overlayer_lowered;
	s6 =	simm.s32 $_tile_overlayer_lowered  }
0x9b: {  	s22 =	simm.s32 $0x1BFF;
	s21 =	sshll.u32 s6, $0x1;
	s3 =	sadd.s32 s4, s19  }
0x9c: {  	s7 =	simm.s32 $0x0;
	s20 =	sshll.u32 s5, $0x1;
	s5 =	sadd.s32 s21, s3  }
0x9d: {  	[timem:s7], [sflag:s22] =	dma.local [hbm:s5], s20  }
0x9e: {  	_ =	swait.ge [sflag:s22], s20  }
0x9f: {  	s4 =	ssub.s32 $0x0, s20;
	[sflag:s22] =	ssyncset.done $0x0  }
0xa0: {  	[sflag:s22] =	ssyncadd.s32 s4;
	_ =	sdelay $0x1  }
0xa1: {  	s23 =	simm.s32 $0x1B8B  }
0xa2: {  	_ =	swait.ge [sflag:s23], $0x1  }
0xa3: {  	[sflag:s23] =	ssyncset.done $0x0  }
0xa4: {  	s25 =	simm.s32 $0x1B8E;
	s24 =	sld [smem:$0x3FFE];
	[sflag:s23] =	ssyncadd.s32 $0xFFFFFFFF  }
0xa5: {  	s26 =	simm.s32 $execute0_lowered;
	[smem:$0x3FD2] =	sst s25  }
0xa6: {  	s5 =	sshll.u32 s26, $0x1;
	_ =	strace $0x80000049;
	[dreg:$0x1] =	wrdreg $0xFFFFFFFF  }
0xa7: {  	s28 =	simm.s32 $_size_execute0_lowered;
	s3 =	sadd.s32 s3, s5;
	[dreg:$0x0] =	wrdreg $0x0  }
0xa8: {  	s5 =	sshll.u32 s28, $0x1;
	[dreg:$0x2] =	wrdreg s3  }
0xa9: {  	[dreg:$0x3] =	wrdreg s5  }
0xaa: {  	[dreg:$0x4] =	wrdreg $0xC0  }
0xab: {  	_ =	task [dreg:s7], $0x5FFFF  }
0xac: {  	[dreg:$0x1] =	wrdreg $0xFFFFFFFF  }
0xad: {  	[dreg:$0x0] =	wrdreg $0x60  }
0xae: {  	[dreg:$0x2] =	wrdreg s2  }
0xaf: {  	[dreg:$0x3] =	wrdreg s24  }
0xb0: {  	[dreg:$0x4] =	wrdreg $0x9  }
0xb1: {  	_ =	task.clear_ibuf [dreg:s7], $0x5FFFF;
	_ =	strace $0x90000049  }
0xb2: {  	s29 =	simm.s32 $0x9;
	_ =	strace $0x8000004B  }
0xb3: {  	_ =	swait.ge [sflag:s29], $0x1  }
0xb4: {  	[sflag:s29] =	ssyncadd.s32 $0xFFFFFFFF  }
0xb5: {  	_ =	strace $0x9000004B  }
0xb6: {  	_ =	sfence  }
0xb7: {  	s30 =	sld [smem:$0x0];
	_ =	sdelay $0x2  }
0xb8: {  	s31 =	sshll.u32 s1, $0xD;
	s1 =	sshrl.u32 s1, $0x2  }
0xb9: {  	s3 =	sand.u32 $0x4000, s31;
	s1 =	sadd.s32 s1, s30  }
0xba: {  	s0 =	sor.u32 s3, s0;
	s1 =	sshll.u32 s1, $0x11  }
0xbb: {  	s0 =	sor.u32 s1, s0  }
0xbc: {  	s0 =	sadd.s32 $0x8F2B, s0  }
0xbd: {  	[sflag:s0] =	ssyncadd.remote.s32 $0x1  }
0xbe: {  	_ =	sfence.sel $0xFFFF  }
0xbf: {  	[dreg:$0x0] =	wrdreg $0xFFFFFFFF;
	(pc) =	sbr.abs _section_cstart, $3  }
0xc0: {  	[dreg:$0x1] =	wrdreg $0xFFFFFFFF  }
0xc1: {  	_ =	task.clear_ibuf [dreg:s7], $0x2FFFF;
	_ =	strace $0x9FFFFFFF  }
0xc2: {  	(tm) =	ssettm $0x7FFFFFFF  }
0xc3: {  	_ =	shalt  }
tec
execute0_lowered:
.L_overlay_start_1:
0x0: {  	(tag) =	ssettag $0x1  }
0x1: {  	s1 =	srdreg.scid;
	s0 =	stileid.u32  }
0x2: {  	s25 =	sand.u32 $0x1, s1;
	s31 =	sshll.u32 s0, $0x1  }
0x3: {  	s2 =	rddreg [dreg:$0x0];
	s28 =	sor.u32 s25, s31  }
0x4: {  	s26 =	rddreg [dreg:$0x1];
	s4 =	smul.u32 $0xFA, s28  }
0x5: {  	s3 =	simm.s32 $0x0;
	s1 =	rddreg [dreg:$0x2]  }
0x6: {  	[smem:$0x7FF] =	sst s3;
	s4 =	sadd.s32 s4, s26  }
0x7: {  	_ =	strace $0x8000004A;
	s5 =	sadd.s32 $0x108C00, s4;
	s4 =	simm.s32 $0x6  }
0x8: {  	[tilespmem:s3], [sflag:$0x6] =	stream.linear.gather [hbm4b:s5+s3], $0x7D0, $0x38;
	[tilespmem:$0x1B880] =	vst v63  }
0x9: {  	_ =	swait.ge [sflag:s4], $0x7D0  }
0xa: {  	s6 =	simm.s32 $0x190;
	[sflag:s4] =	ssyncset.done $0x0  }
0xb: {  	s7 =	simm.s32 $0x2880;
	s8 =	sshll.u32 s28, $0x3;
	[sflag:s4] =	ssyncadd.s32 $0xFFFFF830  }
0xc: {  	[tilespmem:s7], [sflag:$0x2] =	stream.indirect.gather [hbm4b:s2+s6], $0x80, s3, s6, $0xb8;
	[tilespmem:$0x1B880] =	vst v63  }
0xd: {  	s9 =	sadd.s32 s8, s26;
	s8 =	simm.s32 $0xF080  }
0xe: {  	[tilespmem:s8], [sflag:$0x3] =	stream.indirect.gather [hbm4b:s2+s6], $0x80, s6, s6, $0xb8;
	[tilespmem:$0x1B880] =	vst v63  }
0xf: {  	s10 =	simm.s32 $0x800;
	s9 =	sadd.s32 $0x10AC00, s9  }
0x10: {  	[tilespmem:s10], [sflag:$0x6] =	stream.linear.gather [hbm4b:s9+s3], $0x40, $0x38;
	[tilespmem:$0x1B880] =	vst v63  }
0x11: {  	_ =	swait.ge [sflag:s4], $0x40  }
0x12: {  	s11 =	simm.s32 $0x40;
	[sflag:s4] =	ssyncset.done $0x0  }
0x13: {  	s12 =	simm.s32 $0x880;
	s13 =	simm.s32 $0x2;
	[sflag:s4] =	ssyncadd.s32 $0xFFFFFFC0  }
0x14: {  	[tilespmem:s12], [sflag:$0x1] =	stream.indirect.gather [hbm4b:s2+s11], $0x80, s10, s11, $0xb8;
	[tilespmem:$0x1B880] =	vst v63  }
0x15: {  	s14 =	smul.u32 $0x7D00, s28;
	_ =	swait.ge [sflag:s13], $0xC800  }
0x16: {  	s18 =	sadd.s32 $0x112E00, s26;
	[sflag:s13] =	ssyncset.done $0x0  }
0x17: {  	s15 =	simm.s32 $0x4;
	s14 =	sadd.s32 s18, s14;
	[sflag:s13] =	ssyncadd.s32 $0xFFFF3800  }
0x18: {  	[hbm4b:s14+s3] =	stream.linear.scatter [tilespmem:s7], [sflag:$0x4], $0xC800, $0x38;
	[tilespmem:$0x1B880] =	vst v63  }
0x19: {  	_ =	swait.ge [sflag:s15], $0xC800  }
0x1a: {  	s16 =	simm.s32 $0x320;
	[sflag:s15] =	ssyncset.done $0x0  }
0x1b: {  	s17 =	simm.s32 $0x3;
	s19 =	smul.u32 $0x3E800, s28;
	[sflag:s15] =	ssyncadd.s32 $0xFFFF3800  }
0x1c: {  	[tilespmem:s7], [sflag:$0x2] =	stream.indirect.gather [hbm4b:s2+s6], $0x80, s16, s6, $0xb8;
	[tilespmem:$0x1B880] =	vst v63  }
0x1d: {  	s19 =	sshrl.u32 s19, $0x3;
	_ =	swait.ge [sflag:s17], $0xC800  }
0x1e: {  	s24 =	sadd.s32 s18, s19;
	[sflag:s17] =	ssyncset.done $0x0  }
0x1f: {  	s19 =	simm.s32 $0x5;
	s18 =	sadd.s32 $0x1900, s24;
	[sflag:s17] =	ssyncadd.s32 $0xFFFF3800  }
0x20: {  	[hbm4b:s18+s3] =	stream.linear.scatter [tilespmem:s8], [sflag:$0x5], $0xC800, $0x38;
	[tilespmem:$0x1B880] =	vst v63  }
0x21: {  	_ =	swait.ge [sflag:s19], $0xC800  }
0x22: {  	[sflag:s19] =	ssyncset.done $0x0  }
0x23: {  	s20 =	simm.s32 $0x4B0;
	[sflag:s19] =	ssyncadd.s32 $0xFFFF3800  }
0x24: {  	[tilespmem:s8], [sflag:$0x3] =	stream.indirect.gather [hbm4b:s2+s6], $0x80, s20, s6, $0xb8;
	[tilespmem:$0x1B880] =	vst v63  }
0x25: {  	_ =	swait.ge [sflag:s13], $0xC800  }
0x26: {  	[sflag:s13] =	ssyncset.done $0x0  }
0x27: {  	s21 =	sadd.s32 $0x3200, s24;
	[sflag:s13] =	ssyncadd.s32 $0xFFFF3800  }
0x28: {  	[hbm4b:s21+s3] =	stream.linear.scatter [tilespmem:s7], [sflag:$0x4], $0xC800, $0x38;
	[tilespmem:$0x1B880] =	vst v63  }
0x29: {  	_ =	swait.ge [sflag:s15], $0xC800  }
0x2a: {  	[sflag:s15] =	ssyncset.done $0x0  }
0x2b: {  	s22 =	simm.s32 $0x640;
	[sflag:s15] =	ssyncadd.s32 $0xFFFF3800  }
0x2c: {  	[tilespmem:s7], [sflag:$0x2] =	stream.indirect.gather [hbm4b:s2+s6], $0x80, s22, s6, $0xb8;
	[tilespmem:$0x1B880] =	vst v63  }
0x2d: {  	_ =	swait.ge [sflag:s17], $0xC800  }
0x2e: {  	[sflag:s17] =	ssyncset.done $0x0  }
0x2f: {  	s23 =	sadd.s32 $0x4B00, s24;
	[sflag:s17] =	ssyncadd.s32 $0xFFFF3800  }
0x30: {  	[hbm4b:s23+s3] =	stream.linear.scatter [tilespmem:s8], [sflag:$0x5], $0xC800, $0x38;
	[tilespmem:$0x1B880] =	vst v63  }
0x31: {  	_ =	swait.ge [sflag:s13], $0xC800  }
0x32: {  	[sflag:s13] =	ssyncset.done $0x0  }
0x33: {  	s24 =	sadd.s32 $0x6400, s24;
	[sflag:s13] =	ssyncadd.s32 $0xFFFF3800  }
0x34: {  	[hbm4b:s24+s3] =	stream.linear.scatter [tilespmem:s7], [sflag:$0x4], $0xC800, $0x38;
	[tilespmem:$0x1B880] =	vst v63  }
0x35: {  	_ =	swait.ge [sflag:s15], $0xC800  }
0x36: {  	[sflag:s15] =	ssyncset.done $0x0  }
0x37: {  	s29 =	ssub.s32 $0x2, s25;
	[sflag:s15] =	ssyncadd.s32 $0xFFFF3800  }
0x38: {  	s28 =	sshll.u32 s28, $0xA;
	s30 =	sshrl.u32 s29, $0x1;
	_ =	swait.ge [sflag:s19], $0xC800  }
0x39: {  	s26 =	sadd.s32 s28, s26;
	s28 =	ssub.s32 s29, s30;
	[sflag:s19] =	ssyncset.done $0x0  }
0x3a: {  	s25 =	simm.s32 $0x1;
	s28 =	smax.u32 s28, $0x1;
	[sflag:s19] =	ssyncadd.s32 $0xFFFF3800  }
0x3b: {  	p0 =	sne.s32 s28, $0x1;
	_ =	swait.ge [sflag:s25], $0x2000  }
.Ltmp0:
0x3c: {  	[sflag:s25] =	ssyncset.done $0x0;
	(pc) =	sbr.rel @!p0 .LBB2_2-.Ltmp0, $4  }
0x3d: {  	s26 =	sadd.s32 $0x10AE00, s26;
	[sflag:s25] =	ssyncadd.s32 $0xFFFFE000  }
0x3e: {  	[hbm4b:s26+s3] =	stream.linear.scatter [tilespmem:s12], [sflag:$0x6], $0x2000, $0x38;
	[tilespmem:$0x1B880] =	vst v63  }
0x3f: {  	_ =	swait.ge [sflag:s4], $0x2000  }
0x40: {  	s28 =	sadd.s32 $0xFFFFFFFF, s28;
	[sflag:s4] =	ssyncset.done $0x0  }
.LBB2_1:
0x41: {  	p0 =	sne.s32 s28, $0x1;
	s28 =	sadd.s32 $0xFFFFFFFF, s28;
	[sflag:s4] =	ssyncadd.s32 $0xFFFFE000  }
0x42: {  	[tilespmem:s3], [sflag:$0x6] =	stream.linear.gather [hbm4b:s5+s3], $0x7D0, $0x38;
	[tilespmem:$0x1B880] =	vst v63  }
0x43: {  	_ =	swait.ge [sflag:s4], $0x7D0  }
0x44: {  	[sflag:s4] =	ssyncset.done $0x0  }
0x45: {  	[sflag:s4] =	ssyncadd.s32 $0xFFFFF830  }
0x46: {  	[tilespmem:s7], [sflag:$0x2] =	stream.indirect.gather [hbm4b:s2+s6], $0x80, s3, s6, $0xb8;
	[tilespmem:$0x1B880] =	vst v63  }
0x47: {  	_ = 	snop  }
0x48: {  	[tilespmem:s8], [sflag:$0x3] =	stream.indirect.gather [hbm4b:s2+s6], $0x80, s6, s6, $0xb8;
	[tilespmem:$0x1B880] =	vst v63  }
0x49: {  	_ = 	snop  }
0x4a: {  	[tilespmem:s10], [sflag:$0x6] =	stream.linear.gather [hbm4b:s9+s3], $0x40, $0x38;
	[tilespmem:$0x1B880] =	vst v63  }
0x4b: {  	_ =	swait.ge [sflag:s4], $0x40  }
0x4c: {  	[sflag:s4] =	ssyncset.done $0x0  }
0x4d: {  	[sflag:s4] =	ssyncadd.s32 $0xFFFFFFC0  }
0x4e: {  	[tilespmem:s12], [sflag:$0x1] =	stream.indirect.gather [hbm4b:s2+s11], $0x80, s10, s11, $0xb8;
	[tilespmem:$0x1B880] =	vst v63  }
0x4f: {  	_ =	swait.ge [sflag:s13], $0xC800  }
0x50: {  	[sflag:s13] =	ssyncset.done $0x0  }
0x51: {  	[sflag:s13] =	ssyncadd.s32 $0xFFFF3800  }
0x52: {  	[hbm4b:s14+s3] =	stream.linear.scatter [tilespmem:s7], [sflag:$0x4], $0xC800, $0x38;
	[tilespmem:$0x1B880] =	vst v63  }
0x53: {  	_ =	swait.ge [sflag:s15], $0xC800  }
0x54: {  	[sflag:s15] =	ssyncset.done $0x0  }
0x55: {  	[sflag:s15] =	ssyncadd.s32 $0xFFFF3800  }
0x56: {  	[tilespmem:s7], [sflag:$0x2] =	stream.indirect.gather [hbm4b:s2+s6], $0x80, s16, s6, $0xb8;
	[tilespmem:$0x1B880] =	vst v63  }
0x57: {  	_ =	swait.ge [sflag:s17], $0xC800  }
0x58: {  	[sflag:s17] =	ssyncset.done $0x0  }
0x59: {  	[sflag:s17] =	ssyncadd.s32 $0xFFFF3800  }
0x5a: {  	[hbm4b:s18+s3] =	stream.linear.scatter [tilespmem:s8], [sflag:$0x5], $0xC800, $0x38;
	[tilespmem:$0x1B880] =	vst v63  }
0x5b: {  	_ =	swait.ge [sflag:s19], $0xC800  }
0x5c: {  	[sflag:s19] =	ssyncset.done $0x0  }
0x5d: {  	[sflag:s19] =	ssyncadd.s32 $0xFFFF3800  }
0x5e: {  	[tilespmem:s8], [sflag:$0x3] =	stream.indirect.gather [hbm4b:s2+s6], $0x80, s20, s6, $0xb8;
	[tilespmem:$0x1B880] =	vst v63  }
0x5f: {  	_ =	swait.ge [sflag:s13], $0xC800  }
0x60: {  	[sflag:s13] =	ssyncset.done $0x0  }
0x61: {  	[sflag:s13] =	ssyncadd.s32 $0xFFFF3800  }
0x62: {  	[hbm4b:s21+s3] =	stream.linear.scatter [tilespmem:s7], [sflag:$0x4], $0xC800, $0x38;
	[tilespmem:$0x1B880] =	vst v63  }
0x63: {  	_ =	swait.ge [sflag:s15], $0xC800  }
0x64: {  	[sflag:s15] =	ssyncset.done $0x0  }
0x65: {  	[sflag:s15] =	ssyncadd.s32 $0xFFFF3800  }
0x66: {  	[tilespmem:s7], [sflag:$0x2] =	stream.indirect.gather [hbm4b:s2+s6], $0x80, s22, s6, $0xb8;
	[tilespmem:$0x1B880] =	vst v63  }
0x67: {  	_ =	swait.ge [sflag:s17], $0xC800  }
0x68: {  	[sflag:s17] =	ssyncset.done $0x0  }
0x69: {  	[sflag:s17] =	ssyncadd.s32 $0xFFFF3800  }
0x6a: {  	[hbm4b:s23+s3] =	stream.linear.scatter [tilespmem:s8], [sflag:$0x5], $0xC800, $0x38;
	[tilespmem:$0x1B880] =	vst v63  }
0x6b: {  	_ =	swait.ge [sflag:s13], $0xC800  }
0x6c: {  	[sflag:s13] =	ssyncset.done $0x0  }
0x6d: {  	[sflag:s13] =	ssyncadd.s32 $0xFFFF3800  }
0x6e: {  	[hbm4b:s24+s3] =	stream.linear.scatter [tilespmem:s7], [sflag:$0x4], $0xC800, $0x38;
	[tilespmem:$0x1B880] =	vst v63  }
0x6f: {  	_ =	swait.ge [sflag:s15], $0xC800  }
0x70: {  	[sflag:s15] =	ssyncset.done $0x0  }
0x71: {  	[sflag:s15] =	ssyncadd.s32 $0xFFFF3800  }
0x72: {  	_ =	swait.ge [sflag:s19], $0xC800  }
0x73: {  	[sflag:s19] =	ssyncset.done $0x0  }
0x74: {  	[sflag:s19] =	ssyncadd.s32 $0xFFFF3800  }
0x75: {  	_ =	swait.ge [sflag:s25], $0x2000  }
.Ltmp1:
0x76: {  	[sflag:s25] =	ssyncset.done $0x0;
	(pc) =	sbr.rel @p0 .LBB2_1-.Ltmp1, $4  }
0x77: {  	[sflag:s25] =	ssyncadd.s32 $0xFFFFE000  }
0x78: {  	[hbm4b:s26+s3] =	stream.linear.scatter [tilespmem:s12], [sflag:$0x6], $0x2000, $0x38;
	[tilespmem:$0x1B880] =	vst v63  }
0x79: {  	_ =	swait.ge [sflag:s4], $0x2000  }
0x7a: {  	[sflag:s4] =	ssyncset.done $0x0  }
.LBB2_2:
0x7b: {  	[sflag:s4] =	ssyncadd.s32 $0xFFFFE000  }
0x7c: {  	_ =	sfence.sel $0x180000  }
0x7d: {  	[bflag:$0x0] =	sbarrier.arrive $0xFFFF  }
0x7e: {  	p0 =	sne.s32 s0, $0x0;
	_ =	strace $0x9000004A  }
0x7f: {  	s0 =	sadd.s32 @!p0 $0x100000, s1;
	[bflag:$0x2] =	sbarrier.arrive $0xFFFF  }
0x80: {  	[sflag:s0] =	ssyncadd.tile.s32 @!p0 $0x1;
	_ =	shalt  }
.Lfunc_end2:
_tile_overlayer_lowered:
.L_overlay_start_2:
0x81: {  	(tag) =	ssettag $0x2  }
0x82: {  	s0 =	rddreg [dreg:$0x0];
	s2 =	stileid.u32  }
0x83: {  	s1 =	rddreg [dreg:$0x1];
	p0 =	sne.s32 s2, $0x0  }
0x84: {  	s3 =	rddreg [dreg:$0x2];
	[bflag:$0x3] =	sbarrier.arrive $0xFFFF;
	s2 =	simm.s32 @!p0 $0x1C06  }
0x85: {  	[timem:s3], [sflag:s2] =	dma.local @!p0 [hbm:s0], s1  }
0x86: {  	s0 =	simm.s32 @!p0 $0x6  }
0x87: {  	_ =	swait.ge @!p0 [sflag:s0], s1  }
0x88: {  	s1 =	ssub.s32 @!p0 $0x0, s1;
	[sflag:s0] =	ssyncset.done @!p0 $0x0  }
0x89: {  	[sflag:s0] =	ssyncadd.s32 @!p0 s1  }
0x8a: {  	[bflag:$0x3] =	sbarrier.arrive $0xFFFF  }
0x8b: {  	_ =	shalt  }

// kernel: kernel.18.cloned.1.call-start
scs
__scs_entry_jumppad:
0x0: {  	(pc) =	sbr.rel $0x88, $3  }
0x1: {  	(tag) =	ssettag $0x0;
	lr =	simm.s32 $0x1  }
0x2: {  	[smem:$0x3F99] =	sst lr;
	_ =	strace $0xD0000000  }
0x3: {  	_ = 	snop  }
0x4: {  	_ = 	snop  }
0x5: {  	_ = 	snop  }
0x6: {  	_ = 	snop  }
0x7: {  	_ = 	snop  }
__scs_overlays_trampoline_lowered:
0x8: {  	[smem:$0x3FA8] =	sst s0  }
0x9: {  	[smem:$0x3FA9] =	sst s1  }
0xa: {  	[smem:$0x3FAA] =	sst s2  }
0xb: {  	[smem:$0x3FAB] =	sst s3  }
0xc: {  	[smem:$0x3FAC] =	sst s4  }
0xd: {  	[smem:$0x3FAD] =	sst s5  }
0xe: {  	[smem:$0x3FAE] =	sst s6  }
0xf: {  	[smem:$0x3FAF] =	sst s7  }
0x10: {  	[smem:$0x3FB0] =	sst s8  }
0x11: {  	[smem:$0x3FB1] =	sst s9;
	s0 =	simm.s32 @!p0 $0x0  }
0x12: {  	s1 =	sld [smem:$0x3F97];
	s0 =	simm.s32 @p0 $0x1  }
0x13: {  	[smem:$0x3FB2] =	sst s0;
	s0 =	simm.s32 @!p1 $0x0  }
0x14: {  	s2 =	sld [smem:$0x3F96];
	s0 =	simm.s32 @p1 $0x1  }
0x15: {  	[smem:$0x3FB3] =	sst s0;
	s0 =	simm.s32 @!p2 $0x0  }
0x16: {  	s3 =	sld [smem:$0x3FDB];
	s0 =	simm.s32 @p2 $0x1  }
0x17: {  	s4 =	simm.s32 $0x1BF5;
	[smem:$0x3FB5] =	sst s0  }
0x18: {  	s0 =	sld [smem:$0x3F98];
	_ =	swait.ge [sflag:s4], $0x0  }
0x19: {  	s7 =	sld [smem:$0x3F99]  }
0x1a: {  	s8 =	sadd.s32 $0xFFFFE003, lr  }
0x1b: {  	s9 =	sadd.s32 $0xFFFFFEF7, lr;
	s5 =	simm.s32 $0xFFFFFFFF;
	p2 =	slt.u32 s8, $0xFFFFF086  }
0x1c: {  	p1 =	slt.u32 s9, $0xF7A;
	s5 =	simm.s32 @!p2 $0x0  }
0x1d: {  	s5 =	simm.s32 @p1 $0x1;
	p0 =	seq.s32 s7, s2  }
0x1e: {  	s7 =	smul.u32 @!p0 $0xF7A, s2;
	p2 =	seq.s32 @!p0 s5, $0x0  }
0x1f: {  	s9 =	smul.u32 $0xF7A, s1;
	s8 =	simm.s32 @!p0 $0x1BF5;
	p2 =	por !p2, p0  }
0x20: {  	[sflag:s8] =	ssyncset.s32 @!p0 $0xFFFFF086;
	s6 =	sadd.s32 @!p0 s3, s7;
	s7 =	simm.s32 @!p0 $0x108  }
0x21: {  	s3 =	sadd.s32 s3, s9;
	s6 =	sadd.s32 @!p0 $0x88, s6;
	s7 =	simm.s32 @p2 $0x1082  }
0x22: {  	[simem:s7], [sflag:s8] =	dma.local @!p0 [hbm:s6], $0xF7A  }
0x23: {  	s9 =	sor.u32 $0xD0000000, s2;
	s6 =	simm.s32 $0x108;
	_ =	swait.ge @!p0 [sflag:s8], $0x0  }
0x24: {  	s3 =	sadd.s32 $0x88, s3;
	s6 =	simm.s32 @!p1 $0x1082;
	[sflag:s4] =	ssyncset.s32 $0xFFFFF086  }
0x25: {  	[simem:s6], [sflag:s4] =	dma.local [hbm:s3], $0xF7A  }
0x26: {  	[smem:$0x3F99] =	sst s1;
	(tag) =	ssettag s2;
	_ =	strace s9  }
0x27: {  	s1 =	sld [smem:$0x3FA9]  }
0x28: {  	s2 =	sld [smem:$0x3FAA]  }
0x29: {  	s4 =	sld [smem:$0x3FAC]  }
0x2a: {  	p0 =	seq.s32 s5, $0x0;
	s5 =	sld [smem:$0x3FAD]  }
0x2b: {  	s6 =	sld [smem:$0x3FAE]  }
0x2c: {  	s7 =	sld [smem:$0x3FAF]  }
0x2d: {  	s3 =	simm.s32 $0x108;
	s8 =	sld [smem:$0x3FB0]  }
0x2e: {  	s3 =	simm.s32 @!p0 $0x1082;
	s9 =	sld [smem:$0x3FB1]  }
0x2f: {  	lr =	sadd.s32 s0, s3;
	s0 =	sld [smem:$0x3FA8]  }
0x30: {  	s3 =	sld [smem:$0x3FAB]  }
0x31: {  	[smem:$0x3FB4] =	sst s10  }
0x32: {  	s10 =	sld [smem:$0x3FB2];
	_ =	sdelay $0x3  }
0x33: {  	p0 =	seq.s32 s10, $0x1;
	s10 =	sld [smem:$0x3FB4];
	_ =	sdelay $0x3  }
0x34: {  	[smem:$0x3FB4] =	sst s10  }
0x35: {  	s10 =	sld [smem:$0x3FB3];
	_ =	sdelay $0x3  }
0x36: {  	p1 =	seq.s32 s10, $0x1;
	s10 =	sld [smem:$0x3FB4];
	_ =	sdelay $0x3  }
0x37: {  	[smem:$0x3FB4] =	sst s10  }
0x38: {  	s10 =	sld [smem:$0x3FB5]  }
0x39: {  	_ = 	snop;
	(pc) =	sbr.ind lr, $3  }
0x3a: {  	_ = 	snop  }
0x3b: {  	_ = 	snop  }
0x3c: {  	p2 =	seq.s32 s10, $0x1;
	s10 =	sld [smem:$0x3FB4]  }
0x3d: {  	_ =	shalt  }
0x3e: {  	_ =	shalt  }
0x3f: {  	_ =	shalt  }
0x40: {  	_ =	shalt  }
0x41: {  	_ =	shalt  }
0x42: {  	_ =	shalt  }
0x43: {  	_ =	shalt  }
0x44: {  	_ =	shalt  }
0x45: {  	_ =	shalt  }
0x46: {  	_ =	shalt  }
0x47: {  	_ =	shalt  }
0x48: {  	_ =	shalt  }
0x49: {  	_ =	shalt  }
0x4a: {  	_ =	shalt  }
0x4b: {  	_ =	shalt  }
0x4c: {  	_ =	shalt  }
0x4d: {  	_ =	shalt  }
0x4e: {  	_ =	shalt  }
0x4f: {  	_ =	shalt  }
0x50: {  	_ =	shalt  }
0x51: {  	_ =	shalt  }
0x52: {  	_ =	shalt  }
0x53: {  	_ =	shalt  }
0x54: {  	_ =	shalt  }
0x55: {  	_ =	shalt  }
0x56: {  	_ =	shalt  }
0x57: {  	_ =	shalt  }
0x58: {  	_ =	shalt  }
0x59: {  	_ =	shalt  }
0x5a: {  	_ =	shalt  }
0x5b: {  	_ =	shalt  }
0x5c: {  	_ =	shalt  }
0x5d: {  	_ =	shalt  }
0x5e: {  	_ =	shalt  }
0x5f: {  	_ =	shalt  }
0x60: {  	_ =	shalt  }
0x61: {  	_ =	shalt  }
0x62: {  	_ =	shalt  }
0x63: {  	_ =	shalt  }
0x64: {  	_ =	shalt  }
0x65: {  	_ =	shalt  }
0x66: {  	_ =	shalt  }
0x67: {  	_ =	shalt  }
0x68: {  	_ =	shalt  }
0x69: {  	_ =	shalt  }
0x6a: {  	_ =	shalt  }
0x6b: {  	_ =	shalt  }
0x6c: {  	_ =	shalt  }
0x6d: {  	_ =	shalt  }
0x6e: {  	_ =	shalt  }
0x6f: {  	_ =	shalt  }
0x70: {  	_ =	shalt  }
0x71: {  	_ =	shalt  }
0x72: {  	_ =	shalt  }
0x73: {  	_ =	shalt  }
0x74: {  	_ =	shalt  }
0x75: {  	_ =	shalt  }
0x76: {  	_ =	shalt  }
0x77: {  	_ =	shalt  }
0x78: {  	_ =	shalt  }
0x79: {  	_ =	shalt  }
0x7a: {  	_ =	shalt  }
0x7b: {  	_ =	shalt  }
0x7c: {  	_ =	shalt  }
0x7d: {  	_ =	shalt  }
0x7e: {  	_ =	shalt  }
0x7f: {  	_ =	shalt  }
0x80: {  	_ =	shalt  }
0x81: {  	_ =	shalt  }
0x82: {  	_ =	shalt  }
0x83: {  	_ =	shalt  }
0x84: {  	_ =	shalt  }
0x85: {  	_ =	shalt  }
0x86: {  	_ =	shalt  }
0x87: {  	_ =	shalt  }
.Lfunc_end0:
.L_simem_size_0:
called_computation.2_lowered:
.L_overlay_start_0:
0x88: {  	s2 =	sld [smem:$0x3FD9]  }
0x89: {  	s3 =	sld [smem:$0x3FFE];
	_ =	sdelay $0x1  }
0x8a: {  	s1 =	srdreg.scid  }
0x8b: {  	s0 =	sand.u32 $0x1, s1  }
0x8c: {  	s17 =	sshll.u32 s0, $0xA;
	s2 =	sadd.s32 s3, s2  }
0x8d: {  	s2 =	sadd.s32 s2, s17  }
0x8e: {  	[smem:$0x3FC0] =	sst s2  }
0x8f: {  	_ = 	snop  }
0x90: {  	s2 =	sld [smem:$0x3FC7];
	(tm) =	ssettm $0x1  }
0x91: {  	s18 =	sld [smem:$0x3FFB];
	_ =	sdelay $0x3  }
0x92: {  	_ =	strace s18  }
0x93: {  	s3 =	sld [smem:$0x3FFC];
	_ =	sdelay $0x3  }
0x94: {  	_ =	strace s3  }
0x95: {  	s3 =	sld [smem:$0x3FFD];
	_ =	sdelay $0x3  }
0x96: {  	_ =	strace s3  }
0x97: {  	_ =	strace $0x8FFFFFFF  }
0x98: {  	s19 =	sld [smem:$0x3FDB];
	_ =	sdelay $0x1  }
0x99: {  	s4 =	simm.s32 $_scs_section_size  }
0x9a: {  	s5 =	simm.s32 $_size__tile_overlayer_lowered;
	s6 =	simm.s32 $_tile_overlayer_lowered  }
0x9b: {  	s22 =	simm.s32 $0x1BFF;
	s21 =	sshll.u32 s6, $0x1;
	s3 =	sadd.s32 s4, s19  }
0x9c: {  	s7 =	simm.s32 $0x0;
	s20 =	sshll.u32 s5, $0x1;
	s5 =	sadd.s32 s21, s3  }
0x9d: {  	[timem:s7], [sflag:s22] =	dma.local [hbm:s5], s20  }
0x9e: {  	_ =	swait.ge [sflag:s22], s20  }
0x9f: {  	s4 =	ssub.s32 $0x0, s20;
	[sflag:s22] =	ssyncset.done $0x0  }
0xa0: {  	[sflag:s22] =	ssyncadd.s32 s4;
	_ =	sdelay $0x1  }
0xa1: {  	s23 =	simm.s32 $0x1B8B  }
0xa2: {  	_ =	swait.ge [sflag:s23], $0x1  }
0xa3: {  	[sflag:s23] =	ssyncset.done $0x0  }
0xa4: {  	s25 =	simm.s32 $0x1B8E;
	s24 =	sld [smem:$0x3FFE];
	[sflag:s23] =	ssyncadd.s32 $0xFFFFFFFF  }
0xa5: {  	s26 =	simm.s32 $execute0_lowered;
	[smem:$0x3FD2] =	sst s25  }
0xa6: {  	s5 =	sshll.u32 s26, $0x1;
	_ =	strace $0x8000004C;
	[dreg:$0x1] =	wrdreg $0xFFFFFFFF  }
0xa7: {  	s28 =	simm.s32 $_size_execute0_lowered;
	s3 =	sadd.s32 s3, s5;
	[dreg:$0x0] =	wrdreg $0x0  }
0xa8: {  	s5 =	sshll.u32 s28, $0x1;
	[dreg:$0x2] =	wrdreg s3  }
0xa9: {  	[dreg:$0x3] =	wrdreg s5  }
0xaa: {  	[dreg:$0x4] =	wrdreg $0xC0  }
0xab: {  	_ =	task [dreg:s7], $0x5FFFF  }
0xac: {  	[dreg:$0x1] =	wrdreg $0xFFFFFFFF  }
0xad: {  	[dreg:$0x0] =	wrdreg $0x60  }
0xae: {  	[dreg:$0x2] =	wrdreg s2  }
0xaf: {  	[dreg:$0x3] =	wrdreg s24  }
0xb0: {  	[dreg:$0x4] =	wrdreg $0x9  }
0xb1: {  	_ =	task.clear_ibuf [dreg:s7], $0x5FFFF;
	_ =	strace $0x9000004C  }
0xb2: {  	s29 =	simm.s32 $0x9;
	_ =	strace $0x8000004E  }
0xb3: {  	_ =	swait.ge [sflag:s29], $0x1  }
0xb4: {  	[sflag:s29] =	ssyncadd.s32 $0xFFFFFFFF  }
0xb5: {  	_ =	strace $0x9000004E  }
0xb6: {  	_ =	sfence  }
0xb7: {  	s30 =	sld [smem:$0x0];
	_ =	sdelay $0x2  }
0xb8: {  	s31 =	sshll.u32 s1, $0xD;
	s1 =	sshrl.u32 s1, $0x2  }
0xb9: {  	s3 =	sand.u32 $0x4000, s31;
	s1 =	sadd.s32 s1, s30  }
0xba: {  	s0 =	sor.u32 s3, s0;
	s1 =	sshll.u32 s1, $0x11  }
0xbb: {  	s0 =	sor.u32 s1, s0  }
0xbc: {  	s0 =	sadd.s32 $0x8F2B, s0  }
0xbd: {  	[sflag:s0] =	ssyncadd.remote.s32 $0x1  }
0xbe: {  	_ =	sfence.sel $0xFFFF  }
0xbf: {  	[dreg:$0x0] =	wrdreg $0xFFFFFFFF;
	(pc) =	sbr.abs _section_cstart, $3  }
0xc0: {  	[dreg:$0x1] =	wrdreg $0xFFFFFFFF  }
0xc1: {  	_ =	task.clear_ibuf [dreg:s7], $0x2FFFF;
	_ =	strace $0x9FFFFFFF  }
0xc2: {  	(tm) =	ssettm $0x7FFFFFFF  }
0xc3: {  	_ =	shalt  }
tec
execute0_lowered:
.L_overlay_start_1:
0x0: {  	(tag) =	ssettag $0x1  }
0x1: {  	s1 =	srdreg.scid;
	s0 =	stileid.u32  }
0x2: {  	s25 =	sand.u32 $0x1, s1;
	s31 =	sshll.u32 s0, $0x1  }
0x3: {  	s2 =	rddreg [dreg:$0x0];
	s28 =	sor.u32 s25, s31  }
0x4: {  	s26 =	rddreg [dreg:$0x1];
	s4 =	smul.u32 $0xFA, s28  }
0x5: {  	s3 =	simm.s32 $0x0;
	s1 =	rddreg [dreg:$0x2]  }
0x6: {  	[smem:$0x7FF] =	sst s3;
	s4 =	sadd.s32 s4, s26  }
0x7: {  	_ =	strace $0x8000004D;
	s5 =	sadd.s32 $0x20CE00, s4;
	s4 =	simm.s32 $0x6  }
0x8: {  	[tilespmem:s3], [sflag:$0x6] =	stream.linear.gather [hbm4b:s5+s3], $0x7D0, $0x38;
	[tilespmem:$0x1B880] =	vst v63  }
0x9: {  	_ =	swait.ge [sflag:s4], $0x7D0  }
0xa: {  	s6 =	simm.s32 $0x190;
	[sflag:s4] =	ssyncset.done $0x0  }
0xb: {  	s7 =	simm.s32 $0x2880;
	s8 =	sshll.u32 s28, $0x3;
	[sflag:s4] =	ssyncadd.s32 $0xFFFFF830  }
0xc: {  	[tilespmem:s7], [sflag:$0x2] =	stream.indirect.gather [hbm4b:s2+s6], $0x80, s3, s6, $0xb8;
	[tilespmem:$0x1B880] =	vst v63  }
0xd: {  	s9 =	sadd.s32 s8, s26;
	s8 =	simm.s32 $0xF080  }
0xe: {  	[tilespmem:s8], [sflag:$0x3] =	stream.indirect.gather [hbm4b:s2+s6], $0x80, s6, s6, $0xb8;
	[tilespmem:$0x1B880] =	vst v63  }
0xf: {  	s10 =	simm.s32 $0x800;
	s9 =	sadd.s32 $0x4A00, s9  }
0x10: {  	[tilespmem:s10], [sflag:$0x6] =	stream.linear.gather [hbm4b:s9+s3], $0x40, $0x38;
	[tilespmem:$0x1B880] =	vst v63  }
0x11: {  	_ =	swait.ge [sflag:s4], $0x40  }
0x12: {  	s11 =	simm.s32 $0x40;
	[sflag:s4] =	ssyncset.done $0x0  }
0x13: {  	s12 =	simm.s32 $0x880;
	s13 =	simm.s32 $0x2;
	[sflag:s4] =	ssyncadd.s32 $0xFFFFFFC0  }
0x14: {  	[tilespmem:s12], [sflag:$0x1] =	stream.indirect.gather [hbm4b:s2+s11], $0x80, s10, s11, $0xb8;
	[tilespmem:$0x1B880] =	vst v63  }
0x15: {  	s14 =	smul.u32 $0x7D00, s28;
	_ =	swait.ge [sflag:s13], $0xC800  }
0x16: {  	s18 =	sadd.s32 $0x216E00, s26;
	[sflag:s13] =	ssyncset.done $0x0  }
0x17: {  	s15 =	simm.s32 $0x4;
	s14 =	sadd.s32 s18, s14;
	[sflag:s13] =	ssyncadd.s32 $0xFFFF3800  }
0x18: {  	[hbm4b:s14+s3] =	stream.linear.scatter [tilespmem:s7], [sflag:$0x4], $0xC800, $0x38;
	[tilespmem:$0x1B880] =	vst v63  }
0x19: {  	_ =	swait.ge [sflag:s15], $0xC800  }
0x1a: {  	s16 =	simm.s32 $0x320;
	[sflag:s15] =	ssyncset.done $0x0  }
0x1b: {  	s17 =	simm.s32 $0x3;
	s19 =	smul.u32 $0x3E800, s28;
	[sflag:s15] =	ssyncadd.s32 $0xFFFF3800  }
0x1c: {  	[tilespmem:s7], [sflag:$0x2] =	stream.indirect.gather [hbm4b:s2+s6], $0x80, s16, s6, $0xb8;
	[tilespmem:$0x1B880] =	vst v63  }
0x1d: {  	s19 =	sshrl.u32 s19, $0x3;
	_ =	swait.ge [sflag:s17], $0xC800  }
0x1e: {  	s24 =	sadd.s32 s18, s19;
	[sflag:s17] =	ssyncset.done $0x0  }
0x1f: {  	s19 =	simm.s32 $0x5;
	s18 =	sadd.s32 $0x1900, s24;
	[sflag:s17] =	ssyncadd.s32 $0xFFFF3800  }
0x20: {  	[hbm4b:s18+s3] =	stream.linear.scatter [tilespmem:s8], [sflag:$0x5], $0xC800, $0x38;
	[tilespmem:$0x1B880] =	vst v63  }
0x21: {  	_ =	swait.ge [sflag:s19], $0xC800  }
0x22: {  	[sflag:s19] =	ssyncset.done $0x0  }
0x23: {  	s20 =	simm.s32 $0x4B0;
	[sflag:s19] =	ssyncadd.s32 $0xFFFF3800  }
0x24: {  	[tilespmem:s8], [sflag:$0x3] =	stream.indirect.gather [hbm4b:s2+s6], $0x80, s20, s6, $0xb8;
	[tilespmem:$0x1B880] =	vst v63  }
0x25: {  	_ =	swait.ge [sflag:s13], $0xC800  }
0x26: {  	[sflag:s13] =	ssyncset.done $0x0  }
0x27: {  	s21 =	sadd.s32 $0x3200, s24;
	[sflag:s13] =	ssyncadd.s32 $0xFFFF3800  }
0x28: {  	[hbm4b:s21+s3] =	stream.linear.scatter [tilespmem:s7], [sflag:$0x4], $0xC800, $0x38;
	[tilespmem:$0x1B880] =	vst v63  }
0x29: {  	_ =	swait.ge [sflag:s15], $0xC800  }
0x2a: {  	[sflag:s15] =	ssyncset.done $0x0  }
0x2b: {  	s22 =	simm.s32 $0x640;
	[sflag:s15] =	ssyncadd.s32 $0xFFFF3800  }
0x2c: {  	[tilespmem:s7], [sflag:$0x2] =	stream.indirect.gather [hbm4b:s2+s6], $0x80, s22, s6, $0xb8;
	[tilespmem:$0x1B880] =	vst v63  }
0x2d: {  	_ =	swait.ge [sflag:s17], $0xC800  }
0x2e: {  	[sflag:s17] =	ssyncset.done $0x0  }
0x2f: {  	s23 =	sadd.s32 $0x4B00, s24;
	[sflag:s17] =	ssyncadd.s32 $0xFFFF3800  }
0x30: {  	[hbm4b:s23+s3] =	stream.linear.scatter [tilespmem:s8], [sflag:$0x5], $0xC800, $0x38;
	[tilespmem:$0x1B880] =	vst v63  }
0x31: {  	_ =	swait.ge [sflag:s13], $0xC800  }
0x32: {  	[sflag:s13] =	ssyncset.done $0x0  }
0x33: {  	s24 =	sadd.s32 $0x6400, s24;
	[sflag:s13] =	ssyncadd.s32 $0xFFFF3800  }
0x34: {  	[hbm4b:s24+s3] =	stream.linear.scatter [tilespmem:s7], [sflag:$0x4], $0xC800, $0x38;
	[tilespmem:$0x1B880] =	vst v63  }
0x35: {  	_ =	swait.ge [sflag:s15], $0xC800  }
0x36: {  	[sflag:s15] =	ssyncset.done $0x0  }
0x37: {  	s29 =	ssub.s32 $0x2, s25;
	[sflag:s15] =	ssyncadd.s32 $0xFFFF3800  }
0x38: {  	s28 =	sshll.u32 s28, $0xA;
	s30 =	sshrl.u32 s29, $0x1;
	_ =	swait.ge [sflag:s19], $0xC800  }
0x39: {  	s26 =	sadd.s32 s28, s26;
	s28 =	ssub.s32 s29, s30;
	[sflag:s19] =	ssyncset.done $0x0  }
0x3a: {  	s25 =	simm.s32 $0x1;
	s28 =	smax.u32 s28, $0x1;
	[sflag:s19] =	ssyncadd.s32 $0xFFFF3800  }
0x3b: {  	p0 =	sne.s32 s28, $0x1;
	_ =	swait.ge [sflag:s25], $0x2000  }
.Ltmp0:
0x3c: {  	[sflag:s25] =	ssyncset.done $0x0;
	(pc) =	sbr.rel @!p0 .LBB2_2-.Ltmp0, $4  }
0x3d: {  	s26 =	sadd.s32 $0x20EE00, s26;
	[sflag:s25] =	ssyncadd.s32 $0xFFFFE000  }
0x3e: {  	[hbm4b:s26+s3] =	stream.linear.scatter [tilespmem:s12], [sflag:$0x6], $0x2000, $0x38;
	[tilespmem:$0x1B880] =	vst v63  }
0x3f: {  	_ =	swait.ge [sflag:s4], $0x2000  }
0x40: {  	s28 =	sadd.s32 $0xFFFFFFFF, s28;
	[sflag:s4] =	ssyncset.done $0x0  }
.LBB2_1:
0x41: {  	p0 =	sne.s32 s28, $0x1;
	s28 =	sadd.s32 $0xFFFFFFFF, s28;
	[sflag:s4] =	ssyncadd.s32 $0xFFFFE000  }
0x42: {  	[tilespmem:s3], [sflag:$0x6] =	stream.linear.gather [hbm4b:s5+s3], $0x7D0, $0x38;
	[tilespmem:$0x1B880] =	vst v63  }
0x43: {  	_ =	swait.ge [sflag:s4], $0x7D0  }
0x44: {  	[sflag:s4] =	ssyncset.done $0x0  }
0x45: {  	[sflag:s4] =	ssyncadd.s32 $0xFFFFF830  }
0x46: {  	[tilespmem:s7], [sflag:$0x2] =	stream.indirect.gather [hbm4b:s2+s6], $0x80, s3, s6, $0xb8;
	[tilespmem:$0x1B880] =	vst v63  }
0x47: {  	_ = 	snop  }
0x48: {  	[tilespmem:s8], [sflag:$0x3] =	stream.indirect.gather [hbm4b:s2+s6], $0x80, s6, s6, $0xb8;
	[tilespmem:$0x1B880] =	vst v63  }
0x49: {  	_ = 	snop  }
0x4a: {  	[tilespmem:s10], [sflag:$0x6] =	stream.linear.gather [hbm4b:s9+s3], $0x40, $0x38;
	[tilespmem:$0x1B880] =	vst v63  }
0x4b: {  	_ =	swait.ge [sflag:s4], $0x40  }
0x4c: {  	[sflag:s4] =	ssyncset.done $0x0  }
0x4d: {  	[sflag:s4] =	ssyncadd.s32 $0xFFFFFFC0  }
0x4e: {  	[tilespmem:s12], [sflag:$0x1] =	stream.indirect.gather [hbm4b:s2+s11], $0x80, s10, s11, $0xb8;
	[tilespmem:$0x1B880] =	vst v63  }
0x4f: {  	_ =	swait.ge [sflag:s13], $0xC800  }
0x50: {  	[sflag:s13] =	ssyncset.done $0x0  }
0x51: {  	[sflag:s13] =	ssyncadd.s32 $0xFFFF3800  }
0x52: {  	[hbm4b:s14+s3] =	stream.linear.scatter [tilespmem:s7], [sflag:$0x4], $0xC800, $0x38;
	[tilespmem:$0x1B880] =	vst v63  }
0x53: {  	_ =	swait.ge [sflag:s15], $0xC800  }
0x54: {  	[sflag:s15] =	ssyncset.done $0x0  }
0x55: {  	[sflag:s15] =	ssyncadd.s32 $0xFFFF3800  }
0x56: {  	[tilespmem:s7], [sflag:$0x2] =	stream.indirect.gather [hbm4b:s2+s6], $0x80, s16, s6, $0xb8;
	[tilespmem:$0x1B880] =	vst v63  }
0x57: {  	_ =	swait.ge [sflag:s17], $0xC800  }
0x58: {  	[sflag:s17] =	ssyncset.done $0x0  }
0x59: {  	[sflag:s17] =	ssyncadd.s32 $0xFFFF3800  }
0x5a: {  	[hbm4b:s18+s3] =	stream.linear.scatter [tilespmem:s8], [sflag:$0x5], $0xC800, $0x38;
	[tilespmem:$0x1B880] =	vst v63  }
0x5b: {  	_ =	swait.ge [sflag:s19], $0xC800  }
0x5c: {  	[sflag:s19] =	ssyncset.done $0x0  }
0x5d: {  	[sflag:s19] =	ssyncadd.s32 $0xFFFF3800  }
0x5e: {  	[tilespmem:s8], [sflag:$0x3] =	stream.indirect.gather [hbm4b:s2+s6], $0x80, s20, s6, $0xb8;
	[tilespmem:$0x1B880] =	vst v63  }
0x5f: {  	_ =	swait.ge [sflag:s13], $0xC800  }
0x60: {  	[sflag:s13] =	ssyncset.done $0x0  }
0x61: {  	[sflag:s13] =	ssyncadd.s32 $0xFFFF3800  }
0x62: {  	[hbm4b:s21+s3] =	stream.linear.scatter [tilespmem:s7], [sflag:$0x4], $0xC800, $0x38;
	[tilespmem:$0x1B880] =	vst v63  }
0x63: {  	_ =	swait.ge [sflag:s15], $0xC800  }
0x64: {  	[sflag:s15] =	ssyncset.done $0x0  }
0x65: {  	[sflag:s15] =	ssyncadd.s32 $0xFFFF3800  }
0x66: {  	[tilespmem:s7], [sflag:$0x2] =	stream.indirect.gather [hbm4b:s2+s6], $0x80, s22, s6, $0xb8;
	[tilespmem:$0x1B880] =	vst v63  }
0x67: {  	_ =	swait.ge [sflag:s17], $0xC800  }
0x68: {  	[sflag:s17] =	ssyncset.done $0x0  }
0x69: {  	[sflag:s17] =	ssyncadd.s32 $0xFFFF3800  }
0x6a: {  	[hbm4b:s23+s3] =	stream.linear.scatter [tilespmem:s8], [sflag:$0x5], $0xC800, $0x38;
	[tilespmem:$0x1B880] =	vst v63  }
0x6b: {  	_ =	swait.ge [sflag:s13], $0xC800  }
0x6c: {  	[sflag:s13] =	ssyncset.done $0x0  }
0x6d: {  	[sflag:s13] =	ssyncadd.s32 $0xFFFF3800  }
0x6e: {  	[hbm4b:s24+s3] =	stream.linear.scatter [tilespmem:s7], [sflag:$0x4], $0xC800, $0x38;
	[tilespmem:$0x1B880] =	vst v63  }
0x6f: {  	_ =	swait.ge [sflag:s15], $0xC800  }
0x70: {  	[sflag:s15] =	ssyncset.done $0x0  }
0x71: {  	[sflag:s15] =	ssyncadd.s32 $0xFFFF3800  }
0x72: {  	_ =	swait.ge [sflag:s19], $0xC800  }
0x73: {  	[sflag:s19] =	ssyncset.done $0x0  }
0x74: {  	[sflag:s19] =	ssyncadd.s32 $0xFFFF3800  }
0x75: {  	_ =	swait.ge [sflag:s25], $0x2000  }
.Ltmp1:
0x76: {  	[sflag:s25] =	ssyncset.done $0x0;
	(pc) =	sbr.rel @p0 .LBB2_1-.Ltmp1, $4  }
0x77: {  	[sflag:s25] =	ssyncadd.s32 $0xFFFFE000  }
0x78: {  	[hbm4b:s26+s3] =	stream.linear.scatter [tilespmem:s12], [sflag:$0x6], $0x2000, $0x38;
	[tilespmem:$0x1B880] =	vst v63  }
0x79: {  	_ =	swait.ge [sflag:s4], $0x2000  }
0x7a: {  	[sflag:s4] =	ssyncset.done $0x0  }
.LBB2_2:
0x7b: {  	[sflag:s4] =	ssyncadd.s32 $0xFFFFE000  }
0x7c: {  	_ =	sfence.sel $0x180000  }
0x7d: {  	[bflag:$0x0] =	sbarrier.arrive $0xFFFF  }
0x7e: {  	p0 =	sne.s32 s0, $0x0;
	_ =	strace $0x9000004D  }
0x7f: {  	s0 =	sadd.s32 @!p0 $0x100000, s1;
	[bflag:$0x2] =	sbarrier.arrive $0xFFFF  }
0x80: {  	[sflag:s0] =	ssyncadd.tile.s32 @!p0 $0x1;
	_ =	shalt  }
.Lfunc_end2:
_tile_overlayer_lowered:
.L_overlay_start_2:
0x81: {  	(tag) =	ssettag $0x2  }
0x82: {  	s0 =	rddreg [dreg:$0x0];
	s2 =	stileid.u32  }
0x83: {  	s1 =	rddreg [dreg:$0x1];
	p0 =	sne.s32 s2, $0x0  }
0x84: {  	s3 =	rddreg [dreg:$0x2];
	[bflag:$0x3] =	sbarrier.arrive $0xFFFF;
	s2 =	simm.s32 @!p0 $0x1C06  }
0x85: {  	[timem:s3], [sflag:s2] =	dma.local @!p0 [hbm:s0], s1  }
0x86: {  	s0 =	simm.s32 @!p0 $0x6  }
0x87: {  	_ =	swait.ge @!p0 [sflag:s0], s1  }
0x88: {  	s1 =	ssub.s32 @!p0 $0x0, s1;
	[sflag:s0] =	ssyncset.done @!p0 $0x0  }
0x89: {  	[sflag:s0] =	ssyncadd.s32 @!p0 s1  }
0x8a: {  	[bflag:$0x3] =	sbarrier.arrive $0xFFFF  }
0x8b: {  	_ =	shalt  }

// kernel: kernel.21.cloned.1.call-start
scs
__scs_entry_jumppad:
0x0: {  	(pc) =	sbr.rel $0x88, $3  }
0x1: {  	(tag) =	ssettag $0x0;
	lr =	simm.s32 $0x1  }
0x2: {  	[smem:$0x3F99] =	sst lr;
	_ =	strace $0xD0000000  }
0x3: {  	_ = 	snop  }
0x4: {  	_ = 	snop  }
0x5: {  	_ = 	snop  }
0x6: {  	_ = 	snop  }
0x7: {  	_ = 	snop  }
__scs_overlays_trampoline_lowered:
0x8: {  	[smem:$0x3FA8] =	sst s0  }
0x9: {  	[smem:$0x3FA9] =	sst s1  }
0xa: {  	[smem:$0x3FAA] =	sst s2  }
0xb: {  	[smem:$0x3FAB] =	sst s3  }
0xc: {  	[smem:$0x3FAC] =	sst s4  }
0xd: {  	[smem:$0x3FAD] =	sst s5  }
0xe: {  	[smem:$0x3FAE] =	sst s6  }
0xf: {  	[smem:$0x3FAF] =	sst s7  }
0x10: {  	[smem:$0x3FB0] =	sst s8  }
0x11: {  	[smem:$0x3FB1] =	sst s9;
	s0 =	simm.s32 @!p0 $0x0  }
0x12: {  	s1 =	sld [smem:$0x3F97];
	s0 =	simm.s32 @p0 $0x1  }
0x13: {  	[smem:$0x3FB2] =	sst s0;
	s0 =	simm.s32 @!p1 $0x0  }
0x14: {  	s2 =	sld [smem:$0x3F96];
	s0 =	simm.s32 @p1 $0x1  }
0x15: {  	[smem:$0x3FB3] =	sst s0;
	s0 =	simm.s32 @!p2 $0x0  }
0x16: {  	s3 =	sld [smem:$0x3FDB];
	s0 =	simm.s32 @p2 $0x1  }
0x17: {  	s4 =	simm.s32 $0x1BF5;
	[smem:$0x3FB5] =	sst s0  }
0x18: {  	s0 =	sld [smem:$0x3F98];
	_ =	swait.ge [sflag:s4], $0x0  }
0x19: {  	s7 =	sld [smem:$0x3F99]  }
0x1a: {  	s8 =	sadd.s32 $0xFFFFE003, lr  }
0x1b: {  	s9 =	sadd.s32 $0xFFFFFEF7, lr;
	s5 =	simm.s32 $0xFFFFFFFF;
	p2 =	slt.u32 s8, $0xFFFFF086  }
0x1c: {  	p1 =	slt.u32 s9, $0xF7A;
	s5 =	simm.s32 @!p2 $0x0  }
0x1d: {  	s5 =	simm.s32 @p1 $0x1;
	p0 =	seq.s32 s7, s2  }
0x1e: {  	s7 =	smul.u32 @!p0 $0xF7A, s2;
	p2 =	seq.s32 @!p0 s5, $0x0  }
0x1f: {  	s9 =	smul.u32 $0xF7A, s1;
	s8 =	simm.s32 @!p0 $0x1BF5;
	p2 =	por !p2, p0  }
0x20: {  	[sflag:s8] =	ssyncset.s32 @!p0 $0xFFFFF086;
	s6 =	sadd.s32 @!p0 s3, s7;
	s7 =	simm.s32 @!p0 $0x108  }
0x21: {  	s3 =	sadd.s32 s3, s9;
	s6 =	sadd.s32 @!p0 $0x88, s6;
	s7 =	simm.s32 @p2 $0x1082  }
0x22: {  	[simem:s7], [sflag:s8] =	dma.local @!p0 [hbm:s6], $0xF7A  }
0x23: {  	s9 =	sor.u32 $0xD0000000, s2;
	s6 =	simm.s32 $0x108;
	_ =	swait.ge @!p0 [sflag:s8], $0x0  }
0x24: {  	s3 =	sadd.s32 $0x88, s3;
	s6 =	simm.s32 @!p1 $0x1082;
	[sflag:s4] =	ssyncset.s32 $0xFFFFF086  }
0x25: {  	[simem:s6], [sflag:s4] =	dma.local [hbm:s3], $0xF7A  }
0x26: {  	[smem:$0x3F99] =	sst s1;
	(tag) =	ssettag s2;
	_ =	strace s9  }
0x27: {  	s1 =	sld [smem:$0x3FA9]  }
0x28: {  	s2 =	sld [smem:$0x3FAA]  }
0x29: {  	s4 =	sld [smem:$0x3FAC]  }
0x2a: {  	p0 =	seq.s32 s5, $0x0;
	s5 =	sld [smem:$0x3FAD]  }
0x2b: {  	s6 =	sld [smem:$0x3FAE]  }
0x2c: {  	s7 =	sld [smem:$0x3FAF]  }
0x2d: {  	s3 =	simm.s32 $0x108;
	s8 =	sld [smem:$0x3FB0]  }
0x2e: {  	s3 =	simm.s32 @!p0 $0x1082;
	s9 =	sld [smem:$0x3FB1]  }
0x2f: {  	lr =	sadd.s32 s0, s3;
	s0 =	sld [smem:$0x3FA8]  }
0x30: {  	s3 =	sld [smem:$0x3FAB]  }
0x31: {  	[smem:$0x3FB4] =	sst s10  }
0x32: {  	s10 =	sld [smem:$0x3FB2];
	_ =	sdelay $0x3  }
0x33: {  	p0 =	seq.s32 s10, $0x1;
	s10 =	sld [smem:$0x3FB4];
	_ =	sdelay $0x3  }
0x34: {  	[smem:$0x3FB4] =	sst s10  }
0x35: {  	s10 =	sld [smem:$0x3FB3];
	_ =	sdelay $0x3  }
0x36: {  	p1 =	seq.s32 s10, $0x1;
	s10 =	sld [smem:$0x3FB4];
	_ =	sdelay $0x3  }
0x37: {  	[smem:$0x3FB4] =	sst s10  }
0x38: {  	s10 =	sld [smem:$0x3FB5]  }
0x39: {  	_ = 	snop;
	(pc) =	sbr.ind lr, $3  }
0x3a: {  	_ = 	snop  }
0x3b: {  	_ = 	snop  }
0x3c: {  	p2 =	seq.s32 s10, $0x1;
	s10 =	sld [smem:$0x3FB4]  }
0x3d: {  	_ =	shalt  }
0x3e: {  	_ =	shalt  }
0x3f: {  	_ =	shalt  }
0x40: {  	_ =	shalt  }
0x41: {  	_ =	shalt  }
0x42: {  	_ =	shalt  }
0x43: {  	_ =	shalt  }
0x44: {  	_ =	shalt  }
0x45: {  	_ =	shalt  }
0x46: {  	_ =	shalt  }
0x47: {  	_ =	shalt  }
0x48: {  	_ =	shalt  }
0x49: {  	_ =	shalt  }
0x4a: {  	_ =	shalt  }
0x4b: {  	_ =	shalt  }
0x4c: {  	_ =	shalt  }
0x4d: {  	_ =	shalt  }
0x4e: {  	_ =	shalt  }
0x4f: {  	_ =	shalt  }
0x50: {  	_ =	shalt  }
0x51: {  	_ =	shalt  }
0x52: {  	_ =	shalt  }
0x53: {  	_ =	shalt  }
0x54: {  	_ =	shalt  }
0x55: {  	_ =	shalt  }
0x56: {  	_ =	shalt  }
0x57: {  	_ =	shalt  }
0x58: {  	_ =	shalt  }
0x59: {  	_ =	shalt  }
0x5a: {  	_ =	shalt  }
0x5b: {  	_ =	shalt  }
0x5c: {  	_ =	shalt  }
0x5d: {  	_ =	shalt  }
0x5e: {  	_ =	shalt  }
0x5f: {  	_ =	shalt  }
0x60: {  	_ =	shalt  }
0x61: {  	_ =	shalt  }
0x62: {  	_ =	shalt  }
0x63: {  	_ =	shalt  }
0x64: {  	_ =	shalt  }
0x65: {  	_ =	shalt  }
0x66: {  	_ =	shalt  }
0x67: {  	_ =	shalt  }
0x68: {  	_ =	shalt  }
0x69: {  	_ =	shalt  }
0x6a: {  	_ =	shalt  }
0x6b: {  	_ =	shalt  }
0x6c: {  	_ =	shalt  }
0x6d: {  	_ =	shalt  }
0x6e: {  	_ =	shalt  }
0x6f: {  	_ =	shalt  }
0x70: {  	_ =	shalt  }
0x71: {  	_ =	shalt  }
0x72: {  	_ =	shalt  }
0x73: {  	_ =	shalt  }
0x74: {  	_ =	shalt  }
0x75: {  	_ =	shalt  }
0x76: {  	_ =	shalt  }
0x77: {  	_ =	shalt  }
0x78: {  	_ =	shalt  }
0x79: {  	_ =	shalt  }
0x7a: {  	_ =	shalt  }
0x7b: {  	_ =	shalt  }
0x7c: {  	_ =	shalt  }
0x7d: {  	_ =	shalt  }
0x7e: {  	_ =	shalt  }
0x7f: {  	_ =	shalt  }
0x80: {  	_ =	shalt  }
0x81: {  	_ =	shalt  }
0x82: {  	_ =	shalt  }
0x83: {  	_ =	shalt  }
0x84: {  	_ =	shalt  }
0x85: {  	_ =	shalt  }
0x86: {  	_ =	shalt  }
0x87: {  	_ =	shalt  }
.Lfunc_end0:
.L_simem_size_0:
called_computation.3_lowered:
.L_overlay_start_0:
0x88: {  	s2 =	sld [smem:$0x3FD9]  }
0x89: {  	s3 =	sld [smem:$0x3FFE];
	_ =	sdelay $0x1  }
0x8a: {  	s1 =	srdreg.scid  }
0x8b: {  	s0 =	sand.u32 $0x1, s1  }
0x8c: {  	s17 =	sshll.u32 s0, $0xA;
	s2 =	sadd.s32 s3, s2  }
0x8d: {  	s2 =	sadd.s32 s2, s17  }
0x8e: {  	[smem:$0x3FC0] =	sst s2  }
0x8f: {  	_ = 	snop  }
0x90: {  	s2 =	sld [smem:$0x3FC7];
	(tm) =	ssettm $0x1  }
0x91: {  	s18 =	sld [smem:$0x3FFB];
	_ =	sdelay $0x3  }
0x92: {  	_ =	strace s18  }
0x93: {  	s3 =	sld [smem:$0x3FFC];
	_ =	sdelay $0x3  }
0x94: {  	_ =	strace s3  }
0x95: {  	s3 =	sld [smem:$0x3FFD];
	_ =	sdelay $0x3  }
0x96: {  	_ =	strace s3  }
0x97: {  	_ =	strace $0x8FFFFFFF  }
0x98: {  	s19 =	sld [smem:$0x3FDB];
	_ =	sdelay $0x1  }
0x99: {  	s4 =	simm.s32 $_scs_section_size  }
0x9a: {  	s5 =	simm.s32 $_size__tile_overlayer_lowered;
	s6 =	simm.s32 $_tile_overlayer_lowered  }
0x9b: {  	s22 =	simm.s32 $0x1BFF;
	s21 =	sshll.u32 s6, $0x1;
	s3 =	sadd.s32 s4, s19  }
0x9c: {  	s7 =	simm.s32 $0x0;
	s20 =	sshll.u32 s5, $0x1;
	s5 =	sadd.s32 s21, s3  }
0x9d: {  	[timem:s7], [sflag:s22] =	dma.local [hbm:s5], s20  }
0x9e: {  	_ =	swait.ge [sflag:s22], s20  }
0x9f: {  	s4 =	ssub.s32 $0x0, s20;
	[sflag:s22] =	ssyncset.done $0x0  }
0xa0: {  	[sflag:s22] =	ssyncadd.s32 s4;
	_ =	sdelay $0x1  }
0xa1: {  	s23 =	simm.s32 $0x1B8B  }
0xa2: {  	_ =	swait.ge [sflag:s23], $0x1  }
0xa3: {  	[sflag:s23] =	ssyncset.done $0x0  }
0xa4: {  	s25 =	simm.s32 $0x1B8E;
	s24 =	sld [smem:$0x3FFE];
	[sflag:s23] =	ssyncadd.s32 $0xFFFFFFFF  }
0xa5: {  	s26 =	simm.s32 $execute0_lowered;
	[smem:$0x3FD2] =	sst s25  }
0xa6: {  	s5 =	sshll.u32 s26, $0x1;
	_ =	strace $0x8000004F;
	[dreg:$0x1] =	wrdreg $0xFFFFFFFF  }
0xa7: {  	s28 =	simm.s32 $_size_execute0_lowered;
	s3 =	sadd.s32 s3, s5;
	[dreg:$0x0] =	wrdreg $0x0  }
0xa8: {  	s5 =	sshll.u32 s28, $0x1;
	[dreg:$0x2] =	wrdreg s3  }
0xa9: {  	[dreg:$0x3] =	wrdreg s5  }
0xaa: {  	[dreg:$0x4] =	wrdreg $0xC0  }
0xab: {  	_ =	task [dreg:s7], $0x5FFFF  }
0xac: {  	[dreg:$0x1] =	wrdreg $0xFFFFFFFF  }
0xad: {  	[dreg:$0x0] =	wrdreg $0x60  }
0xae: {  	[dreg:$0x2] =	wrdreg s2  }
0xaf: {  	[dreg:$0x3] =	wrdreg s24  }
0xb0: {  	[dreg:$0x4] =	wrdreg $0x9  }
0xb1: {  	_ =	task.clear_ibuf [dreg:s7], $0x5FFFF;
	_ =	strace $0x9000004F  }
0xb2: {  	s29 =	simm.s32 $0x9;
	_ =	strace $0x80000051  }
0xb3: {  	_ =	swait.ge [sflag:s29], $0x1  }
0xb4: {  	[sflag:s29] =	ssyncadd.s32 $0xFFFFFFFF  }
0xb5: {  	_ =	strace $0x90000051  }
0xb6: {  	_ =	sfence  }
0xb7: {  	s30 =	sld [smem:$0x0];
	_ =	sdelay $0x2  }
0xb8: {  	s31 =	sshll.u32 s1, $0xD;
	s1 =	sshrl.u32 s1, $0x2  }
0xb9: {  	s3 =	sand.u32 $0x4000, s31;
	s1 =	sadd.s32 s1, s30  }
0xba: {  	s0 =	sor.u32 s3, s0;
	s1 =	sshll.u32 s1, $0x11  }
0xbb: {  	s0 =	sor.u32 s1, s0  }
0xbc: {  	s0 =	sadd.s32 $0x8F2B, s0  }
0xbd: {  	[sflag:s0] =	ssyncadd.remote.s32 $0x1  }
0xbe: {  	_ =	sfence.sel $0xFFFF  }
0xbf: {  	[dreg:$0x0] =	wrdreg $0xFFFFFFFF;
	(pc) =	sbr.abs _section_cstart, $3  }
0xc0: {  	[dreg:$0x1] =	wrdreg $0xFFFFFFFF  }
0xc1: {  	_ =	task.clear_ibuf [dreg:s7], $0x2FFFF;
	_ =	strace $0x9FFFFFFF  }
0xc2: {  	(tm) =	ssettm $0x7FFFFFFF  }
0xc3: {  	_ =	shalt  }
tec
execute0_lowered:
.L_overlay_start_1:
0x0: {  	(tag) =	ssettag $0x1  }
0x1: {  	s1 =	srdreg.scid;
	s0 =	stileid.u32  }
0x2: {  	s25 =	sand.u32 $0x1, s1;
	s31 =	sshll.u32 s0, $0x1  }
0x3: {  	s2 =	rddreg [dreg:$0x0];
	s28 =	sor.u32 s25, s31  }
0x4: {  	s26 =	rddreg [dreg:$0x1];
	s4 =	smul.u32 $0xFA, s28  }
0x5: {  	s3 =	simm.s32 $0x0;
	s1 =	rddreg [dreg:$0x2]  }
0x6: {  	[smem:$0x7FF] =	sst s3;
	s4 =	sadd.s32 s4, s26  }
0x7: {  	_ =	strace $0x80000050;
	s5 =	sadd.s32 $0x108C00, s4;
	s4 =	simm.s32 $0x6  }
0x8: {  	[tilespmem:s3], [sflag:$0x6] =	stream.linear.gather [hbm4b:s5+s3], $0x7D0, $0x38;
	[tilespmem:$0x1B880] =	vst v63  }
0x9: {  	_ =	swait.ge [sflag:s4], $0x7D0  }
0xa: {  	s6 =	simm.s32 $0x190;
	[sflag:s4] =	ssyncset.done $0x0  }
0xb: {  	s7 =	simm.s32 $0x2880;
	s8 =	sshll.u32 s28, $0x3;
	[sflag:s4] =	ssyncadd.s32 $0xFFFFF830  }
0xc: {  	[tilespmem:s7], [sflag:$0x2] =	stream.indirect.gather [hbm4b:s2+s6], $0x80, s3, s6, $0xb8;
	[tilespmem:$0x1B880] =	vst v63  }
0xd: {  	s9 =	sadd.s32 s8, s26;
	s8 =	simm.s32 $0xF080  }
0xe: {  	[tilespmem:s8], [sflag:$0x3] =	stream.indirect.gather [hbm4b:s2+s6], $0x80, s6, s6, $0xb8;
	[tilespmem:$0x1B880] =	vst v63  }
0xf: {  	s10 =	simm.s32 $0x800;
	s9 =	sadd.s32 $0x4C00, s9  }
0x10: {  	[tilespmem:s10], [sflag:$0x6] =	stream.linear.gather [hbm4b:s9+s3], $0x40, $0x38;
	[tilespmem:$0x1B880] =	vst v63  }
0x11: {  	_ =	swait.ge [sflag:s4], $0x40  }
0x12: {  	s11 =	simm.s32 $0x40;
	[sflag:s4] =	ssyncset.done $0x0  }
0x13: {  	s12 =	simm.s32 $0x880;
	s13 =	simm.s32 $0x2;
	[sflag:s4] =	ssyncadd.s32 $0xFFFFFFC0  }
0x14: {  	[tilespmem:s12], [sflag:$0x1] =	stream.indirect.gather [hbm4b:s2+s11], $0x80, s10, s11, $0xb8;
	[tilespmem:$0x1B880] =	vst v63  }
0x15: {  	s14 =	smul.u32 $0x7D00, s28;
	_ =	swait.ge [sflag:s13], $0xC800  }
0x16: {  	s18 =	sadd.s32 $0x318E00, s26;
	[sflag:s13] =	ssyncset.done $0x0  }
0x17: {  	s15 =	simm.s32 $0x4;
	s14 =	sadd.s32 s18, s14;
	[sflag:s13] =	ssyncadd.s32 $0xFFFF3800  }
0x18: {  	[hbm4b:s14+s3] =	stream.linear.scatter [tilespmem:s7], [sflag:$0x4], $0xC800, $0x38;
	[tilespmem:$0x1B880] =	vst v63  }
0x19: {  	_ =	swait.ge [sflag:s15], $0xC800  }
0x1a: {  	s16 =	simm.s32 $0x320;
	[sflag:s15] =	ssyncset.done $0x0  }
0x1b: {  	s17 =	simm.s32 $0x3;
	s19 =	smul.u32 $0x3E800, s28;
	[sflag:s15] =	ssyncadd.s32 $0xFFFF3800  }
0x1c: {  	[tilespmem:s7], [sflag:$0x2] =	stream.indirect.gather [hbm4b:s2+s6], $0x80, s16, s6, $0xb8;
	[tilespmem:$0x1B880] =	vst v63  }
0x1d: {  	s19 =	sshrl.u32 s19, $0x3;
	_ =	swait.ge [sflag:s17], $0xC800  }
0x1e: {  	s24 =	sadd.s32 s18, s19;
	[sflag:s17] =	ssyncset.done $0x0  }
0x1f: {  	s19 =	simm.s32 $0x5;
	s18 =	sadd.s32 $0x1900, s24;
	[sflag:s17] =	ssyncadd.s32 $0xFFFF3800  }
0x20: {  	[hbm4b:s18+s3] =	stream.linear.scatter [tilespmem:s8], [sflag:$0x5], $0xC800, $0x38;
	[tilespmem:$0x1B880] =	vst v63  }
0x21: {  	_ =	swait.ge [sflag:s19], $0xC800  }
0x22: {  	[sflag:s19] =	ssyncset.done $0x0  }
0x23: {  	s20 =	simm.s32 $0x4B0;
	[sflag:s19] =	ssyncadd.s32 $0xFFFF3800  }
0x24: {  	[tilespmem:s8], [sflag:$0x3] =	stream.indirect.gather [hbm4b:s2+s6], $0x80, s20, s6, $0xb8;
	[tilespmem:$0x1B880] =	vst v63  }
0x25: {  	_ =	swait.ge [sflag:s13], $0xC800  }
0x26: {  	[sflag:s13] =	ssyncset.done $0x0  }
0x27: {  	s21 =	sadd.s32 $0x3200, s24;
	[sflag:s13] =	ssyncadd.s32 $0xFFFF3800  }
0x28: {  	[hbm4b:s21+s3] =	stream.linear.scatter [tilespmem:s7], [sflag:$0x4], $0xC800, $0x38;
	[tilespmem:$0x1B880] =	vst v63  }
0x29: {  	_ =	swait.ge [sflag:s15], $0xC800  }
0x2a: {  	[sflag:s15] =	ssyncset.done $0x0  }
0x2b: {  	s22 =	simm.s32 $0x640;
	[sflag:s15] =	ssyncadd.s32 $0xFFFF3800  }
0x2c: {  	[tilespmem:s7], [sflag:$0x2] =	stream.indirect.gather [hbm4b:s2+s6], $0x80, s22, s6, $0xb8;
	[tilespmem:$0x1B880] =	vst v63  }
0x2d: {  	_ =	swait.ge [sflag:s17], $0xC800  }
0x2e: {  	[sflag:s17] =	ssyncset.done $0x0  }
0x2f: {  	s23 =	sadd.s32 $0x4B00, s24;
	[sflag:s17] =	ssyncadd.s32 $0xFFFF3800  }
0x30: {  	[hbm4b:s23+s3] =	stream.linear.scatter [tilespmem:s8], [sflag:$0x5], $0xC800, $0x38;
	[tilespmem:$0x1B880] =	vst v63  }
0x31: {  	_ =	swait.ge [sflag:s13], $0xC800  }
0x32: {  	[sflag:s13] =	ssyncset.done $0x0  }
0x33: {  	s24 =	sadd.s32 $0x6400, s24;
	[sflag:s13] =	ssyncadd.s32 $0xFFFF3800  }
0x34: {  	[hbm4b:s24+s3] =	stream.linear.scatter [tilespmem:s7], [sflag:$0x4], $0xC800, $0x38;
	[tilespmem:$0x1B880] =	vst v63  }
0x35: {  	_ =	swait.ge [sflag:s15], $0xC800  }
0x36: {  	[sflag:s15] =	ssyncset.done $0x0  }
0x37: {  	s29 =	ssub.s32 $0x2, s25;
	[sflag:s15] =	ssyncadd.s32 $0xFFFF3800  }
0x38: {  	s28 =	sshll.u32 s28, $0xA;
	s30 =	sshrl.u32 s29, $0x1;
	_ =	swait.ge [sflag:s19], $0xC800  }
0x39: {  	s26 =	sadd.s32 s28, s26;
	s28 =	ssub.s32 s29, s30;
	[sflag:s19] =	ssyncset.done $0x0  }
0x3a: {  	s25 =	simm.s32 $0x1;
	s28 =	smax.u32 s28, $0x1;
	[sflag:s19] =	ssyncadd.s32 $0xFFFF3800  }
0x3b: {  	p0 =	sne.s32 s28, $0x1;
	_ =	swait.ge [sflag:s25], $0x2000  }
.Ltmp0:
0x3c: {  	[sflag:s25] =	ssyncset.done $0x0;
	(pc) =	sbr.rel @!p0 .LBB2_2-.Ltmp0, $4  }
0x3d: {  	s26 =	sadd.s32 $0x310E00, s26;
	[sflag:s25] =	ssyncadd.s32 $0xFFFFE000  }
0x3e: {  	[hbm4b:s26+s3] =	stream.linear.scatter [tilespmem:s12], [sflag:$0x6], $0x2000, $0x38;
	[tilespmem:$0x1B880] =	vst v63  }
0x3f: {  	_ =	swait.ge [sflag:s4], $0x2000  }
0x40: {  	s28 =	sadd.s32 $0xFFFFFFFF, s28;
	[sflag:s4] =	ssyncset.done $0x0  }
.LBB2_1:
0x41: {  	p0 =	sne.s32 s28, $0x1;
	s28 =	sadd.s32 $0xFFFFFFFF, s28;
	[sflag:s4] =	ssyncadd.s32 $0xFFFFE000  }
0x42: {  	[tilespmem:s3], [sflag:$0x6] =	stream.linear.gather [hbm4b:s5+s3], $0x7D0, $0x38;
	[tilespmem:$0x1B880] =	vst v63  }
0x43: {  	_ =	swait.ge [sflag:s4], $0x7D0  }
0x44: {  	[sflag:s4] =	ssyncset.done $0x0  }
0x45: {  	[sflag:s4] =	ssyncadd.s32 $0xFFFFF830  }
0x46: {  	[tilespmem:s7], [sflag:$0x2] =	stream.indirect.gather [hbm4b:s2+s6], $0x80, s3, s6, $0xb8;
	[tilespmem:$0x1B880] =	vst v63  }
0x47: {  	_ = 	snop  }
0x48: {  	[tilespmem:s8], [sflag:$0x3] =	stream.indirect.gather [hbm4b:s2+s6], $0x80, s6, s6, $0xb8;
	[tilespmem:$0x1B880] =	vst v63  }
0x49: {  	_ = 	snop  }
0x4a: {  	[tilespmem:s10], [sflag:$0x6] =	stream.linear.gather [hbm4b:s9+s3], $0x40, $0x38;
	[tilespmem:$0x1B880] =	vst v63  }
0x4b: {  	_ =	swait.ge [sflag:s4], $0x40  }
0x4c: {  	[sflag:s4] =	ssyncset.done $0x0  }
0x4d: {  	[sflag:s4] =	ssyncadd.s32 $0xFFFFFFC0  }
0x4e: {  	[tilespmem:s12], [sflag:$0x1] =	stream.indirect.gather [hbm4b:s2+s11], $0x80, s10, s11, $0xb8;
	[tilespmem:$0x1B880] =	vst v63  }
0x4f: {  	_ =	swait.ge [sflag:s13], $0xC800  }
0x50: {  	[sflag:s13] =	ssyncset.done $0x0  }
0x51: {  	[sflag:s13] =	ssyncadd.s32 $0xFFFF3800  }
0x52: {  	[hbm4b:s14+s3] =	stream.linear.scatter [tilespmem:s7], [sflag:$0x4], $0xC800, $0x38;
	[tilespmem:$0x1B880] =	vst v63  }
0x53: {  	_ =	swait.ge [sflag:s15], $0xC800  }
0x54: {  	[sflag:s15] =	ssyncset.done $0x0  }
0x55: {  	[sflag:s15] =	ssyncadd.s32 $0xFFFF3800  }
0x56: {  	[tilespmem:s7], [sflag:$0x2] =	stream.indirect.gather [hbm4b:s2+s6], $0x80, s16, s6, $0xb8;
	[tilespmem:$0x1B880] =	vst v63  }
0x57: {  	_ =	swait.ge [sflag:s17], $0xC800  }
0x58: {  	[sflag:s17] =	ssyncset.done $0x0  }
0x59: {  	[sflag:s17] =	ssyncadd.s32 $0xFFFF3800  }
0x5a: {  	[hbm4b:s18+s3] =	stream.linear.scatter [tilespmem:s8], [sflag:$0x5], $0xC800, $0x38;
	[tilespmem:$0x1B880] =	vst v63  }
0x5b: {  	_ =	swait.ge [sflag:s19], $0xC800  }
0x5c: {  	[sflag:s19] =	ssyncset.done $0x0  }
0x5d: {  	[sflag:s19] =	ssyncadd.s32 $0xFFFF3800  }
0x5e: {  	[tilespmem:s8], [sflag:$0x3] =	stream.indirect.gather [hbm4b:s2+s6], $0x80, s20, s6, $0xb8;
	[tilespmem:$0x1B880] =	vst v63  }
0x5f: {  	_ =	swait.ge [sflag:s13], $0xC800  }
0x60: {  	[sflag:s13] =	ssyncset.done $0x0  }
0x61: {  	[sflag:s13] =	ssyncadd.s32 $0xFFFF3800  }
0x62: {  	[hbm4b:s21+s3] =	stream.linear.scatter [tilespmem:s7], [sflag:$0x4], $0xC800, $0x38;
	[tilespmem:$0x1B880] =	vst v63  }
0x63: {  	_ =	swait.ge [sflag:s15], $0xC800  }
0x64: {  	[sflag:s15] =	ssyncset.done $0x0  }
0x65: {  	[sflag:s15] =	ssyncadd.s32 $0xFFFF3800  }
0x66: {  	[tilespmem:s7], [sflag:$0x2] =	stream.indirect.gather [hbm4b:s2+s6], $0x80, s22, s6, $0xb8;
	[tilespmem:$0x1B880] =	vst v63  }
0x67: {  	_ =	swait.ge [sflag:s17], $0xC800  }
0x68: {  	[sflag:s17] =	ssyncset.done $0x0  }
0x69: {  	[sflag:s17] =	ssyncadd.s32 $0xFFFF3800  }
0x6a: {  	[hbm4b:s23+s3] =	stream.linear.scatter [tilespmem:s8], [sflag:$0x5], $0xC800, $0x38;
	[tilespmem:$0x1B880] =	vst v63  }
0x6b: {  	_ =	swait.ge [sflag:s13], $0xC800  }
0x6c: {  	[sflag:s13] =	ssyncset.done $0x0  }
0x6d: {  	[sflag:s13] =	ssyncadd.s32 $0xFFFF3800  }
0x6e: {  	[hbm4b:s24+s3] =	stream.linear.scatter [tilespmem:s7], [sflag:$0x4], $0xC800, $0x38;
	[tilespmem:$0x1B880] =	vst v63  }
0x6f: {  	_ =	swait.ge [sflag:s15], $0xC800  }
0x70: {  	[sflag:s15] =	ssyncset.done $0x0  }
0x71: {  	[sflag:s15] =	ssyncadd.s32 $0xFFFF3800  }
0x72: {  	_ =	swait.ge [sflag:s19], $0xC800  }
0x73: {  	[sflag:s19] =	ssyncset.done $0x0  }
0x74: {  	[sflag:s19] =	ssyncadd.s32 $0xFFFF3800  }
0x75: {  	_ =	swait.ge [sflag:s25], $0x2000  }
.Ltmp1:
0x76: {  	[sflag:s25] =	ssyncset.done $0x0;
	(pc) =	sbr.rel @p0 .LBB2_1-.Ltmp1, $4  }
0x77: {  	[sflag:s25] =	ssyncadd.s32 $0xFFFFE000  }
0x78: {  	[hbm4b:s26+s3] =	stream.linear.scatter [tilespmem:s12], [sflag:$0x6], $0x2000, $0x38;
	[tilespmem:$0x1B880] =	vst v63  }
0x79: {  	_ =	swait.ge [sflag:s4], $0x2000  }
0x7a: {  	[sflag:s4] =	ssyncset.done $0x0  }
.LBB2_2:
0x7b: {  	[sflag:s4] =	ssyncadd.s32 $0xFFFFE000  }
0x7c: {  	_ =	sfence.sel $0x180000  }
0x7d: {  	[bflag:$0x0] =	sbarrier.arrive $0xFFFF  }
0x7e: {  	p0 =	sne.s32 s0, $0x0;
	_ =	strace $0x90000050  }
0x7f: {  	s0 =	sadd.s32 @!p0 $0x100000, s1;
	[bflag:$0x2] =	sbarrier.arrive $0xFFFF  }
0x80: {  	[sflag:s0] =	ssyncadd.tile.s32 @!p0 $0x1;
	_ =	shalt  }
.Lfunc_end2:
_tile_overlayer_lowered:
.L_overlay_start_2:
0x81: {  	(tag) =	ssettag $0x2  }
0x82: {  	s0 =	rddreg [dreg:$0x0];
	s2 =	stileid.u32  }
0x83: {  	s1 =	rddreg [dreg:$0x1];
	p0 =	sne.s32 s2, $0x0  }
0x84: {  	s3 =	rddreg [dreg:$0x2];
	[bflag:$0x3] =	sbarrier.arrive $0xFFFF;
	s2 =	simm.s32 @!p0 $0x1C06  }
0x85: {  	[timem:s3], [sflag:s2] =	dma.local @!p0 [hbm:s0], s1  }
0x86: {  	s0 =	simm.s32 @!p0 $0x6  }
0x87: {  	_ =	swait.ge @!p0 [sflag:s0], s1  }
0x88: {  	s1 =	ssub.s32 @!p0 $0x0, s1;
	[sflag:s0] =	ssyncset.done @!p0 $0x0  }
0x89: {  	[sflag:s0] =	ssyncadd.s32 @!p0 s1  }
0x8a: {  	[bflag:$0x3] =	sbarrier.arrive $0xFFFF  }
0x8b: {  	_ =	shalt  }

// kernel: kernel.24.cloned.1.call-start
scs
__scs_entry_jumppad:
0x0: {  	(pc) =	sbr.rel $0x88, $3  }
0x1: {  	(tag) =	ssettag $0x0;
	lr =	simm.s32 $0x1  }
0x2: {  	[smem:$0x3F99] =	sst lr;
	_ =	strace $0xD0000000  }
0x3: {  	_ = 	snop  }
0x4: {  	_ = 	snop  }
0x5: {  	_ = 	snop  }
0x6: {  	_ = 	snop  }
0x7: {  	_ = 	snop  }
__scs_overlays_trampoline_lowered:
0x8: {  	[smem:$0x3FA8] =	sst s0  }
0x9: {  	[smem:$0x3FA9] =	sst s1  }
0xa: {  	[smem:$0x3FAA] =	sst s2  }
0xb: {  	[smem:$0x3FAB] =	sst s3  }
0xc: {  	[smem:$0x3FAC] =	sst s4  }
0xd: {  	[smem:$0x3FAD] =	sst s5  }
0xe: {  	[smem:$0x3FAE] =	sst s6  }
0xf: {  	[smem:$0x3FAF] =	sst s7  }
0x10: {  	[smem:$0x3FB0] =	sst s8  }
0x11: {  	[smem:$0x3FB1] =	sst s9;
	s0 =	simm.s32 @!p0 $0x0  }
0x12: {  	s1 =	sld [smem:$0x3F97];
	s0 =	simm.s32 @p0 $0x1  }
0x13: {  	[smem:$0x3FB2] =	sst s0;
	s0 =	simm.s32 @!p1 $0x0  }
0x14: {  	s2 =	sld [smem:$0x3F96];
	s0 =	simm.s32 @p1 $0x1  }
0x15: {  	[smem:$0x3FB3] =	sst s0;
	s0 =	simm.s32 @!p2 $0x0  }
0x16: {  	s3 =	sld [smem:$0x3FDB];
	s0 =	simm.s32 @p2 $0x1  }
0x17: {  	s4 =	simm.s32 $0x1BF5;
	[smem:$0x3FB5] =	sst s0  }
0x18: {  	s0 =	sld [smem:$0x3F98];
	_ =	swait.ge [sflag:s4], $0x0  }
0x19: {  	s7 =	sld [smem:$0x3F99]  }
0x1a: {  	s8 =	sadd.s32 $0xFFFFE003, lr  }
0x1b: {  	s9 =	sadd.s32 $0xFFFFFEF7, lr;
	s5 =	simm.s32 $0xFFFFFFFF;
	p2 =	slt.u32 s8, $0xFFFFF086  }
0x1c: {  	p1 =	slt.u32 s9, $0xF7A;
	s5 =	simm.s32 @!p2 $0x0  }
0x1d: {  	s5 =	simm.s32 @p1 $0x1;
	p0 =	seq.s32 s7, s2  }
0x1e: {  	s7 =	smul.u32 @!p0 $0xF7A, s2;
	p2 =	seq.s32 @!p0 s5, $0x0  }
0x1f: {  	s9 =	smul.u32 $0xF7A, s1;
	s8 =	simm.s32 @!p0 $0x1BF5;
	p2 =	por !p2, p0  }
0x20: {  	[sflag:s8] =	ssyncset.s32 @!p0 $0xFFFFF086;
	s6 =	sadd.s32 @!p0 s3, s7;
	s7 =	simm.s32 @!p0 $0x108  }
0x21: {  	s3 =	sadd.s32 s3, s9;
	s6 =	sadd.s32 @!p0 $0x88, s6;
	s7 =	simm.s32 @p2 $0x1082  }
0x22: {  	[simem:s7], [sflag:s8] =	dma.local @!p0 [hbm:s6], $0xF7A  }
0x23: {  	s9 =	sor.u32 $0xD0000000, s2;
	s6 =	simm.s32 $0x108;
	_ =	swait.ge @!p0 [sflag:s8], $0x0  }
0x24: {  	s3 =	sadd.s32 $0x88, s3;
	s6 =	simm.s32 @!p1 $0x1082;
	[sflag:s4] =	ssyncset.s32 $0xFFFFF086  }
0x25: {  	[simem:s6], [sflag:s4] =	dma.local [hbm:s3], $0xF7A  }
0x26: {  	[smem:$0x3F99] =	sst s1;
	(tag) =	ssettag s2;
	_ =	strace s9  }
0x27: {  	s1 =	sld [smem:$0x3FA9]  }
0x28: {  	s2 =	sld [smem:$0x3FAA]  }
0x29: {  	s4 =	sld [smem:$0x3FAC]  }
0x2a: {  	p0 =	seq.s32 s5, $0x0;
	s5 =	sld [smem:$0x3FAD]  }
0x2b: {  	s6 =	sld [smem:$0x3FAE]  }
0x2c: {  	s7 =	sld [smem:$0x3FAF]  }
0x2d: {  	s3 =	simm.s32 $0x108;
	s8 =	sld [smem:$0x3FB0]  }
0x2e: {  	s3 =	simm.s32 @!p0 $0x1082;
	s9 =	sld [smem:$0x3FB1]  }
0x2f: {  	lr =	sadd.s32 s0, s3;
	s0 =	sld [smem:$0x3FA8]  }
0x30: {  	s3 =	sld [smem:$0x3FAB]  }
0x31: {  	[smem:$0x3FB4] =	sst s10  }
0x32: {  	s10 =	sld [smem:$0x3FB2];
	_ =	sdelay $0x3  }
0x33: {  	p0 =	seq.s32 s10, $0x1;
	s10 =	sld [smem:$0x3FB4];
	_ =	sdelay $0x3  }
0x34: {  	[smem:$0x3FB4] =	sst s10  }
0x35: {  	s10 =	sld [smem:$0x3FB3];
	_ =	sdelay $0x3  }
0x36: {  	p1 =	seq.s32 s10, $0x1;
	s10 =	sld [smem:$0x3FB4];
	_ =	sdelay $0x3  }
0x37: {  	[smem:$0x3FB4] =	sst s10  }
0x38: {  	s10 =	sld [smem:$0x3FB5]  }
0x39: {  	_ = 	snop;
	(pc) =	sbr.ind lr, $3  }
0x3a: {  	_ = 	snop  }
0x3b: {  	_ = 	snop  }
0x3c: {  	p2 =	seq.s32 s10, $0x1;
	s10 =	sld [smem:$0x3FB4]  }
0x3d: {  	_ =	shalt  }
0x3e: {  	_ =	shalt  }
0x3f: {  	_ =	shalt  }
0x40: {  	_ =	shalt  }
0x41: {  	_ =	shalt  }
0x42: {  	_ =	shalt  }
0x43: {  	_ =	shalt  }
0x44: {  	_ =	shalt  }
0x45: {  	_ =	shalt  }
0x46: {  	_ =	shalt  }
0x47: {  	_ =	shalt  }
0x48: {  	_ =	shalt  }
0x49: {  	_ =	shalt  }
0x4a: {  	_ =	shalt  }
0x4b: {  	_ =	shalt  }
0x4c: {  	_ =	shalt  }
0x4d: {  	_ =	shalt  }
0x4e: {  	_ =	shalt  }
0x4f: {  	_ =	shalt  }
0x50: {  	_ =	shalt  }
0x51: {  	_ =	shalt  }
0x52: {  	_ =	shalt  }
0x53: {  	_ =	shalt  }
0x54: {  	_ =	shalt  }
0x55: {  	_ =	shalt  }
0x56: {  	_ =	shalt  }
0x57: {  	_ =	shalt  }
0x58: {  	_ =	shalt  }
0x59: {  	_ =	shalt  }
0x5a: {  	_ =	shalt  }
0x5b: {  	_ =	shalt  }
0x5c: {  	_ =	shalt  }
0x5d: {  	_ =	shalt  }
0x5e: {  	_ =	shalt  }
0x5f: {  	_ =	shalt  }
0x60: {  	_ =	shalt  }
0x61: {  	_ =	shalt  }
0x62: {  	_ =	shalt  }
0x63: {  	_ =	shalt  }
0x64: {  	_ =	shalt  }
0x65: {  	_ =	shalt  }
0x66: {  	_ =	shalt  }
0x67: {  	_ =	shalt  }
0x68: {  	_ =	shalt  }
0x69: {  	_ =	shalt  }
0x6a: {  	_ =	shalt  }
0x6b: {  	_ =	shalt  }
0x6c: {  	_ =	shalt  }
0x6d: {  	_ =	shalt  }
0x6e: {  	_ =	shalt  }
0x6f: {  	_ =	shalt  }
0x70: {  	_ =	shalt  }
0x71: {  	_ =	shalt  }
0x72: {  	_ =	shalt  }
0x73: {  	_ =	shalt  }
0x74: {  	_ =	shalt  }
0x75: {  	_ =	shalt  }
0x76: {  	_ =	shalt  }
0x77: {  	_ =	shalt  }
0x78: {  	_ =	shalt  }
0x79: {  	_ =	shalt  }
0x7a: {  	_ =	shalt  }
0x7b: {  	_ =	shalt  }
0x7c: {  	_ =	shalt  }
0x7d: {  	_ =	shalt  }
0x7e: {  	_ =	shalt  }
0x7f: {  	_ =	shalt  }
0x80: {  	_ =	shalt  }
0x81: {  	_ =	shalt  }
0x82: {  	_ =	shalt  }
0x83: {  	_ =	shalt  }
0x84: {  	_ =	shalt  }
0x85: {  	_ =	shalt  }
0x86: {  	_ =	shalt  }
0x87: {  	_ =	shalt  }
.Lfunc_end0:
.L_simem_size_0:
called_computation.4_lowered:
.L_overlay_start_0:
0x88: {  	s2 =	sld [smem:$0x3FD9]  }
0x89: {  	s3 =	sld [smem:$0x3FFE];
	_ =	sdelay $0x1  }
0x8a: {  	s1 =	srdreg.scid  }
0x8b: {  	s0 =	sand.u32 $0x1, s1  }
0x8c: {  	s17 =	sshll.u32 s0, $0xA;
	s2 =	sadd.s32 s3, s2  }
0x8d: {  	s2 =	sadd.s32 s2, s17  }
0x8e: {  	[smem:$0x3FC0] =	sst s2  }
0x8f: {  	_ = 	snop  }
0x90: {  	s2 =	sld [smem:$0x3FC7]  }
0x91: {  	s18 =	sld [smem:$0x3FD0];
	(tm) =	ssettm $0x1  }
0x92: {  	s4 =	sld [smem:$0x3FFB];
	_ =	sdelay $0x3  }
0x93: {  	_ =	strace s4  }
0x94: {  	s4 =	sld [smem:$0x3FFC];
	_ =	sdelay $0x3  }
0x95: {  	_ =	strace s4  }
0x96: {  	s4 =	sld [smem:$0x3FFD];
	_ =	sdelay $0x3  }
0x97: {  	_ =	strace s4  }
0x98: {  	_ =	strace $0x8FFFFFFF  }
0x99: {  	s19 =	sld [smem:$0x3FDB];
	_ =	sdelay $0x1  }
0x9a: {  	s5 =	simm.s32 $_scs_section_size  }
0x9b: {  	s6 =	simm.s32 $_size__tile_overlayer_lowered;
	s7 =	simm.s32 $_tile_overlayer_lowered  }
0x9c: {  	s22 =	simm.s32 $0x1BFF;
	s21 =	sshll.u32 s7, $0x1;
	s4 =	sadd.s32 s5, s19  }
0x9d: {  	s8 =	simm.s32 $0x0;
	s20 =	sshll.u32 s6, $0x1;
	s6 =	sadd.s32 s21, s4  }
0x9e: {  	[timem:s8], [sflag:s22] =	dma.local [hbm:s6], s20  }
0x9f: {  	_ =	swait.ge [sflag:s22], s20  }
0xa0: {  	s5 =	ssub.s32 $0x0, s20;
	[sflag:s22] =	ssyncset.done $0x0  }
0xa1: {  	[sflag:s22] =	ssyncadd.s32 s5;
	_ =	sdelay $0x1  }
0xa2: {  	s23 =	simm.s32 $0x1B8B  }
0xa3: {  	_ =	swait.ge [sflag:s23], $0x1  }
0xa4: {  	[sflag:s23] =	ssyncset.done $0x0  }
0xa5: {  	s25 =	simm.s32 $0x1B8E;
	s24 =	sld [smem:$0x3FFE];
	[sflag:s23] =	ssyncadd.s32 $0xFFFFFFFF  }
0xa6: {  	s26 =	simm.s32 $execute0_lowered;
	[smem:$0x3FD2] =	sst s25  }
0xa7: {  	s6 =	sshll.u32 s26, $0x1;
	_ =	strace $0x80000052;
	[dreg:$0x1] =	wrdreg $0xFFFFFFFF  }
0xa8: {  	s28 =	simm.s32 $_size_execute0_lowered;
	s4 =	sadd.s32 s4, s6;
	[dreg:$0x0] =	wrdreg $0x0  }
0xa9: {  	s6 =	sshll.u32 s28, $0x1;
	[dreg:$0x2] =	wrdreg s4  }
0xaa: {  	[dreg:$0x3] =	wrdreg s6  }
0xab: {  	[dreg:$0x4] =	wrdreg $0xC0  }
0xac: {  	_ =	task [dreg:s8], $0x5FFFF  }
0xad: {  	[dreg:$0x1] =	wrdreg $0xFFFFFFFF  }
0xae: {  	[dreg:$0x0] =	wrdreg $0x60  }
0xaf: {  	[dreg:$0x2] =	wrdreg s2  }
0xb0: {  	[dreg:$0x3] =	wrdreg s24  }
0xb1: {  	[dreg:$0x4] =	wrdreg s18  }
0xb2: {  	[dreg:$0x5] =	wrdreg $0x9  }
0xb3: {  	_ =	task.clear_ibuf [dreg:s8], $0x6FFFF;
	_ =	strace $0x90000052  }
0xb4: {  	s29 =	simm.s32 $0x9;
	_ =	strace $0x80000054  }
0xb5: {  	_ =	swait.ge [sflag:s29], $0x1  }
0xb6: {  	[sflag:s29] =	ssyncadd.s32 $0xFFFFFFFF  }
0xb7: {  	_ =	strace $0x90000054  }
0xb8: {  	_ =	sfence  }
0xb9: {  	s30 =	sld [smem:$0x0];
	_ =	sdelay $0x2  }
0xba: {  	s31 =	sshll.u32 s1, $0xD;
	s1 =	sshrl.u32 s1, $0x2  }
0xbb: {  	s3 =	sand.u32 $0x4000, s31;
	s1 =	sadd.s32 s1, s30  }
0xbc: {  	s0 =	sor.u32 s3, s0;
	s1 =	sshll.u32 s1, $0x11  }
0xbd: {  	s0 =	sor.u32 s1, s0  }
0xbe: {  	s0 =	sadd.s32 $0x8F2B, s0  }
0xbf: {  	[sflag:s0] =	ssyncadd.remote.s32 $0x1  }
0xc0: {  	_ =	sfence.sel $0xFFFF  }
0xc1: {  	[dreg:$0x0] =	wrdreg $0xFFFFFFFF;
	(pc) =	sbr.abs _section_cstart, $3  }
0xc2: {  	[dreg:$0x1] =	wrdreg $0xFFFFFFFF  }
0xc3: {  	_ =	task.clear_ibuf [dreg:s8], $0x2FFFF;
	_ =	strace $0x9FFFFFFF  }
0xc4: {  	(tm) =	ssettm $0x7FFFFFFF  }
0xc5: {  	_ =	shalt  }
tec
execute0_lowered:
.L_overlay_start_1:
0x0: {  	(tag) =	ssettag $0x1  }
0x1: {  	s1 =	srdreg.scid;
	s0 =	stileid.u32  }
0x2: {  	s2 =	rddreg [dreg:$0x0];
	s25 =	sand.u32 $0x1, s1;
	s31 =	sshll.u32 s0, $0x1  }
0x3: {  	s14 =	rddreg [dreg:$0x1];
	s28 =	sor.u32 s25, s31  }
0x4: {  	s26 =	rddreg [dreg:$0x2];
	s4 =	smul.u32 $0xFA, s28  }
0x5: {  	s3 =	simm.s32 $0x0;
	s1 =	rddreg [dreg:$0x3]  }
0x6: {  	[smem:$0x7FF] =	sst s3;
	s4 =	sadd.s32 s4, s14  }
0x7: {  	_ =	strace $0x80000053;
	s5 =	sadd.s32 $0x20CE00, s4;
	s4 =	simm.s32 $0x6  }
0x8: {  	[tilespmem:s3], [sflag:$0x6] =	stream.linear.gather [hbm4b:s5+s3], $0x7D0, $0x38;
	[tilespmem:$0x1B880] =	vst v63  }
0x9: {  	_ =	swait.ge [sflag:s4], $0x7D0  }
0xa: {  	s6 =	simm.s32 $0x190;
	[sflag:s4] =	ssyncset.done $0x0  }
0xb: {  	s7 =	simm.s32 $0x2880;
	s8 =	sshll.u32 s28, $0x3;
	[sflag:s4] =	ssyncadd.s32 $0xFFFFF830  }
0xc: {  	[tilespmem:s7], [sflag:$0x2] =	stream.indirect.gather [hbm4b:s2+s6], $0x80, s3, s6, $0xb8;
	[tilespmem:$0x1B880] =	vst v63  }
0xd: {  	s9 =	sadd.s32 s8, s14;
	s8 =	simm.s32 $0xF080  }
0xe: {  	[tilespmem:s8], [sflag:$0x3] =	stream.indirect.gather [hbm4b:s2+s6], $0x80, s6, s6, $0xb8;
	[tilespmem:$0x1B880] =	vst v63  }
0xf: {  	s10 =	simm.s32 $0x800;
	s9 =	sadd.s32 $0x4A00, s9  }
0x10: {  	[tilespmem:s10], [sflag:$0x6] =	stream.linear.gather [hbm4b:s9+s3], $0x40, $0x38;
	[tilespmem:$0x1B880] =	vst v63  }
0x11: {  	_ =	swait.ge [sflag:s4], $0x40  }
0x12: {  	s11 =	simm.s32 $0x40;
	[sflag:s4] =	ssyncset.done $0x0  }
0x13: {  	s12 =	simm.s32 $0x880;
	s13 =	simm.s32 $0x2;
	[sflag:s4] =	ssyncadd.s32 $0xFFFFFFC0  }
0x14: {  	[tilespmem:s12], [sflag:$0x1] =	stream.indirect.gather [hbm4b:s2+s11], $0x80, s10, s11, $0xb8;
	[tilespmem:$0x1B880] =	vst v63  }
0x15: {  	s15 =	smul.u32 $0x7D00, s28;
	_ =	swait.ge [sflag:s13], $0xC800  }
0x16: {  	s18 =	sadd.s32 $0x412E00, s14;
	[sflag:s13] =	ssyncset.done $0x0  }
0x17: {  	s14 =	sadd.s32 s18, s15;
	s15 =	simm.s32 $0x4;
	[sflag:s13] =	ssyncadd.s32 $0xFFFF3800  }
0x18: {  	[hbm4b:s14+s3] =	stream.linear.scatter [tilespmem:s7], [sflag:$0x4], $0xC800, $0x38;
	[tilespmem:$0x1B880] =	vst v63  }
0x19: {  	_ =	swait.ge [sflag:s15], $0xC800  }
0x1a: {  	s16 =	simm.s32 $0x320;
	[sflag:s15] =	ssyncset.done $0x0  }
0x1b: {  	s17 =	simm.s32 $0x3;
	s19 =	smul.u32 $0x3E800, s28;
	[sflag:s15] =	ssyncadd.s32 $0xFFFF3800  }
0x1c: {  	[tilespmem:s7], [sflag:$0x2] =	stream.indirect.gather [hbm4b:s2+s6], $0x80, s16, s6, $0xb8;
	[tilespmem:$0x1B880] =	vst v63  }
0x1d: {  	s19 =	sshrl.u32 s19, $0x3;
	_ =	swait.ge [sflag:s17], $0xC800  }
0x1e: {  	s24 =	sadd.s32 s18, s19;
	[sflag:s17] =	ssyncset.done $0x0  }
0x1f: {  	s19 =	simm.s32 $0x5;
	s18 =	sadd.s32 $0x1900, s24;
	[sflag:s17] =	ssyncadd.s32 $0xFFFF3800  }
0x20: {  	[hbm4b:s18+s3] =	stream.linear.scatter [tilespmem:s8], [sflag:$0x5], $0xC800, $0x38;
	[tilespmem:$0x1B880] =	vst v63  }
0x21: {  	_ =	swait.ge [sflag:s19], $0xC800  }
0x22: {  	[sflag:s19] =	ssyncset.done $0x0  }
0x23: {  	s20 =	simm.s32 $0x4B0;
	[sflag:s19] =	ssyncadd.s32 $0xFFFF3800  }
0x24: {  	[tilespmem:s8], [sflag:$0x3] =	stream.indirect.gather [hbm4b:s2+s6], $0x80, s20, s6, $0xb8;
	[tilespmem:$0x1B880] =	vst v63  }
0x25: {  	_ =	swait.ge [sflag:s13], $0xC800  }
0x26: {  	[sflag:s13] =	ssyncset.done $0x0  }
0x27: {  	s21 =	sadd.s32 $0x3200, s24;
	[sflag:s13] =	ssyncadd.s32 $0xFFFF3800  }
0x28: {  	[hbm4b:s21+s3] =	stream.linear.scatter [tilespmem:s7], [sflag:$0x4], $0xC800, $0x38;
	[tilespmem:$0x1B880] =	vst v63  }
0x29: {  	_ =	swait.ge [sflag:s15], $0xC800  }
0x2a: {  	[sflag:s15] =	ssyncset.done $0x0  }
0x2b: {  	s22 =	simm.s32 $0x640;
	[sflag:s15] =	ssyncadd.s32 $0xFFFF3800  }
0x2c: {  	[tilespmem:s7], [sflag:$0x2] =	stream.indirect.gather [hbm4b:s2+s6], $0x80, s22, s6, $0xb8;
	[tilespmem:$0x1B880] =	vst v63  }
0x2d: {  	_ =	swait.ge [sflag:s17], $0xC800  }
0x2e: {  	[sflag:s17] =	ssyncset.done $0x0  }
0x2f: {  	s23 =	sadd.s32 $0x4B00, s24;
	[sflag:s17] =	ssyncadd.s32 $0xFFFF3800  }
0x30: {  	[hbm4b:s23+s3] =	stream.linear.scatter [tilespmem:s8], [sflag:$0x5], $0xC800, $0x38;
	[tilespmem:$0x1B880] =	vst v63  }
0x31: {  	_ =	swait.ge [sflag:s13], $0xC800  }
0x32: {  	[sflag:s13] =	ssyncset.done $0x0  }
0x33: {  	s24 =	sadd.s32 $0x6400, s24;
	[sflag:s13] =	ssyncadd.s32 $0xFFFF3800  }
0x34: {  	[hbm4b:s24+s3] =	stream.linear.scatter [tilespmem:s7], [sflag:$0x4], $0xC800, $0x38;
	[tilespmem:$0x1B880] =	vst v63  }
0x35: {  	_ =	swait.ge [sflag:s15], $0xC800  }
0x36: {  	[sflag:s15] =	ssyncset.done $0x0  }
0x37: {  	s29 =	ssub.s32 $0x2, s25;
	[sflag:s15] =	ssyncadd.s32 $0xFFFF3800  }
0x38: {  	s25 =	simm.s32 $0x1;
	s30 =	sshrl.u32 s29, $0x1;
	_ =	swait.ge [sflag:s19], $0xC800  }
0x39: {  	s28 =	sshll.u32 s28, $0xA;
	s29 =	ssub.s32 s29, s30;
	[sflag:s19] =	ssyncset.done $0x0  }
0x3a: {  	s26 =	sadd.s32 s26, s28;
	s28 =	smax.u32 s29, $0x1;
	[sflag:s19] =	ssyncadd.s32 $0xFFFF3800  }
0x3b: {  	p0 =	sne.s32 s28, $0x1;
	_ =	swait.ge [sflag:s25], $0x2000  }
.Ltmp0:
0x3c: {  	[sflag:s25] =	ssyncset.done $0x0;
	(pc) =	sbr.rel @!p0 .LBB2_2-.Ltmp0, $4  }
0x3d: {  	[sflag:s25] =	ssyncadd.s32 $0xFFFFE000  }
0x3e: {  	[hbm4b:s26+s3] =	stream.linear.scatter [tilespmem:s12], [sflag:$0x6], $0x2000, $0x38;
	[tilespmem:$0x1B880] =	vst v63  }
0x3f: {  	_ =	swait.ge [sflag:s4], $0x2000  }
0x40: {  	s28 =	sadd.s32 $0xFFFFFFFF, s28;
	[sflag:s4] =	ssyncset.done $0x0  }
.LBB2_1:
0x41: {  	p0 =	sne.s32 s28, $0x1;
	s28 =	sadd.s32 $0xFFFFFFFF, s28;
	[sflag:s4] =	ssyncadd.s32 $0xFFFFE000  }
0x42: {  	[tilespmem:s3], [sflag:$0x6] =	stream.linear.gather [hbm4b:s5+s3], $0x7D0, $0x38;
	[tilespmem:$0x1B880] =	vst v63  }
0x43: {  	_ =	swait.ge [sflag:s4], $0x7D0  }
0x44: {  	[sflag:s4] =	ssyncset.done $0x0  }
0x45: {  	[sflag:s4] =	ssyncadd.s32 $0xFFFFF830  }
0x46: {  	[tilespmem:s7], [sflag:$0x2] =	stream.indirect.gather [hbm4b:s2+s6], $0x80, s3, s6, $0xb8;
	[tilespmem:$0x1B880] =	vst v63  }
0x47: {  	_ = 	snop  }
0x48: {  	[tilespmem:s8], [sflag:$0x3] =	stream.indirect.gather [hbm4b:s2+s6], $0x80, s6, s6, $0xb8;
	[tilespmem:$0x1B880] =	vst v63  }
0x49: {  	_ = 	snop  }
0x4a: {  	[tilespmem:s10], [sflag:$0x6] =	stream.linear.gather [hbm4b:s9+s3], $0x40, $0x38;
	[tilespmem:$0x1B880] =	vst v63  }
0x4b: {  	_ =	swait.ge [sflag:s4], $0x40  }
0x4c: {  	[sflag:s4] =	ssyncset.done $0x0  }
0x4d: {  	[sflag:s4] =	ssyncadd.s32 $0xFFFFFFC0  }
0x4e: {  	[tilespmem:s12], [sflag:$0x1] =	stream.indirect.gather [hbm4b:s2+s11], $0x80, s10, s11, $0xb8;
	[tilespmem:$0x1B880] =	vst v63  }
0x4f: {  	_ =	swait.ge [sflag:s13], $0xC800  }
0x50: {  	[sflag:s13] =	ssyncset.done $0x0  }
0x51: {  	[sflag:s13] =	ssyncadd.s32 $0xFFFF3800  }
0x52: {  	[hbm4b:s14+s3] =	stream.linear.scatter [tilespmem:s7], [sflag:$0x4], $0xC800, $0x38;
	[tilespmem:$0x1B880] =	vst v63  }
0x53: {  	_ =	swait.ge [sflag:s15], $0xC800  }
0x54: {  	[sflag:s15] =	ssyncset.done $0x0  }
0x55: {  	[sflag:s15] =	ssyncadd.s32 $0xFFFF3800  }
0x56: {  	[tilespmem:s7], [sflag:$0x2] =	stream.indirect.gather [hbm4b:s2+s6], $0x80, s16, s6, $0xb8;
	[tilespmem:$0x1B880] =	vst v63  }
0x57: {  	_ =	swait.ge [sflag:s17], $0xC800  }
0x58: {  	[sflag:s17] =	ssyncset.done $0x0  }
0x59: {  	[sflag:s17] =	ssyncadd.s32 $0xFFFF3800  }
0x5a: {  	[hbm4b:s18+s3] =	stream.linear.scatter [tilespmem:s8], [sflag:$0x5], $0xC800, $0x38;
	[tilespmem:$0x1B880] =	vst v63  }
0x5b: {  	_ =	swait.ge [sflag:s19], $0xC800  }
0x5c: {  	[sflag:s19] =	ssyncset.done $0x0  }
0x5d: {  	[sflag:s19] =	ssyncadd.s32 $0xFFFF3800  }
0x5e: {  	[tilespmem:s8], [sflag:$0x3] =	stream.indirect.gather [hbm4b:s2+s6], $0x80, s20, s6, $0xb8;
	[tilespmem:$0x1B880] =	vst v63  }
0x5f: {  	_ =	swait.ge [sflag:s13], $0xC800  }
0x60: {  	[sflag:s13] =	ssyncset.done $0x0  }
0x61: {  	[sflag:s13] =	ssyncadd.s32 $0xFFFF3800  }
0x62: {  	[hbm4b:s21+s3] =	stream.linear.scatter [tilespmem:s7], [sflag:$0x4], $0xC800, $0x38;
	[tilespmem:$0x1B880] =	vst v63  }
0x63: {  	_ =	swait.ge [sflag:s15], $0xC800  }
0x64: {  	[sflag:s15] =	ssyncset.done $0x0  }
0x65: {  	[sflag:s15] =	ssyncadd.s32 $0xFFFF3800  }
0x66: {  	[tilespmem:s7], [sflag:$0x2] =	stream.indirect.gather [hbm4b:s2+s6], $0x80, s22, s6, $0xb8;
	[tilespmem:$0x1B880] =	vst v63  }
0x67: {  	_ =	swait.ge [sflag:s17], $0xC800  }
0x68: {  	[sflag:s17] =	ssyncset.done $0x0  }
0x69: {  	[sflag:s17] =	ssyncadd.s32 $0xFFFF3800  }
0x6a: {  	[hbm4b:s23+s3] =	stream.linear.scatter [tilespmem:s8], [sflag:$0x5], $0xC800, $0x38;
	[tilespmem:$0x1B880] =	vst v63  }
0x6b: {  	_ =	swait.ge [sflag:s13], $0xC800  }
0x6c: {  	[sflag:s13] =	ssyncset.done $0x0  }
0x6d: {  	[sflag:s13] =	ssyncadd.s32 $0xFFFF3800  }
0x6e: {  	[hbm4b:s24+s3] =	stream.linear.scatter [tilespmem:s7], [sflag:$0x4], $0xC800, $0x38;
	[tilespmem:$0x1B880] =	vst v63  }
0x6f: {  	_ =	swait.ge [sflag:s15], $0xC800  }
0x70: {  	[sflag:s15] =	ssyncset.done $0x0  }
0x71: {  	[sflag:s15] =	ssyncadd.s32 $0xFFFF3800  }
0x72: {  	_ =	swait.ge [sflag:s19], $0xC800  }
0x73: {  	[sflag:s19] =	ssyncset.done $0x0  }
0x74: {  	[sflag:s19] =	ssyncadd.s32 $0xFFFF3800  }
0x75: {  	_ =	swait.ge [sflag:s25], $0x2000  }
.Ltmp1:
0x76: {  	[sflag:s25] =	ssyncset.done $0x0;
	(pc) =	sbr.rel @p0 .LBB2_1-.Ltmp1, $4  }
0x77: {  	[sflag:s25] =	ssyncadd.s32 $0xFFFFE000  }
0x78: {  	[hbm4b:s26+s3] =	stream.linear.scatter [tilespmem:s12], [sflag:$0x6], $0x2000, $0x38;
	[tilespmem:$0x1B880] =	vst v63  }
0x79: {  	_ =	swait.ge [sflag:s4], $0x2000  }
0x7a: {  	[sflag:s4] =	ssyncset.done $0x0  }
.LBB2_2:
0x7b: {  	[sflag:s4] =	ssyncadd.s32 $0xFFFFE000  }
0x7c: {  	_ =	sfence.sel $0x180000  }
0x7d: {  	[bflag:$0x0] =	sbarrier.arrive $0xFFFF  }
0x7e: {  	p0 =	sne.s32 s0, $0x0;
	_ =	strace $0x90000053  }
0x7f: {  	s0 =	sadd.s32 @!p0 $0x100000, s1;
	[bflag:$0x2] =	sbarrier.arrive $0xFFFF  }
0x80: {  	[sflag:s0] =	ssyncadd.tile.s32 @!p0 $0x1;
	_ =	shalt  }
.Lfunc_end2:
_tile_overlayer_lowered:
.L_overlay_start_2:
0x81: {  	(tag) =	ssettag $0x2  }
0x82: {  	s0 =	rddreg [dreg:$0x0];
	s2 =	stileid.u32  }
0x83: {  	s1 =	rddreg [dreg:$0x1];
	p0 =	sne.s32 s2, $0x0  }
0x84: {  	s3 =	rddreg [dreg:$0x2];
	[bflag:$0x3] =	sbarrier.arrive $0xFFFF;
	s2 =	simm.s32 @!p0 $0x1C06  }
0x85: {  	[timem:s3], [sflag:s2] =	dma.local @!p0 [hbm:s0], s1  }
0x86: {  	s0 =	simm.s32 @!p0 $0x6  }
0x87: {  	_ =	swait.ge @!p0 [sflag:s0], s1  }
0x88: {  	s1 =	ssub.s32 @!p0 $0x0, s1;
	[sflag:s0] =	ssyncset.done @!p0 $0x0  }
0x89: {  	[sflag:s0] =	ssyncadd.s32 @!p0 s1  }
0x8a: {  	[bflag:$0x3] =	sbarrier.arrive $0xFFFF  }
0x8b: {  	_ =	shalt  }

</sc_bundles>
